<compile_context>
chip_gen: v7x
topology: tpu7x:2x2x1
jax: 0.10.2.dev20260603
libtpu: 0.0.44.dev20260713+nightly
codegen_flags: <defaults>
</compile_context>

<pallas_src>
import functools
import jax
import jax.numpy as jnp
from jax import lax
from jax.experimental import pallas as pl
from jax.experimental.pallas import tpu as pltpu
from jax.experimental.pallas import tpu_sc as plsc

N = 10000
NP = 10240
E = 160000
NC = 2
NS = 16
NW = NC * NS
CH = 128
N_CHUNKS = E // CH
ITERS = (N_CHUNKS + NW - 1) // NW
ROWS_PER_TILE = NP // NS
NPF = 10112
RPTF = NPF // NS
BE = 2000
GE = E // BE

_sc_mesh = plsc.VectorSubcoreMesh(core_axis_name="c", subcore_axis_name="s")
_GATHER_DNUMS = lax.GatherDimensionNumbers(
    offset_dims=(), collapsed_slice_dims=(0,), start_index_map=(0,))


def _make_gather2(da, db):

    @functools.partial(
        pl.kernel,
        out_type=(
            jax.ShapeDtypeStruct((E, da), jnp.float32),
            jax.ShapeDtypeStruct((E, db), jnp.float32),
        ),
        mesh=_sc_mesh,
        scratch_types=[
            pltpu.VMEM((ITERS * CH,), jnp.int32),
            pltpu.VMEM((ITERS * CH,), jnp.int32),
            pltpu.VMEM((2, CH, da), jnp.float32),
            pltpu.VMEM((2, CH, db), jnp.float32),
            pltpu.SemaphoreType.DMA,
            pltpu.SemaphoreType.DMA,
            pltpu.SemaphoreType.DMA,
            pltpu.SemaphoreType.DMA,
        ],
    )
    def gather2(table_a, idx_a, table_b, idx_b, out_a, out_b,
                ia_s, ib_s, ra_v, rb_v, sa0, sb0, sa1, sb1):
        wid = lax.axis_index("s") * NC + lax.axis_index("c")
        c0 = wid * ITERS
        cnt = jnp.minimum(ITERS, N_CHUNKS - c0)
        sems = ((sa0, sb0), (sa1, sb1))
        pltpu.sync_copy(idx_a.at[pl.ds(c0 * CH, ITERS * CH)], ia_s)
        pltpu.sync_copy(idx_b.at[pl.ds(c0 * CH, ITERS * CH)], ib_s)

        def body(jo):
            for t in range(2):
                k = 2 * jo + t

                @pl.when(k < cnt)
                def _(k=k, t=t):
                    pltpu.async_copy(table_a.at[ia_s.at[pl.ds(k * CH, CH)]],
                                     ra_v.at[t], sems[t][0])
                    pltpu.async_copy(table_b.at[ib_s.at[pl.ds(k * CH, CH)]],
                                     rb_v.at[t], sems[t][1])

            for t in range(2):
                k = 2 * jo + t

                @pl.when(k < cnt)
                def _(k=k, t=t):
                    base = (c0 + k) * CH
                    pltpu.make_async_copy(table_a.at[ia_s.at[pl.ds(k * CH, CH)]],
                                          ra_v.at[t], sems[t][0]).wait()
                    pltpu.make_async_copy(table_b.at[ib_s.at[pl.ds(k * CH, CH)]],
                                          rb_v.at[t], sems[t][1]).wait()
                    pltpu.sync_copy(ra_v.at[t], out_a.at[pl.ds(base, CH)])
                    pltpu.sync_copy(rb_v.at[t], out_b.at[pl.ds(base, CH)])

        pl.loop(0, (ITERS + 1) // 2)(body)

    return gather2


def _make_scatter_add(d):

    @functools.partial(
        pl.kernel,
        out_type=jax.ShapeDtypeStruct((NC, NP, d), jnp.float32),
        mesh=_sc_mesh,
        scratch_types=[
            pltpu.VMEM((ITERS * CH,), jnp.int32),
            pltpu.VMEM((2, CH, d), jnp.float32),
            pltpu.VMEM_SHARED((NP, d), jnp.float32),
            pltpu.SemaphoreType.DMA,
            pltpu.SemaphoreType.DMA,
        ],
    )
    def scatter_add(vals, idx, zeros, out, idx_s, vals_v, accum, sv0, sv1):
        cid = lax.axis_index("c")
        sid = lax.axis_index("s")
        wid = sid * NC + cid
        c0 = wid * ITERS
        cnt = jnp.minimum(ITERS, N_CHUNKS - c0)
        row0 = sid * ROWS_PER_TILE
        sems = (sv0, sv1)
        pltpu.sync_copy(zeros, accum.at[pl.ds(row0, ROWS_PER_TILE)])
        pltpu.sync_copy(idx.at[pl.ds(c0 * CH, ITERS * CH)], idx_s)
        plsc.subcore_barrier()

        def body(jo):
            for t in range(2):
                k = 2 * jo + t

                @pl.when(k < cnt)
                def _(k=k, t=t):
                    pltpu.async_copy(vals.at[pl.ds((c0 + k) * CH, CH)],
                                     vals_v.at[t], sems[t])

            for t in range(2):
                k = 2 * jo + t

                @pl.when(k < cnt)
                def _(k=k, t=t):
                    pltpu.make_async_copy(vals.at[pl.ds((c0 + k) * CH, CH)],
                                          vals_v.at[t], sems[t]).wait()
                    pltpu.sync_copy(vals_v.at[t],
                                    accum.at[idx_s.at[pl.ds(k * CH, CH)]],
                                    add=True)

        pl.loop(0, (ITERS + 1) // 2)(body)
        plsc.subcore_barrier()
        pltpu.sync_copy(accum.at[pl.ds(row0, ROWS_PER_TILE)],
                        out.at[cid, pl.ds(row0, ROWS_PER_TILE)])

    return scatter_add


def _pack_bf16_words(lo, hi):
    bl = jax.lax.bitcast_convert_type(lo, jnp.uint32)
    bh = jax.lax.bitcast_convert_type(hi, jnp.uint32)
    bl = (bl + jnp.uint32(0x8000)) >> 16
    bh = (bh + jnp.uint32(0x8000)) & jnp.uint32(0xFFFF0000)
    return jax.lax.bitcast_convert_type(bh | bl, jnp.float32)


def _unpack_bf16_words(w):
    b = jax.lax.bitcast_convert_type(w, jnp.uint32)
    lo = jax.lax.bitcast_convert_type(b << 16, jnp.float32)
    hi = jax.lax.bitcast_convert_type(b & jnp.uint32(0xFFFF0000), jnp.float32)
    return lo, hi


def _mmb(a, b):
    return jax.lax.dot_general(a.astype(jnp.bfloat16), b.astype(jnp.bfloat16),
                               (((1,), (0,)), ((), ())),
                               preferred_element_type=jnp.float32)



def _fused_layer1():

    CHF = 64
    NCF = E // CHF
    ITF = (NCF + NW - 1) // NW

    @functools.partial(
        pl.kernel,
        out_type=jax.ShapeDtypeStruct((NC, NPF, 128), jnp.float32),
        mesh=_sc_mesh,
        scratch_types=[
            pltpu.VMEM((2, CHF), jnp.int32),
            pltpu.VMEM((2, CHF), jnp.int32),
            pltpu.VMEM((2, CHF, 128), jnp.float32),
            pltpu.VMEM((2, CHF, 128), jnp.float32),
            pltpu.VMEM((CHF, 64), jnp.float32),
            pltpu.VMEM((CHF, 128), jnp.float32),
            pltpu.VMEM((64,), jnp.float32),
            pltpu.VMEM((64,), jnp.float32),
            pltpu.VMEM_SHARED((NPF, 128), jnp.float32),
            pltpu.SemaphoreType.DMA,
            pltpu.SemaphoreType.DMA,
            pltpu.SemaphoreType.DMA,
            pltpu.SemaphoreType.DMA,
        ],
    )
    def fused1(tsrc, idx_src, tdst, idx_dst, ew, attn_h, zeros, out,
               ia_v, ib_v, ra_v, rb_v, we_v, pay_v, attn_v, attn01_v, accum,
               sa0, sb0, sa1, sb1):
        cid = lax.axis_index("c")
        sid = lax.axis_index("s")
        wid = sid * NC + cid
        c0 = wid * ITF
        cnt = jnp.minimum(ITF, NCF - c0)
        row0 = sid * RPTF
        sems = ((sa0, sb0), (sa1, sb1))
        pltpu.sync_copy(zeros, accum.at[pl.ds(row0, RPTF)])
        pltpu.sync_copy(attn_h, attn_v)
        for d in range(4):
            attn01_v[pl.ds(d * 16, 16)] = attn_v[pl.ds(d * 16, 16)] * 0.01

        def zrow(r):
            for cc in range(8):
                pay_v[r, pl.ds(cc * 16, 16)] = jnp.zeros((16,), jnp.float32)

        pl.loop(0, CHF)(zrow)
        plsc.subcore_barrier()

        def body(jo):
            for t in range(2):
                k = 2 * jo + t

                @pl.when(k < cnt)
                def _(k=k, t=t):
                    base = (c0 + k) * CHF
                    pltpu.sync_copy(idx_src.at[pl.ds(base, CHF)], ia_v.at[t])
                    pltpu.sync_copy(idx_dst.at[pl.ds(base, CHF)], ib_v.at[t])
                    pltpu.async_copy(tsrc.at[ia_v.at[t]], ra_v.at[t],
                                     sems[t][0])
                    pltpu.async_copy(tdst.at[ib_v.at[t]], rb_v.at[t],
                                     sems[t][1])

            for t in range(2):
                k = 2 * jo + t

                @pl.when(k < cnt)
                def _(k=k, t=t):
                    base = (c0 + k) * CHF
                    pltpu.sync_copy(ew.at[pl.ds(base, CHF)], we_v)
                    pltpu.make_async_copy(tsrc.at[ia_v.at[t]], ra_v.at[t],
                                          sems[t][0]).wait()
                    pltpu.make_async_copy(tdst.at[ib_v.at[t]], rb_v.at[t],
                                          sems[t][1]).wait()

                    def edge(e):
                        psum = jnp.zeros((16,), jnp.float32)
                        for d in range(4):
                            v = (ra_v[t, e, pl.ds(d * 16, 16)]
                                 + rb_v[t, e, pl.ds(d * 16, 16)]
                                 + we_v[e, pl.ds(d * 16, 16)])
                            a = jnp.where(v >= 0, attn_v[pl.ds(d * 16, 16)],
                                          attn01_v[pl.ds(d * 16, 16)])
                            psum = psum + v * a
                        s = psum
                        for k in (8, 4, 2, 1):
                            perm = (lax.iota(jnp.int32, 16) + k) & 15
                            s = s + lax.gather(
                                s, perm[:, None], _GATHER_DNUMS,
                                slice_sizes=(1,),
                                mode=lax.GatherScatterMode.PROMISE_IN_BOUNDS)
                        exv = jnp.exp(s)
                        for d in range(4):
                            pay_v[e, pl.ds(d * 16, 16)] = (
                                exv * ra_v[t, e, pl.ds(64 + d * 16, 16)])
                        is0 = lax.iota(jnp.int32, 16) == 0
                        pay_v[e, pl.ds(64, 16)] = jnp.where(is0, exv, 0.0)

                    pl.loop(0, CHF)(edge)
                    pltpu.sync_copy(pay_v, accum.at[ib_v.at[t]], add=True)

        pl.loop(0, (ITF + 1) // 2)(body)
        plsc.subcore_barrier()
        pltpu.sync_copy(accum.at[pl.ds(row0, RPTF)],
                        out.at[cid, pl.ds(row0, RPTF)])

    return fused1


def _leaky_relu(x):
    return jnp.where(x >= 0, x, 0.01 * x)


def _mm(a, b):
    return jax.lax.dot_general(a, b, (((1,), (0,)), ((), ())),
                               preferred_element_type=jnp.float32)



def _tc_node0(ff_ref, wfp, bfp, wni, wnj, wnode, tsrc, tdst):
    ff = ff_ref[...]
    h0 = _mm(ff, wfp[...]) + bfp[...]
    hi = _mm(h0, wni[...])
    hm = _mm(h0, wnode[...])
    z = jnp.zeros((NP, 32), jnp.float32)
    lo = jnp.concatenate([ff, hi, z], axis=1)
    hi2 = jnp.concatenate([hm, z, z], axis=1)
    tsrc[...] = _pack_bf16_words(lo, hi2)
    tdst[...] = jnp.concatenate([_mm(h0, wnj[...]), z, z], axis=1)


def _tc_edge0(g0a, g0b, ef_ref, wep, bep, wfij0, be0, attn0, wfij1, be1,
              wef2, bmat, rmask, tmask, v0, ew1):
    lo, hi2 = _unpack_bf16_words(g0a[...])
    gff = lo[:, 0:32]
    ghi = lo[:, 32:96]
    ghm = hi2[:, 0:64]
    ef = ef_ref[...]
    wc0 = _mm(wep[...], wfij0[...])
    bc0 = _mm(bep[...], wfij0[...]) + be0[...]
    ew0 = _mmb(ef, wc0) + bc0
    f0 = _leaky_relu(ghi + g0b[:, 0:64] + ew0)
    ex = jnp.exp(jnp.sum(f0 * attn0[...], axis=1, keepdims=True))
    ew1[...] = _mmb(f0, wfij1[...]) + be1[...]
    x = _mmb(ef, rmask[...]) * _mmb(gff, tmask[...])
    msg = _mmb(x, wef2[...]) + _mmb(gff, bmat[...])
    ci = lax.broadcasted_iota(jnp.int32, (BE, 32), 1)
    exdeg = jnp.where(ci == 0, ex, jnp.where(ci == 1, 1.0, 0.0))
    v0[...] = jnp.concatenate([ex * ghm, msg, exdeg], axis=1)


def _tc_node1(p0, bnn, wni, wnj, wnode, tsrc, tdst, ef_out):
    acc = p0[0] + p0[1]
    den = acc[:, 96:97]
    deg = acc[:, 97:98]
    h1 = acc[:, 0:64] / (den + 1e-16)
    ef_out[...] = acc[:, 64:96] / jnp.maximum(deg, 1.0) + bnn[...]
    hi = _mm(h1, wni[...])
    hm = _mm(h1, wnode[...])
    tsrc[...] = jnp.concatenate([hi, hm], axis=1)
    tdst[...] = jnp.concatenate([_mm(h1, wnj[...]),
                                 jnp.zeros((NP, 64), jnp.float32)], axis=1)


def _tc_edge1(g1a, g1b, ew1, attn1, v1):
    ghi = g1a[:, 0:64]
    ghm = g1a[:, 64:128]
    f1 = _leaky_relu(ghi + g1b[:, 0:64] + ew1[...])
    ex = jnp.exp(jnp.sum(f1 * attn1[...], axis=1, keepdims=True))
    ci = lax.broadcasted_iota(jnp.int32, (BE, 64), 1)
    exz = jnp.where(ci == 0, ex, 0.0)
    v1[...] = jnp.concatenate([ex * ghm, exz], axis=1)


def _tc_final(p1, ef_in, wgate, bgate, nf_out, gf_out):
    acc = p1[0, 0:N] + p1[1, 0:N]
    gf_nodes = acc[:, 0:64] / (acc[:, 64:65] + 1e-16)
    nf = jnp.concatenate([gf_nodes, ef_in[0:N],
                          jnp.zeros((N, 32), jnp.float32)], axis=1)
    g = _mm(nf, wgate[...]) + bgate[...]
    m = jnp.max(g)
    p = jnp.exp(g - m)
    gate = p / jnp.sum(p)
    nf_out[...] = nf
    gf_out[...] = jnp.sum(gate * nf, axis=0, keepdims=True)


def _full(shape):
    return pl.BlockSpec(shape, lambda *_: tuple(0 for _ in shape))


def kernel(face_features, edge_features, edge_index, W_fp, b_fp, W_ep, b_ep,
           W_ni_0, W_fij_0, W_nj_0, attn_0, be_0, W_node_0,
           W_ni_1, W_fij_1, W_nj_1, attn_1, be_1, W_node_1,
           W_ef, b_ef, b_nn, W_gate, b_gate):
    pade = NW * ITERS * CH
    src = jnp.pad(edge_index[0], (0, pade - E))
    dst = jnp.pad(edge_index[1], (0, pade - E))
    f32 = jnp.float32
    ffp = jnp.pad(face_features, ((0, NP - N), (0, 0)))

    tsrc0, tdst0 = pl.pallas_call(
        _tc_node0,
        out_shape=(jax.ShapeDtypeStruct((NP, 128), f32),
                   jax.ShapeDtypeStruct((NP, 128), f32)),
    )(ffp, W_fp, b_fp.reshape(1, 64), W_ni_0, W_nj_0, W_node_0)

    g0a, g0b = _make_gather2(128, 128)(tsrc0, src, tdst0, dst)

    wef2 = W_ef.reshape(16, 32, 32).reshape(512, 32)
    bmat = b_ef.reshape(32, 32)
    v0_call = pl.pallas_call(
        _tc_edge0,
        grid=(GE,),
        in_specs=[
            pl.BlockSpec((BE, 128), lambda i: (i, 0)),
            pl.BlockSpec((BE, 128), lambda i: (i, 0)),
            pl.BlockSpec((BE, 16), lambda i: (i, 0)),
            _full((16, 64)), _full((1, 64)), _full((64, 64)), _full((1, 64)),
            _full((1, 64)), _full((64, 64)), _full((1, 64)),
            _full((512, 32)), _full((32, 32)),
            _full((16, 512)), _full((32, 512)),
        ],
        out_specs=(pl.BlockSpec((BE, 128), lambda i: (i, 0)),
                   pl.BlockSpec((BE, 64), lambda i: (i, 0))),
        out_shape=(jax.ShapeDtypeStruct((E, 128), f32),
                   jax.ShapeDtypeStruct((E, 64), f32)),
    )
    rmask = jnp.kron(jnp.eye(16, dtype=f32), jnp.ones((1, 32), f32))
    tmask = jnp.tile(jnp.eye(32, dtype=f32), (1, 16))
    v0, ew1 = v0_call(g0a, g0b, edge_features, W_ep, b_ep.reshape(1, 64),
                      W_fij_0, be_0.reshape(1, 64), attn_0.reshape(1, 64),
                      W_fij_1, be_1.reshape(1, 64), wef2, bmat, rmask, tmask)

    zeros = jnp.zeros((ROWS_PER_TILE, 128), f32)
    p0 = _make_scatter_add(128)(v0, dst, zeros)

    tsrc1, tdst1, ef_nodes = pl.pallas_call(
        _tc_node1,
        out_shape=(jax.ShapeDtypeStruct((NP, 128), f32),
                   jax.ShapeDtypeStruct((NP, 128), f32),
                   jax.ShapeDtypeStruct((NP, 32), f32)),
    )(p0, b_nn.reshape(1, 32), W_ni_1, W_nj_1, W_node_1)

    zeros_f = jnp.zeros((RPTF, 128), f32)
    p1 = _fused_layer1()(tsrc1, src, tdst1, dst, ew1, attn_1, zeros_f)

    nf, gf = pl.pallas_call(
        _tc_final,
        out_shape=(jax.ShapeDtypeStruct((N, 128), f32),
                   jax.ShapeDtypeStruct((1, 128), f32)),
    )(p1, ef_nodes, W_gate, b_gate.reshape(1, 1))

    return nf, gf

# --- scband reference (transcript-rebuilt; emitter-appended) ---
"""Pipeline reference for scband-uvnet-graph-encoder-86517821216288 (READ-ONLY COPY).

The authoritative reference and input builder live on the scoring server;
editing this copy changes nothing except your own understanding.
"""

import jax, jax.numpy as jnp
import numpy as np

N = 10000
E = 160000
FACE_DIM = 32
EDGE_DIM = 16
GF = 64
EF_DIM = 32
FF_DIM = 32
TOTAL = 128

def setup_inputs(seed: int = 0):
    key = jax.random.key(seed)
    ks = jax.random.split(key, 40)
    s = 0.1
    d = {}
    d['face_features'] = jax.random.normal(ks[0], (N, FACE_DIM), dtype=jnp.float32)
    d['edge_features'] = jax.random.normal(ks[1], (E, EDGE_DIM), dtype=jnp.float32)
    d['edge_index'] = jax.random.randint(ks[2], (2, E), 0, N, dtype=jnp.int32)
    d['W_fp'] = jax.random.normal(ks[3], (FACE_DIM, GF), dtype=jnp.float32) * s
    d['b_fp'] = jax.random.normal(ks[4], (GF,), dtype=jnp.float32) * s
    d['W_ep'] = jax.random.normal(ks[5], (EDGE_DIM, GF), dtype=jnp.float32) * s
    d['b_ep'] = jax.random.normal(ks[6], (GF,), dtype=jnp.float32) * s
    i = 7
    for l in range(2):
        for nm, shp in [('W_ni', (GF, GF)), ('W_fij', (GF, GF)), ('W_nj', (GF, GF)), ('attn', (GF,)), ('be', (GF,)), ('W_node', (GF, GF))]:
            d[nm + '_' + str(l)] = jax.random.normal(ks[i], shp, dtype=jnp.float32) * s
            i += 1
    d['W_ef'] = jax.random.normal(ks[i], (EDGE_DIM, FACE_DIM * EF_DIM), dtype=jnp.float32) * s; i += 1
    d['b_ef'] = jax.random.normal(ks[i], (FACE_DIM * EF_DIM,), dtype=jnp.float32) * s; i += 1
    d['b_nn'] = jax.random.normal(ks[i], (EF_DIM,), dtype=jnp.float32) * s; i += 1
    d['W_gate'] = jax.random.normal(ks[i], (TOTAL, 1), dtype=jnp.float32) * s; i += 1
    d['b_gate'] = jax.random.normal(ks[i], (1,), dtype=jnp.float32) * s
    return d

def _segment_softmax(logits, seg, num_segments):
    m = jax.ops.segment_max(logits, seg, num_segments=num_segments)
    m = jnp.where(jnp.isfinite(m), m, 0.0)
    ex = jnp.exp(logits - m[seg])
    den = jax.ops.segment_sum(ex, seg, num_segments=num_segments)
    return ex / (den[seg] + 1e-16)

def _egat(h, ef, src, dst, W_ni, W_fij, W_nj, attn, be, W_node):
    # DGL EGATConv, num_heads=1
    f_out = (h @ W_ni)[src] + (h @ W_nj)[dst] + ef @ W_fij + be
    f_out = jax.nn.leaky_relu(f_out, negative_slope=0.01)
    logits = jnp.sum(f_out * attn, axis=-1)
    a = _segment_softmax(logits, dst, h.shape[0])
    msg = (h @ W_node)[src] * a[:, None]
    h_out = jax.ops.segment_sum(msg, dst, num_segments=h.shape[0])
    return h_out, f_out

def reference(face_features, edge_features, edge_index, W_fp, b_fp, W_ep, b_ep, W_ni_0, W_fij_0, W_nj_0, attn_0, be_0, W_node_0, W_ni_1, W_fij_1, W_nj_1, attn_1, be_1, W_node_1, W_ef, b_ef, b_nn, W_gate, b_gate):
    src = edge_index[0]
    dst = edge_index[1]
    n = face_features.shape[0]
    # Gf branch: face_proj/edge_proj + 2x EGATConv
    h = face_features @ W_fp + b_fp
    e = edge_features @ W_ep + b_ep
    h, e = _egat(h, e, src, dst, W_ni_0, W_fij_0, W_nj_0, attn_0, be_0, W_node_0)
    h, e = _egat(h, e, src, dst, W_ni_1, W_fij_1, W_nj_1, attn_1, be_1, W_node_1)
    Gf = h
    # Ef branch: DGL NNConv, aggregator mean. msg_e = f_src (outer) w_e; mean over in-edges; sum over in-dim.
    # sum over in-dim commutes with mean over edges, so use einsum per edge.
    w = (edge_features @ W_ef + b_ef).reshape(-1, FACE_DIM, EF_DIM)
    msg = jnp.einsum('ei,eio->eo', face_features[src], w)
    agg = jax.ops.segment_sum(msg, dst, num_segments=n)
    deg = jax.ops.segment_sum(jnp.ones((E,), jnp.float32), dst, num_segments=n)
    Ef = agg / jnp.maximum(deg, 1.0)[:, None] + b_nn
    # Ff branch: face_point_features is None -> zeros
    Ff = jnp.zeros((n, FF_DIM), jnp.float32)
    node_features = jnp.concatenate([Gf, Ef, Ff], axis=-1)
    # DGL GlobalAttentionPooling over a single graph
    gate = jax.nn.softmax(node_features @ W_gate + b_gate, axis=0)
    graph_feat = jnp.sum(gate * node_features, axis=0, keepdims=True)
    return node_features, graph_feat

if __name__ == "__main__":
    import jax
    _d = setup_inputs()
    print(jax.jit(kernel)(*tuple(_d.values())))

</pallas_src>

<mosaic_0001>
#map = affine_map<(d0, d1) -> (0, 0)>
#map1 = affine_map<(d0, d1) -> (0)>
#map2 = affine_map<(d0, d1) -> (0, 0, 0)>
module attributes {stable_mosaic.version = 14 : i64} {
  func.func @fused1(%arg0: i32, %arg1: i32, %arg2: memref<10240x128xf32, #tpu.memory_space<hbm>>, %arg3: memref<163840xi32, #tpu.memory_space<hbm>>, %arg4: memref<10240x128xf32, #tpu.memory_space<hbm>>, %arg5: memref<163840xi32, #tpu.memory_space<hbm>>, %arg6: memref<160000x64xf32, #tpu.memory_space<hbm>>, %arg7: memref<64xf32, #tpu.memory_space<hbm>>, %arg8: memref<632x128xf32, #tpu.memory_space<hbm>>, %arg9: memref<2x10112x128xf32, #tpu.memory_space<hbm>>, %arg10: memref<2x64xi32, #tpu.memory_space<vmem>>, %arg11: memref<2x64xi32, #tpu.memory_space<vmem>>, %arg12: memref<2x64x128xf32, #tpu.memory_space<vmem>>, %arg13: memref<2x64x128xf32, #tpu.memory_space<vmem>>, %arg14: memref<64x64xf32, #tpu.memory_space<vmem>>, %arg15: memref<64x128xf32, #tpu.memory_space<vmem>>, %arg16: memref<64xf32, #tpu.memory_space<vmem>>, %arg17: memref<64xf32, #tpu.memory_space<vmem>>, %arg18: memref<10112x128xf32, #tpu.memory_space<vmem_shared>>, %arg19: memref<!tpu.dma_semaphore, #tpu.memory_space<semaphore_mem>>, %arg20: memref<!tpu.dma_semaphore, #tpu.memory_space<semaphore_mem>>, %arg21: memref<!tpu.dma_semaphore, #tpu.memory_space<semaphore_mem>>, %arg22: memref<!tpu.dma_semaphore, #tpu.memory_space<semaphore_mem>>) attributes {dimension_semantics = [#tpu.dimension_semantics<core_parallel>, #tpu.dimension_semantics<subcore_parallel>], iteration_bounds = array<i64: 2, 16>, scalar_prefetch = 0 : i64, scratch_operands = 13 : i64, tpu.core_type = #tpu.core_type<sc_vector_subcore>, window_params = [{transform_indices = #map}, {transform_indices = #map1}, {transform_indices = #map}, {transform_indices = #map1}, {transform_indices = #map}, {transform_indices = #map1}, {transform_indices = #map}, {transform_indices = #map2}]} {
    %mul3A = arith.constant 2 : i32
    %mul3A_0 = arith.muli %arg1, %mul3A : i32
    %add3A = arith.addi %mul3A_0, %arg0 : i32
    %mul3A_1 = arith.constant 79 : i32
    %mul3A_2 = arith.muli %add3A, %mul3A_1 : i32
    %sub3A = arith.constant 2500 : i32
    %sub3A_3 = arith.subi %sub3A, %mul3A_2 : i32
    %min3A = arith.constant 79 : i32
    %min3A_4 = arith.minsi %min3A, %sub3A_3 : i32
    %mul3A_5 = arith.constant 632 : i32
    %mul3A_6 = arith.muli %arg1, %mul3A_5 : i32
    "tpu.region"() ({
      %run_scoped3A = tpu.sem_alloc : memref<!tpu.dma_semaphore, #tpu.memory_space<semaphore_mem>>
      %dma_start3A = arith.constant 0 : i32
      %dma_start3A_55 = tpu.memref_slice %arg18[%mul3A_6, %dma_start3A] : memref<10112x128xf32, #tpu.memory_space<vmem_shared>> -> memref<632x128xf32, #tpu.memory_space<vmem_shared>>
      tpu.enqueue_dma source(%arg8 : memref<632x128xf32, #tpu.memory_space<hbm>>) target(%dma_start3A_55 : memref<632x128xf32, #tpu.memory_space<vmem_shared>>) target_semaphore(%run_scoped3A : memref<!tpu.dma_semaphore, #tpu.memory_space<semaphore_mem>>)
      %dma_wait3A = arith.constant 0 : i32
      %dma_wait3A_56 = tpu.memref_slice %arg18[%mul3A_6, %dma_wait3A] : memref<10112x128xf32, #tpu.memory_space<vmem_shared>> -> memref<632x128xf32, #tpu.memory_space<vmem_shared>>
      tpu.wait_dma2 semaphore(%run_scoped3A : memref<!tpu.dma_semaphore, #tpu.memory_space<semaphore_mem>>) src(%arg8 : memref<632x128xf32, #tpu.memory_space<hbm>>) dst(%dma_wait3A_56 : memref<632x128xf32, #tpu.memory_space<vmem_shared>>)
      tpu.yield
    }) : () -> ()
    "tpu.region"() ({
      %run_scoped3A = tpu.sem_alloc : memref<!tpu.dma_semaphore, #tpu.memory_space<semaphore_mem>>
      tpu.enqueue_dma source(%arg7 : memref<64xf32, #tpu.memory_space<hbm>>) target(%arg16 : memref<64xf32, #tpu.memory_space<vmem>>) target_semaphore(%run_scoped3A : memref<!tpu.dma_semaphore, #tpu.memory_space<semaphore_mem>>)
      tpu.wait_dma2 semaphore(%run_scoped3A : memref<!tpu.dma_semaphore, #tpu.memory_space<semaphore_mem>>) src(%arg7 : memref<64xf32, #tpu.memory_space<hbm>>) dst(%arg16 : memref<64xf32, #tpu.memory_space<vmem>>)
      tpu.yield
    }) : () -> ()
    %get3A = arith.constant 0 : index
    %get3A_7 = tpu.vector_load %arg16[%get3A] {strides = array<i32>} : memref<64xf32, #tpu.memory_space<vmem>>, vector<16xf32>,
    %get3A_8 = vector.shape_cast %get3A_7 : vector<16xf32> to vector<16xf32>
    %mul3A_9 = arith.constant 0.00999999977 : f32
    %mul3A_10 = vector.broadcast %mul3A_9 : f32 to vector<16xf32>
    %mul3A_11 = arith.mulf %get3A_8, %mul3A_10 : vector<16xf32>
    %swap3A = arith.constant 0 : index
    %swap3A_12 = tpu.vector_load %arg17[%swap3A] {strides = array<i32>} : memref<64xf32, #tpu.memory_space<vmem>>, vector<16xf32>,
    %swap3A_13 = vector.shape_cast %swap3A_12 : vector<16xf32> to vector<16xf32>
    %swap3A_14 = vector.shape_cast %mul3A_11 : vector<16xf32> to vector<16xf32>
    tpu.vector_store %arg17[%swap3A], %swap3A_14 {strides = array<i32>} : memref<64xf32, #tpu.memory_space<vmem>>, vector<16xf32>,
    %get3A_15 = arith.constant 16 : index
    %get3A_16 = tpu.vector_load %arg16[%get3A_15] {strides = array<i32>} : memref<64xf32, #tpu.memory_space<vmem>>, vector<16xf32>,
    %get3A_17 = vector.shape_cast %get3A_16 : vector<16xf32> to vector<16xf32>
    %mul3A_18 = arith.constant 0.00999999977 : f32
    %mul3A_19 = vector.broadcast %mul3A_18 : f32 to vector<16xf32>
    %mul3A_20 = arith.mulf %get3A_17, %mul3A_19 : vector<16xf32>
    %swap3A_21 = arith.constant 16 : index
    %swap3A_22 = tpu.vector_load %arg17[%swap3A_21] {strides = array<i32>} : memref<64xf32, #tpu.memory_space<vmem>>, vector<16xf32>,
    %swap3A_23 = vector.shape_cast %swap3A_22 : vector<16xf32> to vector<16xf32>
    %swap3A_24 = vector.shape_cast %mul3A_20 : vector<16xf32> to vector<16xf32>
    tpu.vector_store %arg17[%swap3A_21], %swap3A_24 {strides = array<i32>} : memref<64xf32, #tpu.memory_space<vmem>>, vector<16xf32>,
    %get3A_25 = arith.constant 32 : index
    %get3A_26 = tpu.vector_load %arg16[%get3A_25] {strides = array<i32>} : memref<64xf32, #tpu.memory_space<vmem>>, vector<16xf32>,
    %get3A_27 = vector.shape_cast %get3A_26 : vector<16xf32> to vector<16xf32>
    %mul3A_28 = arith.constant 0.00999999977 : f32
    %mul3A_29 = vector.broadcast %mul3A_28 : f32 to vector<16xf32>
    %mul3A_30 = arith.mulf %get3A_27, %mul3A_29 : vector<16xf32>
    %swap3A_31 = arith.constant 32 : index
    %swap3A_32 = tpu.vector_load %arg17[%swap3A_31] {strides = array<i32>} : memref<64xf32, #tpu.memory_space<vmem>>, vector<16xf32>,
    %swap3A_33 = vector.shape_cast %swap3A_32 : vector<16xf32> to vector<16xf32>
    %swap3A_34 = vector.shape_cast %mul3A_30 : vector<16xf32> to vector<16xf32>
    tpu.vector_store %arg17[%swap3A_31], %swap3A_34 {strides = array<i32>} : memref<64xf32, #tpu.memory_space<vmem>>, vector<16xf32>,
    %get3A_35 = arith.constant 48 : index
    %get3A_36 = tpu.vector_load %arg16[%get3A_35] {strides = array<i32>} : memref<64xf32, #tpu.memory_space<vmem>>, vector<16xf32>,
    %get3A_37 = vector.shape_cast %get3A_36 : vector<16xf32> to vector<16xf32>
    %mul3A_38 = arith.constant 0.00999999977 : f32
    %mul3A_39 = vector.broadcast %mul3A_38 : f32 to vector<16xf32>
    %mul3A_40 = arith.mulf %get3A_37, %mul3A_39 : vector<16xf32>
    %swap3A_41 = arith.constant 48 : index
    %swap3A_42 = tpu.vector_load %arg17[%swap3A_41] {strides = array<i32>} : memref<64xf32, #tpu.memory_space<vmem>>, vector<16xf32>,
    %swap3A_43 = vector.shape_cast %swap3A_42 : vector<16xf32> to vector<16xf32>
    %swap3A_44 = vector.shape_cast %mul3A_40 : vector<16xf32> to vector<16xf32>
    tpu.vector_store %arg17[%swap3A_41], %swap3A_44 {strides = array<i32>} : memref<64xf32, #tpu.memory_space<vmem>>, vector<16xf32>,
    %scan3A = arith.constant 0 : i32
    %scan3A_45 = arith.constant 64 : i32
    %scan3A_46 = arith.addi %scan3A, %scan3A_45 : i32
    %scan3A_47 = arith.constant 1 : i32
    scf.for %scan3A_55 = %scan3A to %scan3A_46 step %scan3A_47  : i32 {
      %mul3A_56 = arith.constant 1 : i32
      %mul3A_57 = arith.muli %scan3A_55, %mul3A_56 : i32
      %add3A_58 = arith.constant 0 : i32
      %add3A_59 = arith.addi %add3A_58, %mul3A_57 : i32
      %broadcast_in_dim3A = arith.constant 0.000000e+00 : f32
      %broadcast_in_dim3A_60 = vector.broadcast %broadcast_in_dim3A : f32 to vector<16xf32>
      %swap3A_61 = arith.index_cast %add3A_59 : i32 to index
      %swap3A_62 = arith.constant 0 : index
      %swap3A_63 = tpu.vector_load %arg15[%swap3A_61, %swap3A_62] {strides = array<i32>} : memref<64x128xf32, #tpu.memory_space<vmem>>, vector<1x16xf32>,
      %swap3A_64 = vector.shape_cast %swap3A_63 : vector<1x16xf32> to vector<16xf32>
      %swap3A_65 = vector.shape_cast %broadcast_in_dim3A_60 : vector<16xf32> to vector<1x16xf32>
      tpu.vector_store %arg15[%swap3A_61, %swap3A_62], %swap3A_65 {strides = array<i32>} : memref<64x128xf32, #tpu.memory_space<vmem>>, vector<1x16xf32>,
      %broadcast_in_dim3A_66 = arith.constant 0.000000e+00 : f32
      %broadcast_in_dim3A_67 = vector.broadcast %broadcast_in_dim3A_66 : f32 to vector<16xf32>
      %swap3A_68 = arith.index_cast %add3A_59 : i32 to index
      %swap3A_69 = arith.constant 16 : index
      %swap3A_70 = tpu.vector_load %arg15[%swap3A_68, %swap3A_69] {strides = array<i32>} : memref<64x128xf32, #tpu.memory_space<vmem>>, vector<1x16xf32>,
      %swap3A_71 = vector.shape_cast %swap3A_70 : vector<1x16xf32> to vector<16xf32>
      %swap3A_72 = vector.shape_cast %broadcast_in_dim3A_67 : vector<16xf32> to vector<1x16xf32>
      tpu.vector_store %arg15[%swap3A_68, %swap3A_69], %swap3A_72 {strides = array<i32>} : memref<64x128xf32, #tpu.memory_space<vmem>>, vector<1x16xf32>,
      %broadcast_in_dim3A_73 = arith.constant 0.000000e+00 : f32
      %broadcast_in_dim3A_74 = vector.broadcast %broadcast_in_dim3A_73 : f32 to vector<16xf32>
      %swap3A_75 = arith.index_cast %add3A_59 : i32 to index
      %swap3A_76 = arith.constant 32 : index
      %swap3A_77 = tpu.vector_load %arg15[%swap3A_75, %swap3A_76] {strides = array<i32>} : memref<64x128xf32, #tpu.memory_space<vmem>>, vector<1x16xf32>,
      %swap3A_78 = vector.shape_cast %swap3A_77 : vector<1x16xf32> to vector<16xf32>
      %swap3A_79 = vector.shape_cast %broadcast_in_dim3A_74 : vector<16xf32> to vector<1x16xf32>
      tpu.vector_store %arg15[%swap3A_75, %swap3A_76], %swap3A_79 {strides = array<i32>} : memref<64x128xf32, #tpu.memory_space<vmem>>, vector<1x16xf32>,
      %broadcast_in_dim3A_80 = arith.constant 0.000000e+00 : f32
      %broadcast_in_dim3A_81 = vector.broadcast %broadcast_in_dim3A_80 : f32 to vector<16xf32>
      %swap3A_82 = arith.index_cast %add3A_59 : i32 to index
      %swap3A_83 = arith.constant 48 : index
      %swap3A_84 = tpu.vector_load %arg15[%swap3A_82, %swap3A_83] {strides = array<i32>} : memref<64x128xf32, #tpu.memory_space<vmem>>, vector<1x16xf32>,
      %swap3A_85 = vector.shape_cast %swap3A_84 : vector<1x16xf32> to vector<16xf32>
      %swap3A_86 = vector.shape_cast %broadcast_in_dim3A_81 : vector<16xf32> to vector<1x16xf32>
      tpu.vector_store %arg15[%swap3A_82, %swap3A_83], %swap3A_86 {strides = array<i32>} : memref<64x128xf32, #tpu.memory_space<vmem>>, vector<1x16xf32>,
      %broadcast_in_dim3A_87 = arith.constant 0.000000e+00 : f32
      %broadcast_in_dim3A_88 = vector.broadcast %broadcast_in_dim3A_87 : f32 to vector<16xf32>
      %swap3A_89 = arith.index_cast %add3A_59 : i32 to index
      %swap3A_90 = arith.constant 64 : index
      %swap3A_91 = tpu.vector_load %arg15[%swap3A_89, %swap3A_90] {strides = array<i32>} : memref<64x128xf32, #tpu.memory_space<vmem>>, vector<1x16xf32>,
      %swap3A_92 = vector.shape_cast %swap3A_91 : vector<1x16xf32> to vector<16xf32>
      %swap3A_93 = vector.shape_cast %broadcast_in_dim3A_88 : vector<16xf32> to vector<1x16xf32>
      tpu.vector_store %arg15[%swap3A_89, %swap3A_90], %swap3A_93 {strides = array<i32>} : memref<64x128xf32, #tpu.memory_space<vmem>>, vector<1x16xf32>,
      %broadcast_in_dim3A_94 = arith.constant 0.000000e+00 : f32
      %broadcast_in_dim3A_95 = vector.broadcast %broadcast_in_dim3A_94 : f32 to vector<16xf32>
      %swap3A_96 = arith.index_cast %add3A_59 : i32 to index
      %swap3A_97 = arith.constant 80 : index
      %swap3A_98 = tpu.vector_load %arg15[%swap3A_96, %swap3A_97] {strides = array<i32>} : memref<64x128xf32, #tpu.memory_space<vmem>>, vector<1x16xf32>,
      %swap3A_99 = vector.shape_cast %swap3A_98 : vector<1x16xf32> to vector<16xf32>
      %swap3A_100 = vector.shape_cast %broadcast_in_dim3A_95 : vector<16xf32> to vector<1x16xf32>
      tpu.vector_store %arg15[%swap3A_96, %swap3A_97], %swap3A_100 {strides = array<i32>} : memref<64x128xf32, #tpu.memory_space<vmem>>, vector<1x16xf32>,
      %broadcast_in_dim3A_101 = arith.constant 0.000000e+00 : f32
      %broadcast_in_dim3A_102 = vector.broadcast %broadcast_in_dim3A_101 : f32 to vector<16xf32>
      %swap3A_103 = arith.index_cast %add3A_59 : i32 to index
      %swap3A_104 = arith.constant 96 : index
      %swap3A_105 = tpu.vector_load %arg15[%swap3A_103, %swap3A_104] {strides = array<i32>} : memref<64x128xf32, #tpu.memory_space<vmem>>, vector<1x16xf32>,
      %swap3A_106 = vector.shape_cast %swap3A_105 : vector<1x16xf32> to vector<16xf32>
      %swap3A_107 = vector.shape_cast %broadcast_in_dim3A_102 : vector<16xf32> to vector<1x16xf32>
      tpu.vector_store %arg15[%swap3A_103, %swap3A_104], %swap3A_107 {strides = array<i32>} : memref<64x128xf32, #tpu.memory_space<vmem>>, vector<1x16xf32>,
      %broadcast_in_dim3A_108 = arith.constant 0.000000e+00 : f32
      %broadcast_in_dim3A_109 = vector.broadcast %broadcast_in_dim3A_108 : f32 to vector<16xf32>
      %swap3A_110 = arith.index_cast %add3A_59 : i32 to index
      %swap3A_111 = arith.constant 112 : index
      %swap3A_112 = tpu.vector_load %arg15[%swap3A_110, %swap3A_111] {strides = array<i32>} : memref<64x128xf32, #tpu.memory_space<vmem>>, vector<1x16xf32>,
      %swap3A_113 = vector.shape_cast %swap3A_112 : vector<1x16xf32> to vector<16xf32>
      %swap3A_114 = vector.shape_cast %broadcast_in_dim3A_109 : vector<16xf32> to vector<1x16xf32>
      tpu.vector_store %arg15[%swap3A_110, %swap3A_111], %swap3A_114 {strides = array<i32>} : memref<64x128xf32, #tpu.memory_space<vmem>>, vector<1x16xf32>,
    }
    %scan3A_48 = arith.constant 64 : i32
    %barrier3A = arith.constant 0 : index
    tpu.barrier barrier_id(%barrier3A)
    %scan3A_49 = arith.constant 0 : i32
    %scan3A_50 = arith.constant 40 : i32
    %scan3A_51 = arith.addi %scan3A_49, %scan3A_50 : i32
    %scan3A_52 = arith.constant 1 : i32
    scf.for %scan3A_55 = %scan3A_49 to %scan3A_51 step %scan3A_52  : i32 {
      %mul3A_56 = arith.constant 1 : i32
      %mul3A_57 = arith.muli %scan3A_55, %mul3A_56 : i32
      %add3A_58 = arith.constant 0 : i32
      %add3A_59 = arith.addi %add3A_58, %mul3A_57 : i32
      %mul3A_60 = arith.constant 2 : i32
      %mul3A_61 = arith.muli %mul3A_60, %add3A_59 : i32
      %add3A_62 = arith.constant 0 : i32
      %add3A_63 = arith.addi %mul3A_61, %add3A_62 : i32
      %lt3A = arith.cmpi slt, %add3A_63, %min3A_4 : i32
      %convert_element_type3A = arith.extui %lt3A : i1 to i32
      %cond3A = arith.constant 0 : i32
      %cond3A_64 = arith.cmpi ne, %convert_element_type3A, %cond3A : i32
      scf.if %cond3A_64 {
        %add3A_89 = arith.addi %mul3A_2, %add3A_63 : i32
        %mul3A_90 = arith.constant 64 : i32
        %mul3A_91 = arith.muli %add3A_89, %mul3A_90 : i32
        %run_scoped3A = arith.constant 0 : i32
        "tpu.region"() ({
          %run_scoped3A_116 = tpu.sem_alloc : memref<!tpu.dma_semaphore, #tpu.memory_space<semaphore_mem>>
          %dma_start3A_117 = arith.constant 0 : i32
          %dma_start3A_118 = tpu.memref_slice %arg10[%run_scoped3A, %dma_start3A_117] : memref<2x64xi32, #tpu.memory_space<vmem>> -> memref<1x64xi32, #tpu.memory_space<vmem>>
          %dma_start3A_119 = tpu.memref_squeeze %dma_start3A_118 : memref<1x64xi32, #tpu.memory_space<vmem>> -> memref<64xi32, #tpu.memory_space<vmem>>
          %dma_start3A_120 = tpu.memref_slice %arg3[%mul3A_91] : memref<163840xi32, #tpu.memory_space<hbm>> -> memref<64xi32, #tpu.memory_space<hbm>>
          %dma_start3A_121 = arith.constant 0 : i32
          %dma_start3A_122 = tpu.memref_slice %arg10[%run_scoped3A, %dma_start3A_121] : memref<2x64xi32, #tpu.memory_space<vmem>> -> memref<1x64xi32, #tpu.memory_space<vmem>>
          %dma_start3A_123 = tpu.memref_squeeze %dma_start3A_122 : memref<1x64xi32, #tpu.memory_space<vmem>> -> memref<64xi32, #tpu.memory_space<vmem>>
          %dma_start3A_124 = tpu.memref_slice %arg3[%mul3A_91] : memref<163840xi32, #tpu.memory_space<hbm>> -> memref<64xi32, #tpu.memory_space<hbm>>
          tpu.enqueue_dma source(%dma_start3A_124 : memref<64xi32, #tpu.memory_space<hbm>>) target(%dma_start3A_123 : memref<64xi32, #tpu.memory_space<vmem>>) target_semaphore(%run_scoped3A_116 : memref<!tpu.dma_semaphore, #tpu.memory_space<semaphore_mem>>)
          %dma_wait3A = arith.constant 0 : i32
          %dma_wait3A_125 = tpu.memref_slice %arg10[%run_scoped3A, %dma_wait3A] : memref<2x64xi32, #tpu.memory_space<vmem>> -> memref<1x64xi32, #tpu.memory_space<vmem>>
          %dma_wait3A_126 = tpu.memref_squeeze %dma_wait3A_125 : memref<1x64xi32, #tpu.memory_space<vmem>> -> memref<64xi32, #tpu.memory_space<vmem>>
          %dma_wait3A_127 = tpu.memref_slice %arg3[%mul3A_91] : memref<163840xi32, #tpu.memory_space<hbm>> -> memref<64xi32, #tpu.memory_space<hbm>>
          %dma_wait3A_128 = arith.constant 0 : i32
          %dma_wait3A_129 = tpu.memref_slice %arg10[%run_scoped3A, %dma_wait3A_128] : memref<2x64xi32, #tpu.memory_space<vmem>> -> memref<1x64xi32, #tpu.memory_space<vmem>>
          %dma_wait3A_130 = tpu.memref_squeeze %dma_wait3A_129 : memref<1x64xi32, #tpu.memory_space<vmem>> -> memref<64xi32, #tpu.memory_space<vmem>>
          %dma_wait3A_131 = tpu.memref_slice %arg3[%mul3A_91] : memref<163840xi32, #tpu.memory_space<hbm>> -> memref<64xi32, #tpu.memory_space<hbm>>
          tpu.wait_dma2 semaphore(%run_scoped3A_116 : memref<!tpu.dma_semaphore, #tpu.memory_space<semaphore_mem>>) src(%dma_wait3A_131 : memref<64xi32, #tpu.memory_space<hbm>>) dst(%dma_wait3A_130 : memref<64xi32, #tpu.memory_space<vmem>>)
          tpu.yield
        }) : () -> ()
        %run_scoped3A_92 = arith.constant 0 : i32
        "tpu.region"() ({
          %run_scoped3A_116 = tpu.sem_alloc : memref<!tpu.dma_semaphore, #tpu.memory_space<semaphore_mem>>
          %dma_start3A_117 = arith.constant 0 : i32
          %dma_start3A_118 = tpu.memref_slice %arg11[%run_scoped3A_92, %dma_start3A_117] : memref<2x64xi32, #tpu.memory_space<vmem>> -> memref<1x64xi32, #tpu.memory_space<vmem>>
          %dma_start3A_119 = tpu.memref_squeeze %dma_start3A_118 : memref<1x64xi32, #tpu.memory_space<vmem>> -> memref<64xi32, #tpu.memory_space<vmem>>
          %dma_start3A_120 = tpu.memref_slice %arg5[%mul3A_91] : memref<163840xi32, #tpu.memory_space<hbm>> -> memref<64xi32, #tpu.memory_space<hbm>>
          %dma_start3A_121 = arith.constant 0 : i32
          %dma_start3A_122 = tpu.memref_slice %arg11[%run_scoped3A_92, %dma_start3A_121] : memref<2x64xi32, #tpu.memory_space<vmem>> -> memref<1x64xi32, #tpu.memory_space<vmem>>
          %dma_start3A_123 = tpu.memref_squeeze %dma_start3A_122 : memref<1x64xi32, #tpu.memory_space<vmem>> -> memref<64xi32, #tpu.memory_space<vmem>>
          %dma_start3A_124 = tpu.memref_slice %arg5[%mul3A_91] : memref<163840xi32, #tpu.memory_space<hbm>> -> memref<64xi32, #tpu.memory_space<hbm>>
          tpu.enqueue_dma source(%dma_start3A_124 : memref<64xi32, #tpu.memory_space<hbm>>) target(%dma_start3A_123 : memref<64xi32, #tpu.memory_space<vmem>>) target_semaphore(%run_scoped3A_116 : memref<!tpu.dma_semaphore, #tpu.memory_space<semaphore_mem>>)
          %dma_wait3A = arith.constant 0 : i32
          %dma_wait3A_125 = tpu.memref_slice %arg11[%run_scoped3A_92, %dma_wait3A] : memref<2x64xi32, #tpu.memory_space<vmem>> -> memref<1x64xi32, #tpu.memory_space<vmem>>
          %dma_wait3A_126 = tpu.memref_squeeze %dma_wait3A_125 : memref<1x64xi32, #tpu.memory_space<vmem>> -> memref<64xi32, #tpu.memory_space<vmem>>
          %dma_wait3A_127 = tpu.memref_slice %arg5[%mul3A_91] : memref<163840xi32, #tpu.memory_space<hbm>> -> memref<64xi32, #tpu.memory_space<hbm>>
          %dma_wait3A_128 = arith.constant 0 : i32
          %dma_wait3A_129 = tpu.memref_slice %arg11[%run_scoped3A_92, %dma_wait3A_128] : memref<2x64xi32, #tpu.memory_space<vmem>> -> memref<1x64xi32, #tpu.memory_space<vmem>>
          %dma_wait3A_130 = tpu.memref_squeeze %dma_wait3A_129 : memref<1x64xi32, #tpu.memory_space<vmem>> -> memref<64xi32, #tpu.memory_space<vmem>>
          %dma_wait3A_131 = tpu.memref_slice %arg5[%mul3A_91] : memref<163840xi32, #tpu.memory_space<hbm>> -> memref<64xi32, #tpu.memory_space<hbm>>
          tpu.wait_dma2 semaphore(%run_scoped3A_116 : memref<!tpu.dma_semaphore, #tpu.memory_space<semaphore_mem>>) src(%dma_wait3A_131 : memref<64xi32, #tpu.memory_space<hbm>>) dst(%dma_wait3A_130 : memref<64xi32, #tpu.memory_space<vmem>>)
          tpu.yield
        }) : () -> ()
        %dma_start3A = arith.constant 0 : i32
        %dma_start3A_93 = arith.constant 0 : i32
        %dma_start3A_94 = arith.constant 0 : i32
        %dma_start3A_95 = arith.constant 0 : i32
        %dma_start3A_96 = tpu.memref_slice %arg12[%dma_start3A_93, %dma_start3A_94, %dma_start3A_95] : memref<2x64x128xf32, #tpu.memory_space<vmem>> -> memref<1x64x128xf32, #tpu.memory_space<vmem>>
        %dma_start3A_97 = tpu.memref_squeeze %dma_start3A_96 : memref<1x64x128xf32, #tpu.memory_space<vmem>> -> memref<64x128xf32, #tpu.memory_space<vmem>>
        %dma_start3A_98 = arith.constant 0 : i32
        %dma_start3A_99 = tpu.memref_slice %arg10[%dma_start3A, %dma_start3A_98] : memref<2x64xi32, #tpu.memory_space<vmem>> -> memref<1x64xi32, #tpu.memory_space<vmem>>
        %dma_start3A_100 = tpu.memref_squeeze %dma_start3A_99 : memref<1x64xi32, #tpu.memory_space<vmem>> -> memref<64xi32, #tpu.memory_space<vmem>>
        %dma_start3A_101 = arith.constant 0 : i32
        %dma_start3A_102 = arith.constant 0 : i32
        %dma_start3A_103 = tpu.memref_slice %arg2[%dma_start3A_101, %dma_start3A_102] : memref<10240x128xf32, #tpu.memory_space<hbm>> -> memref<10240x128xf32, #tpu.memory_space<hbm>>
        tpu.enqueue_indirect_dma source(%dma_start3A_103 : memref<10240x128xf32, #tpu.memory_space<hbm>>) target(%dma_start3A_97 : memref<64x128xf32, #tpu.memory_space<vmem>>) offsets(%dma_start3A_100 : memref<64xi32, #tpu.memory_space<vmem>>) semaphore(%arg19 : memref<!tpu.dma_semaphore, #tpu.memory_space<semaphore_mem>>)
        %dma_start3A_104 = arith.constant 0 : i32
        %dma_start3A_105 = arith.constant 0 : i32
        %dma_start3A_106 = arith.constant 0 : i32
        %dma_start3A_107 = arith.constant 0 : i32
        %dma_start3A_108 = tpu.memref_slice %arg13[%dma_start3A_105, %dma_start3A_106, %dma_start3A_107] : memref<2x64x128xf32, #tpu.memory_space<vmem>> -> memref<1x64x128xf32, #tpu.memory_space<vmem>>
        %dma_start3A_109 = tpu.memref_squeeze %dma_start3A_108 : memref<1x64x128xf32, #tpu.memory_space<vmem>> -> memref<64x128xf32, #tpu.memory_space<vmem>>
        %dma_start3A_110 = arith.constant 0 : i32
        %dma_start3A_111 = tpu.memref_slice %arg11[%dma_start3A_104, %dma_start3A_110] : memref<2x64xi32, #tpu.memory_space<vmem>> -> memref<1x64xi32, #tpu.memory_space<vmem>>
        %dma_start3A_112 = tpu.memref_squeeze %dma_start3A_111 : memref<1x64xi32, #tpu.memory_space<vmem>> -> memref<64xi32, #tpu.memory_space<vmem>>
        %dma_start3A_113 = arith.constant 0 : i32
        %dma_start3A_114 = arith.constant 0 : i32
        %dma_start3A_115 = tpu.memref_slice %arg4[%dma_start3A_113, %dma_start3A_114] : memref<10240x128xf32, #tpu.memory_space<hbm>> -> memref<10240x128xf32, #tpu.memory_space<hbm>>
        tpu.enqueue_indirect_dma source(%dma_start3A_115 : memref<10240x128xf32, #tpu.memory_space<hbm>>) target(%dma_start3A_109 : memref<64x128xf32, #tpu.memory_space<vmem>>) offsets(%dma_start3A_112 : memref<64xi32, #tpu.memory_space<vmem>>) semaphore(%arg20 : memref<!tpu.dma_semaphore, #tpu.memory_space<semaphore_mem>>)
      } else {
      }
      %mul3A_65 = arith.constant 2 : i32
      %mul3A_66 = arith.muli %mul3A_65, %add3A_59 : i32
      %add3A_67 = arith.constant 1 : i32
      %add3A_68 = arith.addi %mul3A_66, %add3A_67 : i32
      %lt3A_69 = arith.cmpi slt, %add3A_68, %min3A_4 : i32
      %convert_element_type3A_70 = arith.extui %lt3A_69 : i1 to i32
      %cond3A_71 = arith.constant 0 : i32
      %cond3A_72 = arith.cmpi ne, %convert_element_type3A_70, %cond3A_71 : i32
      scf.if %cond3A_72 {
        %add3A_89 = arith.addi %mul3A_2, %add3A_68 : i32
        %mul3A_90 = arith.constant 64 : i32
        %mul3A_91 = arith.muli %add3A_89, %mul3A_90 : i32
        %run_scoped3A = arith.constant 1 : i32
        "tpu.region"() ({
          %run_scoped3A_116 = tpu.sem_alloc : memref<!tpu.dma_semaphore, #tpu.memory_space<semaphore_mem>>
          %dma_start3A_117 = arith.constant 0 : i32
          %dma_start3A_118 = tpu.memref_slice %arg10[%run_scoped3A, %dma_start3A_117] : memref<2x64xi32, #tpu.memory_space<vmem>> -> memref<1x64xi32, #tpu.memory_space<vmem>>
          %dma_start3A_119 = tpu.memref_squeeze %dma_start3A_118 : memref<1x64xi32, #tpu.memory_space<vmem>> -> memref<64xi32, #tpu.memory_space<vmem>>
          %dma_start3A_120 = tpu.memref_slice %arg3[%mul3A_91] : memref<163840xi32, #tpu.memory_space<hbm>> -> memref<64xi32, #tpu.memory_space<hbm>>
          %dma_start3A_121 = arith.constant 0 : i32
          %dma_start3A_122 = tpu.memref_slice %arg10[%run_scoped3A, %dma_start3A_121] : memref<2x64xi32, #tpu.memory_space<vmem>> -> memref<1x64xi32, #tpu.memory_space<vmem>>
          %dma_start3A_123 = tpu.memref_squeeze %dma_start3A_122 : memref<1x64xi32, #tpu.memory_space<vmem>> -> memref<64xi32, #tpu.memory_space<vmem>>
          %dma_start3A_124 = tpu.memref_slice %arg3[%mul3A_91] : memref<163840xi32, #tpu.memory_space<hbm>> -> memref<64xi32, #tpu.memory_space<hbm>>
          tpu.enqueue_dma source(%dma_start3A_124 : memref<64xi32, #tpu.memory_space<hbm>>) target(%dma_start3A_123 : memref<64xi32, #tpu.memory_space<vmem>>) target_semaphore(%run_scoped3A_116 : memref<!tpu.dma_semaphore, #tpu.memory_space<semaphore_mem>>)
          %dma_wait3A = arith.constant 0 : i32
          %dma_wait3A_125 = tpu.memref_slice %arg10[%run_scoped3A, %dma_wait3A] : memref<2x64xi32, #tpu.memory_space<vmem>> -> memref<1x64xi32, #tpu.memory_space<vmem>>
          %dma_wait3A_126 = tpu.memref_squeeze %dma_wait3A_125 : memref<1x64xi32, #tpu.memory_space<vmem>> -> memref<64xi32, #tpu.memory_space<vmem>>
          %dma_wait3A_127 = tpu.memref_slice %arg3[%mul3A_91] : memref<163840xi32, #tpu.memory_space<hbm>> -> memref<64xi32, #tpu.memory_space<hbm>>
          %dma_wait3A_128 = arith.constant 0 : i32
          %dma_wait3A_129 = tpu.memref_slice %arg10[%run_scoped3A, %dma_wait3A_128] : memref<2x64xi32, #tpu.memory_space<vmem>> -> memref<1x64xi32, #tpu.memory_space<vmem>>
          %dma_wait3A_130 = tpu.memref_squeeze %dma_wait3A_129 : memref<1x64xi32, #tpu.memory_space<vmem>> -> memref<64xi32, #tpu.memory_space<vmem>>
          %dma_wait3A_131 = tpu.memref_slice %arg3[%mul3A_91] : memref<163840xi32, #tpu.memory_space<hbm>> -> memref<64xi32, #tpu.memory_space<hbm>>
          tpu.wait_dma2 semaphore(%run_scoped3A_116 : memref<!tpu.dma_semaphore, #tpu.memory_space<semaphore_mem>>) src(%dma_wait3A_131 : memref<64xi32, #tpu.memory_space<hbm>>) dst(%dma_wait3A_130 : memref<64xi32, #tpu.memory_space<vmem>>)
          tpu.yield
        }) : () -> ()
        %run_scoped3A_92 = arith.constant 1 : i32
        "tpu.region"() ({
          %run_scoped3A_116 = tpu.sem_alloc : memref<!tpu.dma_semaphore, #tpu.memory_space<semaphore_mem>>
          %dma_start3A_117 = arith.constant 0 : i32
          %dma_start3A_118 = tpu.memref_slice %arg11[%run_scoped3A_92, %dma_start3A_117] : memref<2x64xi32, #tpu.memory_space<vmem>> -> memref<1x64xi32, #tpu.memory_space<vmem>>
          %dma_start3A_119 = tpu.memref_squeeze %dma_start3A_118 : memref<1x64xi32, #tpu.memory_space<vmem>> -> memref<64xi32, #tpu.memory_space<vmem>>
          %dma_start3A_120 = tpu.memref_slice %arg5[%mul3A_91] : memref<163840xi32, #tpu.memory_space<hbm>> -> memref<64xi32, #tpu.memory_space<hbm>>
          %dma_start3A_121 = arith.constant 0 : i32
          %dma_start3A_122 = tpu.memref_slice %arg11[%run_scoped3A_92, %dma_start3A_121] : memref<2x64xi32, #tpu.memory_space<vmem>> -> memref<1x64xi32, #tpu.memory_space<vmem>>
          %dma_start3A_123 = tpu.memref_squeeze %dma_start3A_122 : memref<1x64xi32, #tpu.memory_space<vmem>> -> memref<64xi32, #tpu.memory_space<vmem>>
          %dma_start3A_124 = tpu.memref_slice %arg5[%mul3A_91] : memref<163840xi32, #tpu.memory_space<hbm>> -> memref<64xi32, #tpu.memory_space<hbm>>
          tpu.enqueue_dma source(%dma_start3A_124 : memref<64xi32, #tpu.memory_space<hbm>>) target(%dma_start3A_123 : memref<64xi32, #tpu.memory_space<vmem>>) target_semaphore(%run_scoped3A_116 : memref<!tpu.dma_semaphore, #tpu.memory_space<semaphore_mem>>)
          %dma_wait3A = arith.constant 0 : i32
          %dma_wait3A_125 = tpu.memref_slice %arg11[%run_scoped3A_92, %dma_wait3A] : memref<2x64xi32, #tpu.memory_space<vmem>> -> memref<1x64xi32, #tpu.memory_space<vmem>>
          %dma_wait3A_126 = tpu.memref_squeeze %dma_wait3A_125 : memref<1x64xi32, #tpu.memory_space<vmem>> -> memref<64xi32, #tpu.memory_space<vmem>>
          %dma_wait3A_127 = tpu.memref_slice %arg5[%mul3A_91] : memref<163840xi32, #tpu.memory_space<hbm>> -> memref<64xi32, #tpu.memory_space<hbm>>
          %dma_wait3A_128 = arith.constant 0 : i32
          %dma_wait3A_129 = tpu.memref_slice %arg11[%run_scoped3A_92, %dma_wait3A_128] : memref<2x64xi32, #tpu.memory_space<vmem>> -> memref<1x64xi32, #tpu.memory_space<vmem>>
          %dma_wait3A_130 = tpu.memref_squeeze %dma_wait3A_129 : memref<1x64xi32, #tpu.memory_space<vmem>> -> memref<64xi32, #tpu.memory_space<vmem>>
          %dma_wait3A_131 = tpu.memref_slice %arg5[%mul3A_91] : memref<163840xi32, #tpu.memory_space<hbm>> -> memref<64xi32, #tpu.memory_space<hbm>>
          tpu.wait_dma2 semaphore(%run_scoped3A_116 : memref<!tpu.dma_semaphore, #tpu.memory_space<semaphore_mem>>) src(%dma_wait3A_131 : memref<64xi32, #tpu.memory_space<hbm>>) dst(%dma_wait3A_130 : memref<64xi32, #tpu.memory_space<vmem>>)
          tpu.yield
        }) : () -> ()
        %dma_start3A = arith.constant 1 : i32
        %dma_start3A_93 = arith.constant 1 : i32
        %dma_start3A_94 = arith.constant 0 : i32
        %dma_start3A_95 = arith.constant 0 : i32
        %dma_start3A_96 = tpu.memref_slice %arg12[%dma_start3A_93, %dma_start3A_94, %dma_start3A_95] : memref<2x64x128xf32, #tpu.memory_space<vmem>> -> memref<1x64x128xf32, #tpu.memory_space<vmem>>
        %dma_start3A_97 = tpu.memref_squeeze %dma_start3A_96 : memref<1x64x128xf32, #tpu.memory_space<vmem>> -> memref<64x128xf32, #tpu.memory_space<vmem>>
        %dma_start3A_98 = arith.constant 0 : i32
        %dma_start3A_99 = tpu.memref_slice %arg10[%dma_start3A, %dma_start3A_98] : memref<2x64xi32, #tpu.memory_space<vmem>> -> memref<1x64xi32, #tpu.memory_space<vmem>>
        %dma_start3A_100 = tpu.memref_squeeze %dma_start3A_99 : memref<1x64xi32, #tpu.memory_space<vmem>> -> memref<64xi32, #tpu.memory_space<vmem>>
        %dma_start3A_101 = arith.constant 0 : i32
        %dma_start3A_102 = arith.constant 0 : i32
        %dma_start3A_103 = tpu.memref_slice %arg2[%dma_start3A_101, %dma_start3A_102] : memref<10240x128xf32, #tpu.memory_space<hbm>> -> memref<10240x128xf32, #tpu.memory_space<hbm>>
        tpu.enqueue_indirect_dma source(%dma_start3A_103 : memref<10240x128xf32, #tpu.memory_space<hbm>>) target(%dma_start3A_97 : memref<64x128xf32, #tpu.memory_space<vmem>>) offsets(%dma_start3A_100 : memref<64xi32, #tpu.memory_space<vmem>>) semaphore(%arg21 : memref<!tpu.dma_semaphore, #tpu.memory_space<semaphore_mem>>)
        %dma_start3A_104 = arith.constant 1 : i32
        %dma_start3A_105 = arith.constant 1 : i32
        %dma_start3A_106 = arith.constant 0 : i32
        %dma_start3A_107 = arith.constant 0 : i32
        %dma_start3A_108 = tpu.memref_slice %arg13[%dma_start3A_105, %dma_start3A_106, %dma_start3A_107] : memref<2x64x128xf32, #tpu.memory_space<vmem>> -> memref<1x64x128xf32, #tpu.memory_space<vmem>>
        %dma_start3A_109 = tpu.memref_squeeze %dma_start3A_108 : memref<1x64x128xf32, #tpu.memory_space<vmem>> -> memref<64x128xf32, #tpu.memory_space<vmem>>
        %dma_start3A_110 = arith.constant 0 : i32
        %dma_start3A_111 = tpu.memref_slice %arg11[%dma_start3A_104, %dma_start3A_110] : memref<2x64xi32, #tpu.memory_space<vmem>> -> memref<1x64xi32, #tpu.memory_space<vmem>>
        %dma_start3A_112 = tpu.memref_squeeze %dma_start3A_111 : memref<1x64xi32, #tpu.memory_space<vmem>> -> memref<64xi32, #tpu.memory_space<vmem>>
        %dma_start3A_113 = arith.constant 0 : i32
        %dma_start3A_114 = arith.constant 0 : i32
        %dma_start3A_115 = tpu.memref_slice %arg4[%dma_start3A_113, %dma_start3A_114] : memref<10240x128xf32, #tpu.memory_space<hbm>> -> memref<10240x128xf32, #tpu.memory_space<hbm>>
        tpu.enqueue_indirect_dma source(%dma_start3A_115 : memref<10240x128xf32, #tpu.memory_space<hbm>>) target(%dma_start3A_109 : memref<64x128xf32, #tpu.memory_space<vmem>>) offsets(%dma_start3A_112 : memref<64xi32, #tpu.memory_space<vmem>>) semaphore(%arg22 : memref<!tpu.dma_semaphore, #tpu.memory_space<semaphore_mem>>)
      } else {
      }
      %mul3A_73 = arith.constant 2 : i32
      %mul3A_74 = arith.muli %mul3A_73, %add3A_59 : i32
      %add3A_75 = arith.constant 0 : i32
      %add3A_76 = arith.addi %mul3A_74, %add3A_75 : i32
      %lt3A_77 = arith.cmpi slt, %add3A_76, %min3A_4 : i32
      %convert_element_type3A_78 = arith.extui %lt3A_77 : i1 to i32
      %cond3A_79 = arith.constant 0 : i32
      %cond3A_80 = arith.cmpi ne, %convert_element_type3A_78, %cond3A_79 : i32
      scf.if %cond3A_80 {
        %add3A_89 = arith.addi %mul3A_2, %add3A_76 : i32
        %mul3A_90 = arith.constant 64 : i32
        %mul3A_91 = arith.muli %add3A_89, %mul3A_90 : i32
        "tpu.region"() ({
          %run_scoped3A_120 = tpu.sem_alloc : memref<!tpu.dma_semaphore, #tpu.memory_space<semaphore_mem>>
          %dma_start3A = arith.constant 0 : i32
          %dma_start3A_121 = tpu.memref_slice %arg6[%mul3A_91, %dma_start3A] : memref<160000x64xf32, #tpu.memory_space<hbm>> -> memref<64x64xf32, #tpu.memory_space<hbm>>
          %dma_start3A_122 = arith.constant 0 : i32
          %dma_start3A_123 = tpu.memref_slice %arg6[%mul3A_91, %dma_start3A_122] : memref<160000x64xf32, #tpu.memory_space<hbm>> -> memref<64x64xf32, #tpu.memory_space<hbm>>
          tpu.enqueue_dma source(%dma_start3A_123 : memref<64x64xf32, #tpu.memory_space<hbm>>) target(%arg14 : memref<64x64xf32, #tpu.memory_space<vmem>>) target_semaphore(%run_scoped3A_120 : memref<!tpu.dma_semaphore, #tpu.memory_space<semaphore_mem>>)
          %dma_wait3A_124 = arith.constant 0 : i32
          %dma_wait3A_125 = tpu.memref_slice %arg6[%mul3A_91, %dma_wait3A_124] : memref<160000x64xf32, #tpu.memory_space<hbm>> -> memref<64x64xf32, #tpu.memory_space<hbm>>
          %dma_wait3A_126 = arith.constant 0 : i32
          %dma_wait3A_127 = tpu.memref_slice %arg6[%mul3A_91, %dma_wait3A_126] : memref<160000x64xf32, #tpu.memory_space<hbm>> -> memref<64x64xf32, #tpu.memory_space<hbm>>
          tpu.wait_dma2 semaphore(%run_scoped3A_120 : memref<!tpu.dma_semaphore, #tpu.memory_space<semaphore_mem>>) src(%dma_wait3A_127 : memref<64x64xf32, #tpu.memory_space<hbm>>) dst(%arg14 : memref<64x64xf32, #tpu.memory_space<vmem>>)
          tpu.yield
        }) : () -> ()
        %dma_wait3A = arith.constant 0 : i32
        %dma_wait3A_92 = arith.constant 0 : i32
        %dma_wait3A_93 = arith.constant 0 : i32
        %dma_wait3A_94 = arith.constant 0 : i32
        %dma_wait3A_95 = tpu.memref_slice %arg12[%dma_wait3A_92, %dma_wait3A_93, %dma_wait3A_94] : memref<2x64x128xf32, #tpu.memory_space<vmem>> -> memref<1x64x128xf32, #tpu.memory_space<vmem>>
        %dma_wait3A_96 = tpu.memref_squeeze %dma_wait3A_95 : memref<1x64x128xf32, #tpu.memory_space<vmem>> -> memref<64x128xf32, #tpu.memory_space<vmem>>
        %dma_wait3A_97 = arith.constant 0 : i32
        %dma_wait3A_98 = tpu.memref_slice %arg10[%dma_wait3A, %dma_wait3A_97] : memref<2x64xi32, #tpu.memory_space<vmem>> -> memref<1x64xi32, #tpu.memory_space<vmem>>
        %dma_wait3A_99 = tpu.memref_squeeze %dma_wait3A_98 : memref<1x64xi32, #tpu.memory_space<vmem>> -> memref<64xi32, #tpu.memory_space<vmem>>
        %dma_wait3A_100 = arith.constant 0 : i32
        %dma_wait3A_101 = arith.constant 0 : i32
        %dma_wait3A_102 = tpu.memref_slice %arg2[%dma_wait3A_100, %dma_wait3A_101] : memref<10240x128xf32, #tpu.memory_space<hbm>> -> memref<10240x128xf32, #tpu.memory_space<hbm>>
        tpu.wait_indirect_dma semaphore(%arg19 : memref<!tpu.dma_semaphore, #tpu.memory_space<semaphore_mem>>) src(%dma_wait3A_102 : memref<10240x128xf32, #tpu.memory_space<hbm>>) dst(%dma_wait3A_96 : memref<64x128xf32, #tpu.memory_space<vmem>>)
        %dma_wait3A_103 = arith.constant 0 : i32
        %dma_wait3A_104 = arith.constant 0 : i32
        %dma_wait3A_105 = arith.constant 0 : i32
        %dma_wait3A_106 = arith.constant 0 : i32
        %dma_wait3A_107 = tpu.memref_slice %arg13[%dma_wait3A_104, %dma_wait3A_105, %dma_wait3A_106] : memref<2x64x128xf32, #tpu.memory_space<vmem>> -> memref<1x64x128xf32, #tpu.memory_space<vmem>>
        %dma_wait3A_108 = tpu.memref_squeeze %dma_wait3A_107 : memref<1x64x128xf32, #tpu.memory_space<vmem>> -> memref<64x128xf32, #tpu.memory_space<vmem>>
        %dma_wait3A_109 = arith.constant 0 : i32
        %dma_wait3A_110 = tpu.memref_slice %arg11[%dma_wait3A_103, %dma_wait3A_109] : memref<2x64xi32, #tpu.memory_space<vmem>> -> memref<1x64xi32, #tpu.memory_space<vmem>>
        %dma_wait3A_111 = tpu.memref_squeeze %dma_wait3A_110 : memref<1x64xi32, #tpu.memory_space<vmem>> -> memref<64xi32, #tpu.memory_space<vmem>>
        %dma_wait3A_112 = arith.constant 0 : i32
        %dma_wait3A_113 = arith.constant 0 : i32
        %dma_wait3A_114 = tpu.memref_slice %arg4[%dma_wait3A_112, %dma_wait3A_113] : memref<10240x128xf32, #tpu.memory_space<hbm>> -> memref<10240x128xf32, #tpu.memory_space<hbm>>
        tpu.wait_indirect_dma semaphore(%arg20 : memref<!tpu.dma_semaphore, #tpu.memory_space<semaphore_mem>>) src(%dma_wait3A_114 : memref<10240x128xf32, #tpu.memory_space<hbm>>) dst(%dma_wait3A_108 : memref<64x128xf32, #tpu.memory_space<vmem>>)
        %scan3A_115 = arith.constant 0 : i32
        %scan3A_116 = arith.constant 64 : i32
        %scan3A_117 = arith.addi %scan3A_115, %scan3A_116 : i32
        %scan3A_118 = arith.constant 1 : i32
        scf.for %scan3A_120 = %scan3A_115 to %scan3A_117 step %scan3A_118  : i32 {
          %mul3A_121 = arith.constant 1 : i32
          %mul3A_122 = arith.muli %scan3A_120, %mul3A_121 : i32
          %add3A_123 = arith.constant 0 : i32
          %add3A_124 = arith.addi %add3A_123, %mul3A_122 : i32
          %broadcast_in_dim3A = arith.constant 0.000000e+00 : f32
          %broadcast_in_dim3A_125 = vector.broadcast %broadcast_in_dim3A : f32 to vector<16xf32>
          %get3A_126 = arith.constant 0 : i32
          %get3A_127 = arith.index_cast %get3A_126 : i32 to index
          %get3A_128 = arith.index_cast %add3A_124 : i32 to index
          %get3A_129 = arith.constant 0 : index
          %get3A_130 = tpu.vector_load %arg12[%get3A_127, %get3A_128, %get3A_129] {strides = array<i32>} : memref<2x64x128xf32, #tpu.memory_space<vmem>>, vector<1x1x16xf32>,
          %get3A_131 = vector.shape_cast %get3A_130 : vector<1x1x16xf32> to vector<16xf32>
          %get3A_132 = arith.constant 0 : i32
          %get3A_133 = arith.index_cast %get3A_132 : i32 to index
          %get3A_134 = arith.index_cast %add3A_124 : i32 to index
          %get3A_135 = arith.constant 0 : index
          %get3A_136 = tpu.vector_load %arg13[%get3A_133, %get3A_134, %get3A_135] {strides = array<i32>} : memref<2x64x128xf32, #tpu.memory_space<vmem>>, vector<1x1x16xf32>,
          %get3A_137 = vector.shape_cast %get3A_136 : vector<1x1x16xf32> to vector<16xf32>
          %add3A_138 = arith.addf %get3A_131, %get3A_137 : vector<16xf32>
          %get3A_139 = arith.index_cast %add3A_124 : i32 to index
          %get3A_140 = arith.constant 0 : index
          %get3A_141 = tpu.vector_load %arg14[%get3A_139, %get3A_140] {strides = array<i32>} : memref<64x64xf32, #tpu.memory_space<vmem>>, vector<1x16xf32>,
          %get3A_142 = vector.shape_cast %get3A_141 : vector<1x16xf32> to vector<16xf32>
          %add3A_143 = arith.addf %add3A_138, %get3A_142 : vector<16xf32>
          %ge3A = arith.constant 0.000000e+00 : f32
          %ge3A_144 = vector.broadcast %ge3A : f32 to vector<16xf32>
          %ge3A_145 = arith.cmpf oge, %add3A_143, %ge3A_144 : vector<16xf32>
          %get3A_146 = arith.constant 0 : index
          %get3A_147 = tpu.vector_load %arg16[%get3A_146] {strides = array<i32>} : memref<64xf32, #tpu.memory_space<vmem>>, vector<16xf32>,
          %get3A_148 = vector.shape_cast %get3A_147 : vector<16xf32> to vector<16xf32>
          %get3A_149 = arith.constant 0 : index
          %get3A_150 = tpu.vector_load %arg17[%get3A_149] {strides = array<i32>} : memref<64xf32, #tpu.memory_space<vmem>>, vector<16xf32>,
          %get3A_151 = vector.shape_cast %get3A_150 : vector<16xf32> to vector<16xf32>
          %select_n3A = arith.select %ge3A_145, %get3A_148, %get3A_151 : vector<16xi1>, vector<16xf32>
          %mul3A_152 = arith.mulf %add3A_143, %select_n3A : vector<16xf32>
          %add3A_153 = arith.addf %broadcast_in_dim3A_125, %mul3A_152 : vector<16xf32>
          %get3A_154 = arith.constant 0 : i32
          %get3A_155 = arith.index_cast %get3A_154 : i32 to index
          %get3A_156 = arith.index_cast %add3A_124 : i32 to index
          %get3A_157 = arith.constant 16 : index
          %get3A_158 = tpu.vector_load %arg12[%get3A_155, %get3A_156, %get3A_157] {strides = array<i32>} : memref<2x64x128xf32, #tpu.memory_space<vmem>>, vector<1x1x16xf32>,
          %get3A_159 = vector.shape_cast %get3A_158 : vector<1x1x16xf32> to vector<16xf32>
          %get3A_160 = arith.constant 0 : i32
          %get3A_161 = arith.index_cast %get3A_160 : i32 to index
          %get3A_162 = arith.index_cast %add3A_124 : i32 to index
          %get3A_163 = arith.constant 16 : index
          %get3A_164 = tpu.vector_load %arg13[%get3A_161, %get3A_162, %get3A_163] {strides = array<i32>} : memref<2x64x128xf32, #tpu.memory_space<vmem>>, vector<1x1x16xf32>,
          %get3A_165 = vector.shape_cast %get3A_164 : vector<1x1x16xf32> to vector<16xf32>
          %add3A_166 = arith.addf %get3A_159, %get3A_165 : vector<16xf32>
          %get3A_167 = arith.index_cast %add3A_124 : i32 to index
          %get3A_168 = arith.constant 16 : index
          %get3A_169 = tpu.vector_load %arg14[%get3A_167, %get3A_168] {strides = array<i32>} : memref<64x64xf32, #tpu.memory_space<vmem>>, vector<1x16xf32>,
          %get3A_170 = vector.shape_cast %get3A_169 : vector<1x16xf32> to vector<16xf32>
          %add3A_171 = arith.addf %add3A_166, %get3A_170 : vector<16xf32>
          %ge3A_172 = arith.constant 0.000000e+00 : f32
          %ge3A_173 = vector.broadcast %ge3A_172 : f32 to vector<16xf32>
          %ge3A_174 = arith.cmpf oge, %add3A_171, %ge3A_173 : vector<16xf32>
          %get3A_175 = arith.constant 16 : index
          %get3A_176 = tpu.vector_load %arg16[%get3A_175] {strides = array<i32>} : memref<64xf32, #tpu.memory_space<vmem>>, vector<16xf32>,
          %get3A_177 = vector.shape_cast %get3A_176 : vector<16xf32> to vector<16xf32>
          %get3A_178 = arith.constant 16 : index
          %get3A_179 = tpu.vector_load %arg17[%get3A_178] {strides = array<i32>} : memref<64xf32, #tpu.memory_space<vmem>>, vector<16xf32>,
          %get3A_180 = vector.shape_cast %get3A_179 : vector<16xf32> to vector<16xf32>
          %select_n3A_181 = arith.select %ge3A_174, %get3A_177, %get3A_180 : vector<16xi1>, vector<16xf32>
          %mul3A_182 = arith.mulf %add3A_171, %select_n3A_181 : vector<16xf32>
          %add3A_183 = arith.addf %add3A_153, %mul3A_182 : vector<16xf32>
          %get3A_184 = arith.constant 0 : i32
          %get3A_185 = arith.index_cast %get3A_184 : i32 to index
          %get3A_186 = arith.index_cast %add3A_124 : i32 to index
          %get3A_187 = arith.constant 32 : index
          %get3A_188 = tpu.vector_load %arg12[%get3A_185, %get3A_186, %get3A_187] {strides = array<i32>} : memref<2x64x128xf32, #tpu.memory_space<vmem>>, vector<1x1x16xf32>,
          %get3A_189 = vector.shape_cast %get3A_188 : vector<1x1x16xf32> to vector<16xf32>
          %get3A_190 = arith.constant 0 : i32
          %get3A_191 = arith.index_cast %get3A_190 : i32 to index
          %get3A_192 = arith.index_cast %add3A_124 : i32 to index
          %get3A_193 = arith.constant 32 : index
          %get3A_194 = tpu.vector_load %arg13[%get3A_191, %get3A_192, %get3A_193] {strides = array<i32>} : memref<2x64x128xf32, #tpu.memory_space<vmem>>, vector<1x1x16xf32>,
          %get3A_195 = vector.shape_cast %get3A_194 : vector<1x1x16xf32> to vector<16xf32>
          %add3A_196 = arith.addf %get3A_189, %get3A_195 : vector<16xf32>
          %get3A_197 = arith.index_cast %add3A_124 : i32 to index
          %get3A_198 = arith.constant 32 : index
          %get3A_199 = tpu.vector_load %arg14[%get3A_197, %get3A_198] {strides = array<i32>} : memref<64x64xf32, #tpu.memory_space<vmem>>, vector<1x16xf32>,
          %get3A_200 = vector.shape_cast %get3A_199 : vector<1x16xf32> to vector<16xf32>
          %add3A_201 = arith.addf %add3A_196, %get3A_200 : vector<16xf32>
          %ge3A_202 = arith.constant 0.000000e+00 : f32
          %ge3A_203 = vector.broadcast %ge3A_202 : f32 to vector<16xf32>
          %ge3A_204 = arith.cmpf oge, %add3A_201, %ge3A_203 : vector<16xf32>
          %get3A_205 = arith.constant 32 : index
          %get3A_206 = tpu.vector_load %arg16[%get3A_205] {strides = array<i32>} : memref<64xf32, #tpu.memory_space<vmem>>, vector<16xf32>,
          %get3A_207 = vector.shape_cast %get3A_206 : vector<16xf32> to vector<16xf32>
          %get3A_208 = arith.constant 32 : index
          %get3A_209 = tpu.vector_load %arg17[%get3A_208] {strides = array<i32>} : memref<64xf32, #tpu.memory_space<vmem>>, vector<16xf32>,
          %get3A_210 = vector.shape_cast %get3A_209 : vector<16xf32> to vector<16xf32>
          %select_n3A_211 = arith.select %ge3A_204, %get3A_207, %get3A_210 : vector<16xi1>, vector<16xf32>
          %mul3A_212 = arith.mulf %add3A_201, %select_n3A_211 : vector<16xf32>
          %add3A_213 = arith.addf %add3A_183, %mul3A_212 : vector<16xf32>
          %get3A_214 = arith.constant 0 : i32
          %get3A_215 = arith.index_cast %get3A_214 : i32 to index
          %get3A_216 = arith.index_cast %add3A_124 : i32 to index
          %get3A_217 = arith.constant 48 : index
          %get3A_218 = tpu.vector_load %arg12[%get3A_215, %get3A_216, %get3A_217] {strides = array<i32>} : memref<2x64x128xf32, #tpu.memory_space<vmem>>, vector<1x1x16xf32>,
          %get3A_219 = vector.shape_cast %get3A_218 : vector<1x1x16xf32> to vector<16xf32>
          %get3A_220 = arith.constant 0 : i32
          %get3A_221 = arith.index_cast %get3A_220 : i32 to index
          %get3A_222 = arith.index_cast %add3A_124 : i32 to index
          %get3A_223 = arith.constant 48 : index
          %get3A_224 = tpu.vector_load %arg13[%get3A_221, %get3A_222, %get3A_223] {strides = array<i32>} : memref<2x64x128xf32, #tpu.memory_space<vmem>>, vector<1x1x16xf32>,
          %get3A_225 = vector.shape_cast %get3A_224 : vector<1x1x16xf32> to vector<16xf32>
          %add3A_226 = arith.addf %get3A_219, %get3A_225 : vector<16xf32>
          %get3A_227 = arith.index_cast %add3A_124 : i32 to index
          %get3A_228 = arith.constant 48 : index
          %get3A_229 = tpu.vector_load %arg14[%get3A_227, %get3A_228] {strides = array<i32>} : memref<64x64xf32, #tpu.memory_space<vmem>>, vector<1x16xf32>,
          %get3A_230 = vector.shape_cast %get3A_229 : vector<1x16xf32> to vector<16xf32>
          %add3A_231 = arith.addf %add3A_226, %get3A_230 : vector<16xf32>
          %ge3A_232 = arith.constant 0.000000e+00 : f32
          %ge3A_233 = vector.broadcast %ge3A_232 : f32 to vector<16xf32>
          %ge3A_234 = arith.cmpf oge, %add3A_231, %ge3A_233 : vector<16xf32>
          %get3A_235 = arith.constant 48 : index
          %get3A_236 = tpu.vector_load %arg16[%get3A_235] {strides = array<i32>} : memref<64xf32, #tpu.memory_space<vmem>>, vector<16xf32>,
          %get3A_237 = vector.shape_cast %get3A_236 : vector<16xf32> to vector<16xf32>
          %get3A_238 = arith.constant 48 : index
          %get3A_239 = tpu.vector_load %arg17[%get3A_238] {strides = array<i32>} : memref<64xf32, #tpu.memory_space<vmem>>, vector<16xf32>,
          %get3A_240 = vector.shape_cast %get3A_239 : vector<16xf32> to vector<16xf32>
          %select_n3A_241 = arith.select %ge3A_234, %get3A_237, %get3A_240 : vector<16xi1>, vector<16xf32>
          %mul3A_242 = arith.mulf %add3A_231, %select_n3A_241 : vector<16xf32>
          %add3A_243 = arith.addf %add3A_213, %mul3A_242 : vector<16xf32>
          %iota3A = tpu.iota {dimensions = array<i32: 0>} : vector<16xi32>
          %add3A_244 = arith.constant 8 : i32
          %add3A_245 = vector.broadcast %add3A_244 : i32 to vector<16xi32>
          %add3A_246 = arith.addi %iota3A, %add3A_245 : vector<16xi32>
          %and3A = arith.constant 15 : i32
          %and3A_247 = vector.broadcast %and3A : i32 to vector<16xi32>
          %and3A_248 = arith.andi %add3A_246, %and3A_247 : vector<16xi32>
          %broadcast_in_dim3A_249 = vector.shape_cast %and3A_248 : vector<16xi32> to vector<16x1xi32>
          %gather3A = vector.shape_cast %broadcast_in_dim3A_249 : vector<16x1xi32> to vector<16xi32>
          %gather3A_250 = tpu.dynamic_gather %add3A_243[%gather3A] in [0] : vector<16xf32>, vector<16xi32> -> vector<16xf32>
          %add3A_251 = arith.addf %add3A_243, %gather3A_250 : vector<16xf32>
          %iota3A_252 = tpu.iota {dimensions = array<i32: 0>} : vector<16xi32>
          %add3A_253 = arith.constant 4 : i32
          %add3A_254 = vector.broadcast %add3A_253 : i32 to vector<16xi32>
          %add3A_255 = arith.addi %iota3A_252, %add3A_254 : vector<16xi32>
          %and3A_256 = arith.constant 15 : i32
          %and3A_257 = vector.broadcast %and3A_256 : i32 to vector<16xi32>
          %and3A_258 = arith.andi %add3A_255, %and3A_257 : vector<16xi32>
          %broadcast_in_dim3A_259 = vector.shape_cast %and3A_258 : vector<16xi32> to vector<16x1xi32>
          %gather3A_260 = vector.shape_cast %broadcast_in_dim3A_259 : vector<16x1xi32> to vector<16xi32>
          %gather3A_261 = tpu.dynamic_gather %add3A_251[%gather3A_260] in [0] : vector<16xf32>, vector<16xi32> -> vector<16xf32>
          %add3A_262 = arith.addf %add3A_251, %gather3A_261 : vector<16xf32>
          %iota3A_263 = tpu.iota {dimensions = array<i32: 0>} : vector<16xi32>
          %add3A_264 = arith.constant 2 : i32
          %add3A_265 = vector.broadcast %add3A_264 : i32 to vector<16xi32>
          %add3A_266 = arith.addi %iota3A_263, %add3A_265 : vector<16xi32>
          %and3A_267 = arith.constant 15 : i32
          %and3A_268 = vector.broadcast %and3A_267 : i32 to vector<16xi32>
          %and3A_269 = arith.andi %add3A_266, %and3A_268 : vector<16xi32>
          %broadcast_in_dim3A_270 = vector.shape_cast %and3A_269 : vector<16xi32> to vector<16x1xi32>
          %gather3A_271 = vector.shape_cast %broadcast_in_dim3A_270 : vector<16x1xi32> to vector<16xi32>
          %gather3A_272 = tpu.dynamic_gather %add3A_262[%gather3A_271] in [0] : vector<16xf32>, vector<16xi32> -> vector<16xf32>
          %add3A_273 = arith.addf %add3A_262, %gather3A_272 : vector<16xf32>
          %iota3A_274 = tpu.iota {dimensions = array<i32: 0>} : vector<16xi32>
          %add3A_275 = arith.constant 1 : i32
          %add3A_276 = vector.broadcast %add3A_275 : i32 to vector<16xi32>
          %add3A_277 = arith.addi %iota3A_274, %add3A_276 : vector<16xi32>
          %and3A_278 = arith.constant 15 : i32
          %and3A_279 = vector.broadcast %and3A_278 : i32 to vector<16xi32>
          %and3A_280 = arith.andi %add3A_277, %and3A_279 : vector<16xi32>
          %broadcast_in_dim3A_281 = vector.shape_cast %and3A_280 : vector<16xi32> to vector<16x1xi32>
          %gather3A_282 = vector.shape_cast %broadcast_in_dim3A_281 : vector<16x1xi32> to vector<16xi32>
          %gather3A_283 = tpu.dynamic_gather %add3A_273[%gather3A_282] in [0] : vector<16xf32>, vector<16xi32> -> vector<16xf32>
          %add3A_284 = arith.addf %add3A_273, %gather3A_283 : vector<16xf32>
          %exp3A = math.exp %add3A_284 : vector<16xf32>
          %get3A_285 = arith.constant 0 : i32
          %get3A_286 = arith.index_cast %get3A_285 : i32 to index
          %get3A_287 = arith.index_cast %add3A_124 : i32 to index
          %get3A_288 = arith.constant 64 : index
          %get3A_289 = tpu.vector_load %arg12[%get3A_286, %get3A_287, %get3A_288] {strides = array<i32>} : memref<2x64x128xf32, #tpu.memory_space<vmem>>, vector<1x1x16xf32>,
          %get3A_290 = vector.shape_cast %get3A_289 : vector<1x1x16xf32> to vector<16xf32>
          %mul3A_291 = arith.mulf %exp3A, %get3A_290 : vector<16xf32>
          %swap3A_292 = arith.index_cast %add3A_124 : i32 to index
          %swap3A_293 = arith.constant 0 : index
          %swap3A_294 = tpu.vector_load %arg15[%swap3A_292, %swap3A_293] {strides = array<i32>} : memref<64x128xf32, #tpu.memory_space<vmem>>, vector<1x16xf32>,
          %swap3A_295 = vector.shape_cast %swap3A_294 : vector<1x16xf32> to vector<16xf32>
          %swap3A_296 = vector.shape_cast %mul3A_291 : vector<16xf32> to vector<1x16xf32>
          tpu.vector_store %arg15[%swap3A_292, %swap3A_293], %swap3A_296 {strides = array<i32>} : memref<64x128xf32, #tpu.memory_space<vmem>>, vector<1x16xf32>,
          %get3A_297 = arith.constant 0 : i32
          %get3A_298 = arith.index_cast %get3A_297 : i32 to index
          %get3A_299 = arith.index_cast %add3A_124 : i32 to index
          %get3A_300 = arith.constant 80 : index
          %get3A_301 = tpu.vector_load %arg12[%get3A_298, %get3A_299, %get3A_300] {strides = array<i32>} : memref<2x64x128xf32, #tpu.memory_space<vmem>>, vector<1x1x16xf32>,
          %get3A_302 = vector.shape_cast %get3A_301 : vector<1x1x16xf32> to vector<16xf32>
          %mul3A_303 = arith.mulf %exp3A, %get3A_302 : vector<16xf32>
          %swap3A_304 = arith.index_cast %add3A_124 : i32 to index
          %swap3A_305 = arith.constant 16 : index
          %swap3A_306 = tpu.vector_load %arg15[%swap3A_304, %swap3A_305] {strides = array<i32>} : memref<64x128xf32, #tpu.memory_space<vmem>>, vector<1x16xf32>,
          %swap3A_307 = vector.shape_cast %swap3A_306 : vector<1x16xf32> to vector<16xf32>
          %swap3A_308 = vector.shape_cast %mul3A_303 : vector<16xf32> to vector<1x16xf32>
          tpu.vector_store %arg15[%swap3A_304, %swap3A_305], %swap3A_308 {strides = array<i32>} : memref<64x128xf32, #tpu.memory_space<vmem>>, vector<1x16xf32>,
          %get3A_309 = arith.constant 0 : i32
          %get3A_310 = arith.index_cast %get3A_309 : i32 to index
          %get3A_311 = arith.index_cast %add3A_124 : i32 to index
          %get3A_312 = arith.constant 96 : index
          %get3A_313 = tpu.vector_load %arg12[%get3A_310, %get3A_311, %get3A_312] {strides = array<i32>} : memref<2x64x128xf32, #tpu.memory_space<vmem>>, vector<1x1x16xf32>,
          %get3A_314 = vector.shape_cast %get3A_313 : vector<1x1x16xf32> to vector<16xf32>
          %mul3A_315 = arith.mulf %exp3A, %get3A_314 : vector<16xf32>
          %swap3A_316 = arith.index_cast %add3A_124 : i32 to index
          %swap3A_317 = arith.constant 32 : index
          %swap3A_318 = tpu.vector_load %arg15[%swap3A_316, %swap3A_317] {strides = array<i32>} : memref<64x128xf32, #tpu.memory_space<vmem>>, vector<1x16xf32>,
          %swap3A_319 = vector.shape_cast %swap3A_318 : vector<1x16xf32> to vector<16xf32>
          %swap3A_320 = vector.shape_cast %mul3A_315 : vector<16xf32> to vector<1x16xf32>
          tpu.vector_store %arg15[%swap3A_316, %swap3A_317], %swap3A_320 {strides = array<i32>} : memref<64x128xf32, #tpu.memory_space<vmem>>, vector<1x16xf32>,
          %get3A_321 = arith.constant 0 : i32
          %get3A_322 = arith.index_cast %get3A_321 : i32 to index
          %get3A_323 = arith.index_cast %add3A_124 : i32 to index
          %get3A_324 = arith.constant 112 : index
          %get3A_325 = tpu.vector_load %arg12[%get3A_322, %get3A_323, %get3A_324] {strides = array<i32>} : memref<2x64x128xf32, #tpu.memory_space<vmem>>, vector<1x1x16xf32>,
          %get3A_326 = vector.shape_cast %get3A_325 : vector<1x1x16xf32> to vector<16xf32>
          %mul3A_327 = arith.mulf %exp3A, %get3A_326 : vector<16xf32>
          %swap3A_328 = arith.index_cast %add3A_124 : i32 to index
          %swap3A_329 = arith.constant 48 : index
          %swap3A_330 = tpu.vector_load %arg15[%swap3A_328, %swap3A_329] {strides = array<i32>} : memref<64x128xf32, #tpu.memory_space<vmem>>, vector<1x16xf32>,
          %swap3A_331 = vector.shape_cast %swap3A_330 : vector<1x16xf32> to vector<16xf32>
          %swap3A_332 = vector.shape_cast %mul3A_327 : vector<16xf32> to vector<1x16xf32>
          tpu.vector_store %arg15[%swap3A_328, %swap3A_329], %swap3A_332 {strides = array<i32>} : memref<64x128xf32, #tpu.memory_space<vmem>>, vector<1x16xf32>,
          %iota3A_333 = tpu.iota {dimensions = array<i32: 0>} : vector<16xi32>
          %eq3A = arith.constant 0 : i32
          %eq3A_334 = vector.broadcast %eq3A : i32 to vector<16xi32>
          %eq3A_335 = arith.cmpi eq, %iota3A_333, %eq3A_334 : vector<16xi32>
          %jit3A = arith.constant 0.000000e+00 : f32
          %broadcast_in_dim3A_336 = vector.broadcast %jit3A : f32 to vector<16xf32>
          %select_n3A_337 = arith.select %eq3A_335, %exp3A, %broadcast_in_dim3A_336 : vector<16xi1>, vector<16xf32>
          %swap3A_338 = arith.index_cast %add3A_124 : i32 to index
          %swap3A_339 = arith.constant 64 : index
          %swap3A_340 = tpu.vector_load %arg15[%swap3A_338, %swap3A_339] {strides = array<i32>} : memref<64x128xf32, #tpu.memory_space<vmem>>, vector<1x16xf32>,
          %swap3A_341 = vector.shape_cast %swap3A_340 : vector<1x16xf32> to vector<16xf32>
          %swap3A_342 = vector.shape_cast %select_n3A_337 : vector<16xf32> to vector<1x16xf32>
          tpu.vector_store %arg15[%swap3A_338, %swap3A_339], %swap3A_342 {strides = array<i32>} : memref<64x128xf32, #tpu.memory_space<vmem>>, vector<1x16xf32>,
        }
        %scan3A_119 = arith.constant 64 : i32
        %run_scoped3A = arith.constant 0 : i32
        "tpu.region"() ({
          %run_scoped3A_120 = tpu.sem_alloc : memref<!tpu.dma_semaphore, #tpu.memory_space<semaphore_mem>>
          %dma_start3A = arith.constant 0 : i32
          %dma_start3A_121 = tpu.memref_slice %arg11[%run_scoped3A, %dma_start3A] : memref<2x64xi32, #tpu.memory_space<vmem>> -> memref<1x64xi32, #tpu.memory_space<vmem>>
          %dma_start3A_122 = tpu.memref_squeeze %dma_start3A_121 : memref<1x64xi32, #tpu.memory_space<vmem>> -> memref<64xi32, #tpu.memory_space<vmem>>
          %dma_start3A_123 = arith.constant 0 : i32
          %dma_start3A_124 = arith.constant 0 : i32
          %dma_start3A_125 = tpu.memref_slice %arg18[%dma_start3A_123, %dma_start3A_124] : memref<10112x128xf32, #tpu.memory_space<vmem_shared>> -> memref<10112x128xf32, #tpu.memory_space<vmem_shared>>
          tpu.enqueue_indirect_dma source(%arg15 : memref<64x128xf32, #tpu.memory_space<vmem>>) target(%dma_start3A_125 : memref<10112x128xf32, #tpu.memory_space<vmem_shared>>) offsets(%dma_start3A_122 : memref<64xi32, #tpu.memory_space<vmem>>) semaphore(%run_scoped3A_120 : memref<!tpu.dma_semaphore, #tpu.memory_space<semaphore_mem>>) {add = true}
          %dma_wait3A_126 = arith.constant 0 : i32
          %dma_wait3A_127 = tpu.memref_slice %arg11[%run_scoped3A, %dma_wait3A_126] : memref<2x64xi32, #tpu.memory_space<vmem>> -> memref<1x64xi32, #tpu.memory_space<vmem>>
          %dma_wait3A_128 = tpu.memref_squeeze %dma_wait3A_127 : memref<1x64xi32, #tpu.memory_space<vmem>> -> memref<64xi32, #tpu.memory_space<vmem>>
          %dma_wait3A_129 = arith.constant 0 : i32
          %dma_wait3A_130 = arith.constant 0 : i32
          %dma_wait3A_131 = tpu.memref_slice %arg18[%dma_wait3A_129, %dma_wait3A_130] : memref<10112x128xf32, #tpu.memory_space<vmem_shared>> -> memref<10112x128xf32, #tpu.memory_space<vmem_shared>>
          tpu.wait_indirect_dma semaphore(%run_scoped3A_120 : memref<!tpu.dma_semaphore, #tpu.memory_space<semaphore_mem>>) src(%arg15 : memref<64x128xf32, #tpu.memory_space<vmem>>) dst(%dma_wait3A_131 : memref<10112x128xf32, #tpu.memory_space<vmem_shared>>)
          tpu.yield
        }) : () -> ()
      } else {
      }
      %mul3A_81 = arith.constant 2 : i32
      %mul3A_82 = arith.muli %mul3A_81, %add3A_59 : i32
      %add3A_83 = arith.constant 1 : i32
      %add3A_84 = arith.addi %mul3A_82, %add3A_83 : i32
      %lt3A_85 = arith.cmpi slt, %add3A_84, %min3A_4 : i32
      %convert_element_type3A_86 = arith.extui %lt3A_85 : i1 to i32
      %cond3A_87 = arith.constant 0 : i32
      %cond3A_88 = arith.cmpi ne, %convert_element_type3A_86, %cond3A_87 : i32
      scf.if %cond3A_88 {
        %add3A_89 = arith.addi %mul3A_2, %add3A_84 : i32
        %mul3A_90 = arith.constant 64 : i32
        %mul3A_91 = arith.muli %add3A_89, %mul3A_90 : i32
        "tpu.region"() ({
          %run_scoped3A_120 = tpu.sem_alloc : memref<!tpu.dma_semaphore, #tpu.memory_space<semaphore_mem>>
          %dma_start3A = arith.constant 0 : i32
          %dma_start3A_121 = tpu.memref_slice %arg6[%mul3A_91, %dma_start3A] : memref<160000x64xf32, #tpu.memory_space<hbm>> -> memref<64x64xf32, #tpu.memory_space<hbm>>
          %dma_start3A_122 = arith.constant 0 : i32
          %dma_start3A_123 = tpu.memref_slice %arg6[%mul3A_91, %dma_start3A_122] : memref<160000x64xf32, #tpu.memory_space<hbm>> -> memref<64x64xf32, #tpu.memory_space<hbm>>
          tpu.enqueue_dma source(%dma_start3A_123 : memref<64x64xf32, #tpu.memory_space<hbm>>) target(%arg14 : memref<64x64xf32, #tpu.memory_space<vmem>>) target_semaphore(%run_scoped3A_120 : memref<!tpu.dma_semaphore, #tpu.memory_space<semaphore_mem>>)
          %dma_wait3A_124 = arith.constant 0 : i32
          %dma_wait3A_125 = tpu.memref_slice %arg6[%mul3A_91, %dma_wait3A_124] : memref<160000x64xf32, #tpu.memory_space<hbm>> -> memref<64x64xf32, #tpu.memory_space<hbm>>
          %dma_wait3A_126 = arith.constant 0 : i32
          %dma_wait3A_127 = tpu.memref_slice %arg6[%mul3A_91, %dma_wait3A_126] : memref<160000x64xf32, #tpu.memory_space<hbm>> -> memref<64x64xf32, #tpu.memory_space<hbm>>
          tpu.wait_dma2 semaphore(%run_scoped3A_120 : memref<!tpu.dma_semaphore, #tpu.memory_space<semaphore_mem>>) src(%dma_wait3A_127 : memref<64x64xf32, #tpu.memory_space<hbm>>) dst(%arg14 : memref<64x64xf32, #tpu.memory_space<vmem>>)
          tpu.yield
        }) : () -> ()
        %dma_wait3A = arith.constant 1 : i32
        %dma_wait3A_92 = arith.constant 1 : i32
        %dma_wait3A_93 = arith.constant 0 : i32
        %dma_wait3A_94 = arith.constant 0 : i32
        %dma_wait3A_95 = tpu.memref_slice %arg12[%dma_wait3A_92, %dma_wait3A_93, %dma_wait3A_94] : memref<2x64x128xf32, #tpu.memory_space<vmem>> -> memref<1x64x128xf32, #tpu.memory_space<vmem>>
        %dma_wait3A_96 = tpu.memref_squeeze %dma_wait3A_95 : memref<1x64x128xf32, #tpu.memory_space<vmem>> -> memref<64x128xf32, #tpu.memory_space<vmem>>
        %dma_wait3A_97 = arith.constant 0 : i32
        %dma_wait3A_98 = tpu.memref_slice %arg10[%dma_wait3A, %dma_wait3A_97] : memref<2x64xi32, #tpu.memory_space<vmem>> -> memref<1x64xi32, #tpu.memory_space<vmem>>
        %dma_wait3A_99 = tpu.memref_squeeze %dma_wait3A_98 : memref<1x64xi32, #tpu.memory_space<vmem>> -> memref<64xi32, #tpu.memory_space<vmem>>
        %dma_wait3A_100 = arith.constant 0 : i32
        %dma_wait3A_101 = arith.constant 0 : i32
        %dma_wait3A_102 = tpu.memref_slice %arg2[%dma_wait3A_100, %dma_wait3A_101] : memref<10240x128xf32, #tpu.memory_space<hbm>> -> memref<10240x128xf32, #tpu.memory_space<hbm>>
        tpu.wait_indirect_dma semaphore(%arg21 : memref<!tpu.dma_semaphore, #tpu.memory_space<semaphore_mem>>) src(%dma_wait3A_102 : memref<10240x128xf32, #tpu.memory_space<hbm>>) dst(%dma_wait3A_96 : memref<64x128xf32, #tpu.memory_space<vmem>>)
        %dma_wait3A_103 = arith.constant 1 : i32
        %dma_wait3A_104 = arith.constant 1 : i32
        %dma_wait3A_105 = arith.constant 0 : i32
        %dma_wait3A_106 = arith.constant 0 : i32
        %dma_wait3A_107 = tpu.memref_slice %arg13[%dma_wait3A_104, %dma_wait3A_105, %dma_wait3A_106] : memref<2x64x128xf32, #tpu.memory_space<vmem>> -> memref<1x64x128xf32, #tpu.memory_space<vmem>>
        %dma_wait3A_108 = tpu.memref_squeeze %dma_wait3A_107 : memref<1x64x128xf32, #tpu.memory_space<vmem>> -> memref<64x128xf32, #tpu.memory_space<vmem>>
        %dma_wait3A_109 = arith.constant 0 : i32
        %dma_wait3A_110 = tpu.memref_slice %arg11[%dma_wait3A_103, %dma_wait3A_109] : memref<2x64xi32, #tpu.memory_space<vmem>> -> memref<1x64xi32, #tpu.memory_space<vmem>>
        %dma_wait3A_111 = tpu.memref_squeeze %dma_wait3A_110 : memref<1x64xi32, #tpu.memory_space<vmem>> -> memref<64xi32, #tpu.memory_space<vmem>>
        %dma_wait3A_112 = arith.constant 0 : i32
        %dma_wait3A_113 = arith.constant 0 : i32
        %dma_wait3A_114 = tpu.memref_slice %arg4[%dma_wait3A_112, %dma_wait3A_113] : memref<10240x128xf32, #tpu.memory_space<hbm>> -> memref<10240x128xf32, #tpu.memory_space<hbm>>
        tpu.wait_indirect_dma semaphore(%arg22 : memref<!tpu.dma_semaphore, #tpu.memory_space<semaphore_mem>>) src(%dma_wait3A_114 : memref<10240x128xf32, #tpu.memory_space<hbm>>) dst(%dma_wait3A_108 : memref<64x128xf32, #tpu.memory_space<vmem>>)
        %scan3A_115 = arith.constant 0 : i32
        %scan3A_116 = arith.constant 64 : i32
        %scan3A_117 = arith.addi %scan3A_115, %scan3A_116 : i32
        %scan3A_118 = arith.constant 1 : i32
        scf.for %scan3A_120 = %scan3A_115 to %scan3A_117 step %scan3A_118  : i32 {
          %mul3A_121 = arith.constant 1 : i32
          %mul3A_122 = arith.muli %scan3A_120, %mul3A_121 : i32
          %add3A_123 = arith.constant 0 : i32
          %add3A_124 = arith.addi %add3A_123, %mul3A_122 : i32
          %broadcast_in_dim3A = arith.constant 0.000000e+00 : f32
          %broadcast_in_dim3A_125 = vector.broadcast %broadcast_in_dim3A : f32 to vector<16xf32>
          %get3A_126 = arith.constant 1 : i32
          %get3A_127 = arith.index_cast %get3A_126 : i32 to index
          %get3A_128 = arith.index_cast %add3A_124 : i32 to index
          %get3A_129 = arith.constant 0 : index
          %get3A_130 = tpu.vector_load %arg12[%get3A_127, %get3A_128, %get3A_129] {strides = array<i32>} : memref<2x64x128xf32, #tpu.memory_space<vmem>>, vector<1x1x16xf32>,
          %get3A_131 = vector.shape_cast %get3A_130 : vector<1x1x16xf32> to vector<16xf32>
          %get3A_132 = arith.constant 1 : i32
          %get3A_133 = arith.index_cast %get3A_132 : i32 to index
          %get3A_134 = arith.index_cast %add3A_124 : i32 to index
          %get3A_135 = arith.constant 0 : index
          %get3A_136 = tpu.vector_load %arg13[%get3A_133, %get3A_134, %get3A_135] {strides = array<i32>} : memref<2x64x128xf32, #tpu.memory_space<vmem>>, vector<1x1x16xf32>,
          %get3A_137 = vector.shape_cast %get3A_136 : vector<1x1x16xf32> to vector<16xf32>
          %add3A_138 = arith.addf %get3A_131, %get3A_137 : vector<16xf32>
          %get3A_139 = arith.index_cast %add3A_124 : i32 to index
          %get3A_140 = arith.constant 0 : index
          %get3A_141 = tpu.vector_load %arg14[%get3A_139, %get3A_140] {strides = array<i32>} : memref<64x64xf32, #tpu.memory_space<vmem>>, vector<1x16xf32>,
          %get3A_142 = vector.shape_cast %get3A_141 : vector<1x16xf32> to vector<16xf32>
          %add3A_143 = arith.addf %add3A_138, %get3A_142 : vector<16xf32>
          %ge3A = arith.constant 0.000000e+00 : f32
          %ge3A_144 = vector.broadcast %ge3A : f32 to vector<16xf32>
          %ge3A_145 = arith.cmpf oge, %add3A_143, %ge3A_144 : vector<16xf32>
          %get3A_146 = arith.constant 0 : index
          %get3A_147 = tpu.vector_load %arg16[%get3A_146] {strides = array<i32>} : memref<64xf32, #tpu.memory_space<vmem>>, vector<16xf32>,
          %get3A_148 = vector.shape_cast %get3A_147 : vector<16xf32> to vector<16xf32>
          %get3A_149 = arith.constant 0 : index
          %get3A_150 = tpu.vector_load %arg17[%get3A_149] {strides = array<i32>} : memref<64xf32, #tpu.memory_space<vmem>>, vector<16xf32>,
          %get3A_151 = vector.shape_cast %get3A_150 : vector<16xf32> to vector<16xf32>
          %select_n3A = arith.select %ge3A_145, %get3A_148, %get3A_151 : vector<16xi1>, vector<16xf32>
          %mul3A_152 = arith.mulf %add3A_143, %select_n3A : vector<16xf32>
          %add3A_153 = arith.addf %broadcast_in_dim3A_125, %mul3A_152 : vector<16xf32>
          %get3A_154 = arith.constant 1 : i32
          %get3A_155 = arith.index_cast %get3A_154 : i32 to index
          %get3A_156 = arith.index_cast %add3A_124 : i32 to index
          %get3A_157 = arith.constant 16 : index
          %get3A_158 = tpu.vector_load %arg12[%get3A_155, %get3A_156, %get3A_157] {strides = array<i32>} : memref<2x64x128xf32, #tpu.memory_space<vmem>>, vector<1x1x16xf32>,
          %get3A_159 = vector.shape_cast %get3A_158 : vector<1x1x16xf32> to vector<16xf32>
          %get3A_160 = arith.constant 1 : i32
          %get3A_161 = arith.index_cast %get3A_160 : i32 to index
          %get3A_162 = arith.index_cast %add3A_124 : i32 to index
          %get3A_163 = arith.constant 16 : index
          %get3A_164 = tpu.vector_load %arg13[%get3A_161, %get3A_162, %get3A_163] {strides = array<i32>} : memref<2x64x128xf32, #tpu.memory_space<vmem>>, vector<1x1x16xf32>,
          %get3A_165 = vector.shape_cast %get3A_164 : vector<1x1x16xf32> to vector<16xf32>
          %add3A_166 = arith.addf %get3A_159, %get3A_165 : vector<16xf32>
          %get3A_167 = arith.index_cast %add3A_124 : i32 to index
          %get3A_168 = arith.constant 16 : index
          %get3A_169 = tpu.vector_load %arg14[%get3A_167, %get3A_168] {strides = array<i32>} : memref<64x64xf32, #tpu.memory_space<vmem>>, vector<1x16xf32>,
          %get3A_170 = vector.shape_cast %get3A_169 : vector<1x16xf32> to vector<16xf32>
          %add3A_171 = arith.addf %add3A_166, %get3A_170 : vector<16xf32>
          %ge3A_172 = arith.constant 0.000000e+00 : f32
          %ge3A_173 = vector.broadcast %ge3A_172 : f32 to vector<16xf32>
          %ge3A_174 = arith.cmpf oge, %add3A_171, %ge3A_173 : vector<16xf32>
          %get3A_175 = arith.constant 16 : index
          %get3A_176 = tpu.vector_load %arg16[%get3A_175] {strides = array<i32>} : memref<64xf32, #tpu.memory_space<vmem>>, vector<16xf32>,
          %get3A_177 = vector.shape_cast %get3A_176 : vector<16xf32> to vector<16xf32>
          %get3A_178 = arith.constant 16 : index
          %get3A_179 = tpu.vector_load %arg17[%get3A_178] {strides = array<i32>} : memref<64xf32, #tpu.memory_space<vmem>>, vector<16xf32>,
          %get3A_180 = vector.shape_cast %get3A_179 : vector<16xf32> to vector<16xf32>
          %select_n3A_181 = arith.select %ge3A_174, %get3A_177, %get3A_180 : vector<16xi1>, vector<16xf32>
          %mul3A_182 = arith.mulf %add3A_171, %select_n3A_181 : vector<16xf32>
          %add3A_183 = arith.addf %add3A_153, %mul3A_182 : vector<16xf32>
          %get3A_184 = arith.constant 1 : i32
          %get3A_185 = arith.index_cast %get3A_184 : i32 to index
          %get3A_186 = arith.index_cast %add3A_124 : i32 to index
          %get3A_187 = arith.constant 32 : index
          %get3A_188 = tpu.vector_load %arg12[%get3A_185, %get3A_186, %get3A_187] {strides = array<i32>} : memref<2x64x128xf32, #tpu.memory_space<vmem>>, vector<1x1x16xf32>,
          %get3A_189 = vector.shape_cast %get3A_188 : vector<1x1x16xf32> to vector<16xf32>
          %get3A_190 = arith.constant 1 : i32
          %get3A_191 = arith.index_cast %get3A_190 : i32 to index
          %get3A_192 = arith.index_cast %add3A_124 : i32 to index
          %get3A_193 = arith.constant 32 : index
          %get3A_194 = tpu.vector_load %arg13[%get3A_191, %get3A_192, %get3A_193] {strides = array<i32>} : memref<2x64x128xf32, #tpu.memory_space<vmem>>, vector<1x1x16xf32>,
          %get3A_195 = vector.shape_cast %get3A_194 : vector<1x1x16xf32> to vector<16xf32>
          %add3A_196 = arith.addf %get3A_189, %get3A_195 : vector<16xf32>
          %get3A_197 = arith.index_cast %add3A_124 : i32 to index
          %get3A_198 = arith.constant 32 : index
          %get3A_199 = tpu.vector_load %arg14[%get3A_197, %get3A_198] {strides = array<i32>} : memref<64x64xf32, #tpu.memory_space<vmem>>, vector<1x16xf32>,
          %get3A_200 = vector.shape_cast %get3A_199 : vector<1x16xf32> to vector<16xf32>
          %add3A_201 = arith.addf %add3A_196, %get3A_200 : vector<16xf32>
          %ge3A_202 = arith.constant 0.000000e+00 : f32
          %ge3A_203 = vector.broadcast %ge3A_202 : f32 to vector<16xf32>
          %ge3A_204 = arith.cmpf oge, %add3A_201, %ge3A_203 : vector<16xf32>
          %get3A_205 = arith.constant 32 : index
          %get3A_206 = tpu.vector_load %arg16[%get3A_205] {strides = array<i32>} : memref<64xf32, #tpu.memory_space<vmem>>, vector<16xf32>,
          %get3A_207 = vector.shape_cast %get3A_206 : vector<16xf32> to vector<16xf32>
          %get3A_208 = arith.constant 32 : index
          %get3A_209 = tpu.vector_load %arg17[%get3A_208] {strides = array<i32>} : memref<64xf32, #tpu.memory_space<vmem>>, vector<16xf32>,
          %get3A_210 = vector.shape_cast %get3A_209 : vector<16xf32> to vector<16xf32>
          %select_n3A_211 = arith.select %ge3A_204, %get3A_207, %get3A_210 : vector<16xi1>, vector<16xf32>
          %mul3A_212 = arith.mulf %add3A_201, %select_n3A_211 : vector<16xf32>
          %add3A_213 = arith.addf %add3A_183, %mul3A_212 : vector<16xf32>
          %get3A_214 = arith.constant 1 : i32
          %get3A_215 = arith.index_cast %get3A_214 : i32 to index
          %get3A_216 = arith.index_cast %add3A_124 : i32 to index
          %get3A_217 = arith.constant 48 : index
          %get3A_218 = tpu.vector_load %arg12[%get3A_215, %get3A_216, %get3A_217] {strides = array<i32>} : memref<2x64x128xf32, #tpu.memory_space<vmem>>, vector<1x1x16xf32>,
          %get3A_219 = vector.shape_cast %get3A_218 : vector<1x1x16xf32> to vector<16xf32>
          %get3A_220 = arith.constant 1 : i32
          %get3A_221 = arith.index_cast %get3A_220 : i32 to index
          %get3A_222 = arith.index_cast %add3A_124 : i32 to index
          %get3A_223 = arith.constant 48 : index
          %get3A_224 = tpu.vector_load %arg13[%get3A_221, %get3A_222, %get3A_223] {strides = array<i32>} : memref<2x64x128xf32, #tpu.memory_space<vmem>>, vector<1x1x16xf32>,
          %get3A_225 = vector.shape_cast %get3A_224 : vector<1x1x16xf32> to vector<16xf32>
          %add3A_226 = arith.addf %get3A_219, %get3A_225 : vector<16xf32>
          %get3A_227 = arith.index_cast %add3A_124 : i32 to index
          %get3A_228 = arith.constant 48 : index
          %get3A_229 = tpu.vector_load %arg14[%get3A_227, %get3A_228] {strides = array<i32>} : memref<64x64xf32, #tpu.memory_space<vmem>>, vector<1x16xf32>,
          %get3A_230 = vector.shape_cast %get3A_229 : vector<1x16xf32> to vector<16xf32>
          %add3A_231 = arith.addf %add3A_226, %get3A_230 : vector<16xf32>
          %ge3A_232 = arith.constant 0.000000e+00 : f32
          %ge3A_233 = vector.broadcast %ge3A_232 : f32 to vector<16xf32>
          %ge3A_234 = arith.cmpf oge, %add3A_231, %ge3A_233 : vector<16xf32>
          %get3A_235 = arith.constant 48 : index
          %get3A_236 = tpu.vector_load %arg16[%get3A_235] {strides = array<i32>} : memref<64xf32, #tpu.memory_space<vmem>>, vector<16xf32>,
          %get3A_237 = vector.shape_cast %get3A_236 : vector<16xf32> to vector<16xf32>
          %get3A_238 = arith.constant 48 : index
          %get3A_239 = tpu.vector_load %arg17[%get3A_238] {strides = array<i32>} : memref<64xf32, #tpu.memory_space<vmem>>, vector<16xf32>,
          %get3A_240 = vector.shape_cast %get3A_239 : vector<16xf32> to vector<16xf32>
          %select_n3A_241 = arith.select %ge3A_234, %get3A_237, %get3A_240 : vector<16xi1>, vector<16xf32>
          %mul3A_242 = arith.mulf %add3A_231, %select_n3A_241 : vector<16xf32>
          %add3A_243 = arith.addf %add3A_213, %mul3A_242 : vector<16xf32>
          %iota3A = tpu.iota {dimensions = array<i32: 0>} : vector<16xi32>
          %add3A_244 = arith.constant 8 : i32
          %add3A_245 = vector.broadcast %add3A_244 : i32 to vector<16xi32>
          %add3A_246 = arith.addi %iota3A, %add3A_245 : vector<16xi32>
          %and3A = arith.constant 15 : i32
          %and3A_247 = vector.broadcast %and3A : i32 to vector<16xi32>
          %and3A_248 = arith.andi %add3A_246, %and3A_247 : vector<16xi32>
          %broadcast_in_dim3A_249 = vector.shape_cast %and3A_248 : vector<16xi32> to vector<16x1xi32>
          %gather3A = vector.shape_cast %broadcast_in_dim3A_249 : vector<16x1xi32> to vector<16xi32>
          %gather3A_250 = tpu.dynamic_gather %add3A_243[%gather3A] in [0] : vector<16xf32>, vector<16xi32> -> vector<16xf32>
          %add3A_251 = arith.addf %add3A_243, %gather3A_250 : vector<16xf32>
          %iota3A_252 = tpu.iota {dimensions = array<i32: 0>} : vector<16xi32>
          %add3A_253 = arith.constant 4 : i32
          %add3A_254 = vector.broadcast %add3A_253 : i32 to vector<16xi32>
          %add3A_255 = arith.addi %iota3A_252, %add3A_254 : vector<16xi32>
          %and3A_256 = arith.constant 15 : i32
          %and3A_257 = vector.broadcast %and3A_256 : i32 to vector<16xi32>
          %and3A_258 = arith.andi %add3A_255, %and3A_257 : vector<16xi32>
          %broadcast_in_dim3A_259 = vector.shape_cast %and3A_258 : vector<16xi32> to vector<16x1xi32>
          %gather3A_260 = vector.shape_cast %broadcast_in_dim3A_259 : vector<16x1xi32> to vector<16xi32>
          %gather3A_261 = tpu.dynamic_gather %add3A_251[%gather3A_260] in [0] : vector<16xf32>, vector<16xi32> -> vector<16xf32>
          %add3A_262 = arith.addf %add3A_251, %gather3A_261 : vector<16xf32>
          %iota3A_263 = tpu.iota {dimensions = array<i32: 0>} : vector<16xi32>
          %add3A_264 = arith.constant 2 : i32
          %add3A_265 = vector.broadcast %add3A_264 : i32 to vector<16xi32>
          %add3A_266 = arith.addi %iota3A_263, %add3A_265 : vector<16xi32>
          %and3A_267 = arith.constant 15 : i32
          %and3A_268 = vector.broadcast %and3A_267 : i32 to vector<16xi32>
          %and3A_269 = arith.andi %add3A_266, %and3A_268 : vector<16xi32>
          %broadcast_in_dim3A_270 = vector.shape_cast %and3A_269 : vector<16xi32> to vector<16x1xi32>
          %gather3A_271 = vector.shape_cast %broadcast_in_dim3A_270 : vector<16x1xi32> to vector<16xi32>
          %gather3A_272 = tpu.dynamic_gather %add3A_262[%gather3A_271] in [0] : vector<16xf32>, vector<16xi32> -> vector<16xf32>
          %add3A_273 = arith.addf %add3A_262, %gather3A_272 : vector<16xf32>
          %iota3A_274 = tpu.iota {dimensions = array<i32: 0>} : vector<16xi32>
          %add3A_275 = arith.constant 1 : i32
          %add3A_276 = vector.broadcast %add3A_275 : i32 to vector<16xi32>
          %add3A_277 = arith.addi %iota3A_274, %add3A_276 : vector<16xi32>
          %and3A_278 = arith.constant 15 : i32
          %and3A_279 = vector.broadcast %and3A_278 : i32 to vector<16xi32>
          %and3A_280 = arith.andi %add3A_277, %and3A_279 : vector<16xi32>
          %broadcast_in_dim3A_281 = vector.shape_cast %and3A_280 : vector<16xi32> to vector<16x1xi32>
          %gather3A_282 = vector.shape_cast %broadcast_in_dim3A_281 : vector<16x1xi32> to vector<16xi32>
          %gather3A_283 = tpu.dynamic_gather %add3A_273[%gather3A_282] in [0] : vector<16xf32>, vector<16xi32> -> vector<16xf32>
          %add3A_284 = arith.addf %add3A_273, %gather3A_283 : vector<16xf32>
          %exp3A = math.exp %add3A_284 : vector<16xf32>
          %get3A_285 = arith.constant 1 : i32
          %get3A_286 = arith.index_cast %get3A_285 : i32 to index
          %get3A_287 = arith.index_cast %add3A_124 : i32 to index
          %get3A_288 = arith.constant 64 : index
          %get3A_289 = tpu.vector_load %arg12[%get3A_286, %get3A_287, %get3A_288] {strides = array<i32>} : memref<2x64x128xf32, #tpu.memory_space<vmem>>, vector<1x1x16xf32>,
          %get3A_290 = vector.shape_cast %get3A_289 : vector<1x1x16xf32> to vector<16xf32>
          %mul3A_291 = arith.mulf %exp3A, %get3A_290 : vector<16xf32>
          %swap3A_292 = arith.index_cast %add3A_124 : i32 to index
          %swap3A_293 = arith.constant 0 : index
          %swap3A_294 = tpu.vector_load %arg15[%swap3A_292, %swap3A_293] {strides = array<i32>} : memref<64x128xf32, #tpu.memory_space<vmem>>, vector<1x16xf32>,
          %swap3A_295 = vector.shape_cast %swap3A_294 : vector<1x16xf32> to vector<16xf32>
          %swap3A_296 = vector.shape_cast %mul3A_291 : vector<16xf32> to vector<1x16xf32>
          tpu.vector_store %arg15[%swap3A_292, %swap3A_293], %swap3A_296 {strides = array<i32>} : memref<64x128xf32, #tpu.memory_space<vmem>>, vector<1x16xf32>,
          %get3A_297 = arith.constant 1 : i32
          %get3A_298 = arith.index_cast %get3A_297 : i32 to index
          %get3A_299 = arith.index_cast %add3A_124 : i32 to index
          %get3A_300 = arith.constant 80 : index
          %get3A_301 = tpu.vector_load %arg12[%get3A_298, %get3A_299, %get3A_300] {strides = array<i32>} : memref<2x64x128xf32, #tpu.memory_space<vmem>>, vector<1x1x16xf32>,
          %get3A_302 = vector.shape_cast %get3A_301 : vector<1x1x16xf32> to vector<16xf32>
          %mul3A_303 = arith.mulf %exp3A, %get3A_302 : vector<16xf32>
          %swap3A_304 = arith.index_cast %add3A_124 : i32 to index
          %swap3A_305 = arith.constant 16 : index
          %swap3A_306 = tpu.vector_load %arg15[%swap3A_304, %swap3A_305] {strides = array<i32>} : memref<64x128xf32, #tpu.memory_space<vmem>>, vector<1x16xf32>,
          %swap3A_307 = vector.shape_cast %swap3A_306 : vector<1x16xf32> to vector<16xf32>
          %swap3A_308 = vector.shape_cast %mul3A_303 : vector<16xf32> to vector<1x16xf32>
          tpu.vector_store %arg15[%swap3A_304, %swap3A_305], %swap3A_308 {strides = array<i32>} : memref<64x128xf32, #tpu.memory_space<vmem>>, vector<1x16xf32>,
          %get3A_309 = arith.constant 1 : i32
          %get3A_310 = arith.index_cast %get3A_309 : i32 to index
          %get3A_311 = arith.index_cast %add3A_124 : i32 to index
          %get3A_312 = arith.constant 96 : index
          %get3A_313 = tpu.vector_load %arg12[%get3A_310, %get3A_311, %get3A_312] {strides = array<i32>} : memref<2x64x128xf32, #tpu.memory_space<vmem>>, vector<1x1x16xf32>,
          %get3A_314 = vector.shape_cast %get3A_313 : vector<1x1x16xf32> to vector<16xf32>
          %mul3A_315 = arith.mulf %exp3A, %get3A_314 : vector<16xf32>
          %swap3A_316 = arith.index_cast %add3A_124 : i32 to index
          %swap3A_317 = arith.constant 32 : index
          %swap3A_318 = tpu.vector_load %arg15[%swap3A_316, %swap3A_317] {strides = array<i32>} : memref<64x128xf32, #tpu.memory_space<vmem>>, vector<1x16xf32>,
          %swap3A_319 = vector.shape_cast %swap3A_318 : vector<1x16xf32> to vector<16xf32>
          %swap3A_320 = vector.shape_cast %mul3A_315 : vector<16xf32> to vector<1x16xf32>
          tpu.vector_store %arg15[%swap3A_316, %swap3A_317], %swap3A_320 {strides = array<i32>} : memref<64x128xf32, #tpu.memory_space<vmem>>, vector<1x16xf32>,
          %get3A_321 = arith.constant 1 : i32
          %get3A_322 = arith.index_cast %get3A_321 : i32 to index
          %get3A_323 = arith.index_cast %add3A_124 : i32 to index
          %get3A_324 = arith.constant 112 : index
          %get3A_325 = tpu.vector_load %arg12[%get3A_322, %get3A_323, %get3A_324] {strides = array<i32>} : memref<2x64x128xf32, #tpu.memory_space<vmem>>, vector<1x1x16xf32>,
          %get3A_326 = vector.shape_cast %get3A_325 : vector<1x1x16xf32> to vector<16xf32>
          %mul3A_327 = arith.mulf %exp3A, %get3A_326 : vector<16xf32>
          %swap3A_328 = arith.index_cast %add3A_124 : i32 to index
          %swap3A_329 = arith.constant 48 : index
          %swap3A_330 = tpu.vector_load %arg15[%swap3A_328, %swap3A_329] {strides = array<i32>} : memref<64x128xf32, #tpu.memory_space<vmem>>, vector<1x16xf32>,
          %swap3A_331 = vector.shape_cast %swap3A_330 : vector<1x16xf32> to vector<16xf32>
          %swap3A_332 = vector.shape_cast %mul3A_327 : vector<16xf32> to vector<1x16xf32>
          tpu.vector_store %arg15[%swap3A_328, %swap3A_329], %swap3A_332 {strides = array<i32>} : memref<64x128xf32, #tpu.memory_space<vmem>>, vector<1x16xf32>,
          %iota3A_333 = tpu.iota {dimensions = array<i32: 0>} : vector<16xi32>
          %eq3A = arith.constant 0 : i32
          %eq3A_334 = vector.broadcast %eq3A : i32 to vector<16xi32>
          %eq3A_335 = arith.cmpi eq, %iota3A_333, %eq3A_334 : vector<16xi32>
          %jit3A = arith.constant 0.000000e+00 : f32
          %broadcast_in_dim3A_336 = vector.broadcast %jit3A : f32 to vector<16xf32>
          %select_n3A_337 = arith.select %eq3A_335, %exp3A, %broadcast_in_dim3A_336 : vector<16xi1>, vector<16xf32>
          %swap3A_338 = arith.index_cast %add3A_124 : i32 to index
          %swap3A_339 = arith.constant 64 : index
          %swap3A_340 = tpu.vector_load %arg15[%swap3A_338, %swap3A_339] {strides = array<i32>} : memref<64x128xf32, #tpu.memory_space<vmem>>, vector<1x16xf32>,
          %swap3A_341 = vector.shape_cast %swap3A_340 : vector<1x16xf32> to vector<16xf32>
          %swap3A_342 = vector.shape_cast %select_n3A_337 : vector<16xf32> to vector<1x16xf32>
          tpu.vector_store %arg15[%swap3A_338, %swap3A_339], %swap3A_342 {strides = array<i32>} : memref<64x128xf32, #tpu.memory_space<vmem>>, vector<1x16xf32>,
        }
        %scan3A_119 = arith.constant 64 : i32
        %run_scoped3A = arith.constant 1 : i32
        "tpu.region"() ({
          %run_scoped3A_120 = tpu.sem_alloc : memref<!tpu.dma_semaphore, #tpu.memory_space<semaphore_mem>>
          %dma_start3A = arith.constant 0 : i32
          %dma_start3A_121 = tpu.memref_slice %arg11[%run_scoped3A, %dma_start3A] : memref<2x64xi32, #tpu.memory_space<vmem>> -> memref<1x64xi32, #tpu.memory_space<vmem>>
          %dma_start3A_122 = tpu.memref_squeeze %dma_start3A_121 : memref<1x64xi32, #tpu.memory_space<vmem>> -> memref<64xi32, #tpu.memory_space<vmem>>
          %dma_start3A_123 = arith.constant 0 : i32
          %dma_start3A_124 = arith.constant 0 : i32
          %dma_start3A_125 = tpu.memref_slice %arg18[%dma_start3A_123, %dma_start3A_124] : memref<10112x128xf32, #tpu.memory_space<vmem_shared>> -> memref<10112x128xf32, #tpu.memory_space<vmem_shared>>
          tpu.enqueue_indirect_dma source(%arg15 : memref<64x128xf32, #tpu.memory_space<vmem>>) target(%dma_start3A_125 : memref<10112x128xf32, #tpu.memory_space<vmem_shared>>) offsets(%dma_start3A_122 : memref<64xi32, #tpu.memory_space<vmem>>) semaphore(%run_scoped3A_120 : memref<!tpu.dma_semaphore, #tpu.memory_space<semaphore_mem>>) {add = true}
          %dma_wait3A_126 = arith.constant 0 : i32
          %dma_wait3A_127 = tpu.memref_slice %arg11[%run_scoped3A, %dma_wait3A_126] : memref<2x64xi32, #tpu.memory_space<vmem>> -> memref<1x64xi32, #tpu.memory_space<vmem>>
          %dma_wait3A_128 = tpu.memref_squeeze %dma_wait3A_127 : memref<1x64xi32, #tpu.memory_space<vmem>> -> memref<64xi32, #tpu.memory_space<vmem>>
          %dma_wait3A_129 = arith.constant 0 : i32
          %dma_wait3A_130 = arith.constant 0 : i32
          %dma_wait3A_131 = tpu.memref_slice %arg18[%dma_wait3A_129, %dma_wait3A_130] : memref<10112x128xf32, #tpu.memory_space<vmem_shared>> -> memref<10112x128xf32, #tpu.memory_space<vmem_shared>>
          tpu.wait_indirect_dma semaphore(%run_scoped3A_120 : memref<!tpu.dma_semaphore, #tpu.memory_space<semaphore_mem>>) src(%arg15 : memref<64x128xf32, #tpu.memory_space<vmem>>) dst(%dma_wait3A_131 : memref<10112x128xf32, #tpu.memory_space<vmem_shared>>)
          tpu.yield
        }) : () -> ()
      } else {
      }
    }
    %scan3A_53 = arith.constant 40 : i32
    %barrier3A_54 = arith.constant 0 : index
    tpu.barrier barrier_id(%barrier3A_54)
    "tpu.region"() ({
      %run_scoped3A = tpu.sem_alloc : memref<!tpu.dma_semaphore, #tpu.memory_space<semaphore_mem>>
      %dma_start3A = arith.constant 0 : i32
      %dma_start3A_55 = tpu.memref_slice %arg9[%arg0, %mul3A_6, %dma_start3A] : memref<2x10112x128xf32, #tpu.memory_space<hbm>> -> memref<1x632x128xf32, #tpu.memory_space<hbm>>
      %dma_start3A_56 = tpu.memref_squeeze %dma_start3A_55 : memref<1x632x128xf32, #tpu.memory_space<hbm>> -> memref<632x128xf32, #tpu.memory_space<hbm>>
      %dma_start3A_57 = arith.constant 0 : i32
      %dma_start3A_58 = tpu.memref_slice %arg18[%mul3A_6, %dma_start3A_57] : memref<10112x128xf32, #tpu.memory_space<vmem_shared>> -> memref<632x128xf32, #tpu.memory_space<vmem_shared>>
      tpu.enqueue_dma source(%dma_start3A_58 : memref<632x128xf32, #tpu.memory_space<vmem_shared>>) target(%dma_start3A_56 : memref<632x128xf32, #tpu.memory_space<hbm>>) target_semaphore(%run_scoped3A : memref<!tpu.dma_semaphore, #tpu.memory_space<semaphore_mem>>)
      %dma_wait3A = arith.constant 0 : i32
      %dma_wait3A_59 = tpu.memref_slice %arg9[%arg0, %mul3A_6, %dma_wait3A] : memref<2x10112x128xf32, #tpu.memory_space<hbm>> -> memref<1x632x128xf32, #tpu.memory_space<hbm>>
      %dma_wait3A_60 = tpu.memref_squeeze %dma_wait3A_59 : memref<1x632x128xf32, #tpu.memory_space<hbm>> -> memref<632x128xf32, #tpu.memory_space<hbm>>
      %dma_wait3A_61 = arith.constant 0 : i32
      %dma_wait3A_62 = tpu.memref_slice %arg18[%mul3A_6, %dma_wait3A_61] : memref<10112x128xf32, #tpu.memory_space<vmem_shared>> -> memref<632x128xf32, #tpu.memory_space<vmem_shared>>
      tpu.wait_dma2 semaphore(%run_scoped3A : memref<!tpu.dma_semaphore, #tpu.memory_space<semaphore_mem>>) src(%dma_wait3A_62 : memref<632x128xf32, #tpu.memory_space<vmem_shared>>) dst(%dma_wait3A_60 : memref<632x128xf32, #tpu.memory_space<hbm>>)
      tpu.yield
    }) : () -> ()
    return
  }
}

#map = affine_map<(d0, d1) -> (0, 0)>
#map1 = affine_map<(d0, d1) -> (0)>
#map2 = affine_map<(d0, d1) -> (0, 0, 0)>
module attributes {stable_mosaic.version = 14 : i64} {
  func.func @scatter_add(%arg0: i32, %arg1: i32, %arg2: memref<160000x128xf32, #tpu.memory_space<hbm>>, %arg3: memref<163840xi32, #tpu.memory_space<hbm>>, %arg4: memref<640x128xf32, #tpu.memory_space<hbm>>, %arg5: memref<2x10240x128xf32, #tpu.memory_space<hbm>>, %arg6: memref<5120xi32, #tpu.memory_space<vmem>>, %arg7: memref<2x128x128xf32, #tpu.memory_space<vmem>>, %arg8: memref<10240x128xf32, #tpu.memory_space<vmem_shared>>, %arg9: memref<!tpu.dma_semaphore, #tpu.memory_space<semaphore_mem>>, %arg10: memref<!tpu.dma_semaphore, #tpu.memory_space<semaphore_mem>>) attributes {dimension_semantics = [#tpu.dimension_semantics<core_parallel>, #tpu.dimension_semantics<subcore_parallel>], iteration_bounds = array<i64: 2, 16>, scalar_prefetch = 0 : i64, scratch_operands = 5 : i64, tpu.core_type = #tpu.core_type<sc_vector_subcore>, window_params = [{transform_indices = #map}, {transform_indices = #map1}, {transform_indices = #map}, {transform_indices = #map2}]} {
    %mul3A = arith.constant 2 : i32
    %mul3A_0 = arith.muli %arg1, %mul3A : i32
    %add3A = arith.addi %mul3A_0, %arg0 : i32
    %mul3A_1 = arith.constant 40 : i32
    %mul3A_2 = arith.muli %add3A, %mul3A_1 : i32
    %sub3A = arith.constant 1250 : i32
    %sub3A_3 = arith.subi %sub3A, %mul3A_2 : i32
    %min3A = arith.constant 40 : i32
    %min3A_4 = arith.minsi %min3A, %sub3A_3 : i32
    %mul3A_5 = arith.constant 640 : i32
    %mul3A_6 = arith.muli %arg1, %mul3A_5 : i32
    "tpu.region"() ({
      %run_scoped3A = tpu.sem_alloc : memref<!tpu.dma_semaphore, #tpu.memory_space<semaphore_mem>>
      %dma_start3A = arith.constant 0 : i32
      %dma_start3A_14 = tpu.memref_slice %arg8[%mul3A_6, %dma_start3A] : memref<10240x128xf32, #tpu.memory_space<vmem_shared>> -> memref<640x128xf32, #tpu.memory_space<vmem_shared>>
      tpu.enqueue_dma source(%arg4 : memref<640x128xf32, #tpu.memory_space<hbm>>) target(%dma_start3A_14 : memref<640x128xf32, #tpu.memory_space<vmem_shared>>) target_semaphore(%run_scoped3A : memref<!tpu.dma_semaphore, #tpu.memory_space<semaphore_mem>>)
      %dma_wait3A = arith.constant 0 : i32
      %dma_wait3A_15 = tpu.memref_slice %arg8[%mul3A_6, %dma_wait3A] : memref<10240x128xf32, #tpu.memory_space<vmem_shared>> -> memref<640x128xf32, #tpu.memory_space<vmem_shared>>
      tpu.wait_dma2 semaphore(%run_scoped3A : memref<!tpu.dma_semaphore, #tpu.memory_space<semaphore_mem>>) src(%arg4 : memref<640x128xf32, #tpu.memory_space<hbm>>) dst(%dma_wait3A_15 : memref<640x128xf32, #tpu.memory_space<vmem_shared>>)
      tpu.yield
    }) : () -> ()
    %mul3A_7 = arith.constant 128 : i32
    %mul3A_8 = arith.muli %mul3A_2, %mul3A_7 : i32
    "tpu.region"() ({
      %run_scoped3A = tpu.sem_alloc : memref<!tpu.dma_semaphore, #tpu.memory_space<semaphore_mem>>
      %dma_start3A = tpu.memref_slice %arg3[%mul3A_8] : memref<163840xi32, #tpu.memory_space<hbm>> -> memref<5120xi32, #tpu.memory_space<hbm>>
      %dma_start3A_14 = tpu.memref_slice %arg3[%mul3A_8] : memref<163840xi32, #tpu.memory_space<hbm>> -> memref<5120xi32, #tpu.memory_space<hbm>>
      tpu.enqueue_dma source(%dma_start3A_14 : memref<5120xi32, #tpu.memory_space<hbm>>) target(%arg6 : memref<5120xi32, #tpu.memory_space<vmem>>) target_semaphore(%run_scoped3A : memref<!tpu.dma_semaphore, #tpu.memory_space<semaphore_mem>>)
      %dma_wait3A = tpu.memref_slice %arg3[%mul3A_8] : memref<163840xi32, #tpu.memory_space<hbm>> -> memref<5120xi32, #tpu.memory_space<hbm>>
      %dma_wait3A_15 = tpu.memref_slice %arg3[%mul3A_8] : memref<163840xi32, #tpu.memory_space<hbm>> -> memref<5120xi32, #tpu.memory_space<hbm>>
      tpu.wait_dma2 semaphore(%run_scoped3A : memref<!tpu.dma_semaphore, #tpu.memory_space<semaphore_mem>>) src(%dma_wait3A_15 : memref<5120xi32, #tpu.memory_space<hbm>>) dst(%arg6 : memref<5120xi32, #tpu.memory_space<vmem>>)
      tpu.yield
    }) : () -> ()
    %barrier3A = arith.constant 0 : index
    tpu.barrier barrier_id(%barrier3A)
    %scan3A = arith.constant 0 : i32
    %scan3A_9 = arith.constant 20 : i32
    %scan3A_10 = arith.addi %scan3A, %scan3A_9 : i32
    %scan3A_11 = arith.constant 1 : i32
    scf.for %scan3A_14 = %scan3A to %scan3A_10 step %scan3A_11  : i32 {
      %mul3A_15 = arith.constant 1 : i32
      %mul3A_16 = arith.muli %scan3A_14, %mul3A_15 : i32
      %add3A_17 = arith.constant 0 : i32
      %add3A_18 = arith.addi %add3A_17, %mul3A_16 : i32
      %mul3A_19 = arith.constant 2 : i32
      %mul3A_20 = arith.muli %mul3A_19, %add3A_18 : i32
      %add3A_21 = arith.constant 0 : i32
      %add3A_22 = arith.addi %mul3A_20, %add3A_21 : i32
      %lt3A = arith.cmpi slt, %add3A_22, %min3A_4 : i32
      %convert_element_type3A = arith.extui %lt3A : i1 to i32
      %cond3A = arith.constant 0 : i32
      %cond3A_23 = arith.cmpi ne, %convert_element_type3A, %cond3A : i32
      scf.if %cond3A_23 {
        %add3A_48 = arith.addi %mul3A_2, %add3A_22 : i32
        %mul3A_49 = arith.constant 128 : i32
        %mul3A_50 = arith.muli %add3A_48, %mul3A_49 : i32
        %dma_start3A = arith.constant 0 : i32
        %dma_start3A_51 = arith.constant 0 : i32
        %dma_start3A_52 = arith.constant 0 : i32
        %dma_start3A_53 = tpu.memref_slice %arg7[%dma_start3A, %dma_start3A_51, %dma_start3A_52] : memref<2x128x128xf32, #tpu.memory_space<vmem>> -> memref<1x128x128xf32, #tpu.memory_space<vmem>>
        %dma_start3A_54 = tpu.memref_squeeze %dma_start3A_53 : memref<1x128x128xf32, #tpu.memory_space<vmem>> -> memref<128x128xf32, #tpu.memory_space<vmem>>
        %dma_start3A_55 = arith.constant 0 : i32
        %dma_start3A_56 = tpu.memref_slice %arg2[%mul3A_50, %dma_start3A_55] : memref<160000x128xf32, #tpu.memory_space<hbm>> -> memref<128x128xf32, #tpu.memory_space<hbm>>
        %dma_start3A_57 = arith.constant 0 : i32
        %dma_start3A_58 = arith.constant 0 : i32
        %dma_start3A_59 = tpu.memref_slice %arg7[%dma_start3A, %dma_start3A_57, %dma_start3A_58] : memref<2x128x128xf32, #tpu.memory_space<vmem>> -> memref<1x128x128xf32, #tpu.memory_space<vmem>>
        %dma_start3A_60 = tpu.memref_squeeze %dma_start3A_59 : memref<1x128x128xf32, #tpu.memory_space<vmem>> -> memref<128x128xf32, #tpu.memory_space<vmem>>
        %dma_start3A_61 = arith.constant 0 : i32
        %dma_start3A_62 = tpu.memref_slice %arg2[%mul3A_50, %dma_start3A_61] : memref<160000x128xf32, #tpu.memory_space<hbm>> -> memref<128x128xf32, #tpu.memory_space<hbm>>
        tpu.enqueue_dma source(%dma_start3A_62 : memref<128x128xf32, #tpu.memory_space<hbm>>) target(%dma_start3A_60 : memref<128x128xf32, #tpu.memory_space<vmem>>) target_semaphore(%arg9 : memref<!tpu.dma_semaphore, #tpu.memory_space<semaphore_mem>>)
      } else {
      }
      %mul3A_24 = arith.constant 2 : i32
      %mul3A_25 = arith.muli %mul3A_24, %add3A_18 : i32
      %add3A_26 = arith.constant 1 : i32
      %add3A_27 = arith.addi %mul3A_25, %add3A_26 : i32
      %lt3A_28 = arith.cmpi slt, %add3A_27, %min3A_4 : i32
      %convert_element_type3A_29 = arith.extui %lt3A_28 : i1 to i32
      %cond3A_30 = arith.constant 0 : i32
      %cond3A_31 = arith.cmpi ne, %convert_element_type3A_29, %cond3A_30 : i32
      scf.if %cond3A_31 {
        %add3A_48 = arith.addi %mul3A_2, %add3A_27 : i32
        %mul3A_49 = arith.constant 128 : i32
        %mul3A_50 = arith.muli %add3A_48, %mul3A_49 : i32
        %dma_start3A = arith.constant 1 : i32
        %dma_start3A_51 = arith.constant 0 : i32
        %dma_start3A_52 = arith.constant 0 : i32
        %dma_start3A_53 = tpu.memref_slice %arg7[%dma_start3A, %dma_start3A_51, %dma_start3A_52] : memref<2x128x128xf32, #tpu.memory_space<vmem>> -> memref<1x128x128xf32, #tpu.memory_space<vmem>>
        %dma_start3A_54 = tpu.memref_squeeze %dma_start3A_53 : memref<1x128x128xf32, #tpu.memory_space<vmem>> -> memref<128x128xf32, #tpu.memory_space<vmem>>
        %dma_start3A_55 = arith.constant 0 : i32
        %dma_start3A_56 = tpu.memref_slice %arg2[%mul3A_50, %dma_start3A_55] : memref<160000x128xf32, #tpu.memory_space<hbm>> -> memref<128x128xf32, #tpu.memory_space<hbm>>
        %dma_start3A_57 = arith.constant 0 : i32
        %dma_start3A_58 = arith.constant 0 : i32
        %dma_start3A_59 = tpu.memref_slice %arg7[%dma_start3A, %dma_start3A_57, %dma_start3A_58] : memref<2x128x128xf32, #tpu.memory_space<vmem>> -> memref<1x128x128xf32, #tpu.memory_space<vmem>>
        %dma_start3A_60 = tpu.memref_squeeze %dma_start3A_59 : memref<1x128x128xf32, #tpu.memory_space<vmem>> -> memref<128x128xf32, #tpu.memory_space<vmem>>
        %dma_start3A_61 = arith.constant 0 : i32
        %dma_start3A_62 = tpu.memref_slice %arg2[%mul3A_50, %dma_start3A_61] : memref<160000x128xf32, #tpu.memory_space<hbm>> -> memref<128x128xf32, #tpu.memory_space<hbm>>
        tpu.enqueue_dma source(%dma_start3A_62 : memref<128x128xf32, #tpu.memory_space<hbm>>) target(%dma_start3A_60 : memref<128x128xf32, #tpu.memory_space<vmem>>) target_semaphore(%arg10 : memref<!tpu.dma_semaphore, #tpu.memory_space<semaphore_mem>>)
      } else {
      }
      %mul3A_32 = arith.constant 2 : i32
      %mul3A_33 = arith.muli %mul3A_32, %add3A_18 : i32
      %add3A_34 = arith.constant 0 : i32
      %add3A_35 = arith.addi %mul3A_33, %add3A_34 : i32
      %lt3A_36 = arith.cmpi slt, %add3A_35, %min3A_4 : i32
      %convert_element_type3A_37 = arith.extui %lt3A_36 : i1 to i32
      %cond3A_38 = arith.constant 0 : i32
      %cond3A_39 = arith.cmpi ne, %convert_element_type3A_37, %cond3A_38 : i32
      scf.if %cond3A_39 {
        %add3A_48 = arith.addi %mul3A_2, %add3A_35 : i32
        %mul3A_49 = arith.constant 128 : i32
        %mul3A_50 = arith.muli %add3A_48, %mul3A_49 : i32
        %dma_wait3A = arith.constant 0 : i32
        %dma_wait3A_51 = arith.constant 0 : i32
        %dma_wait3A_52 = arith.constant 0 : i32
        %dma_wait3A_53 = tpu.memref_slice %arg7[%dma_wait3A, %dma_wait3A_51, %dma_wait3A_52] : memref<2x128x128xf32, #tpu.memory_space<vmem>> -> memref<1x128x128xf32, #tpu.memory_space<vmem>>
        %dma_wait3A_54 = tpu.memref_squeeze %dma_wait3A_53 : memref<1x128x128xf32, #tpu.memory_space<vmem>> -> memref<128x128xf32, #tpu.memory_space<vmem>>
        %dma_wait3A_55 = arith.constant 0 : i32
        %dma_wait3A_56 = tpu.memref_slice %arg2[%mul3A_50, %dma_wait3A_55] : memref<160000x128xf32, #tpu.memory_space<hbm>> -> memref<128x128xf32, #tpu.memory_space<hbm>>
        %dma_wait3A_57 = arith.constant 0 : i32
        %dma_wait3A_58 = arith.constant 0 : i32
        %dma_wait3A_59 = tpu.memref_slice %arg7[%dma_wait3A, %dma_wait3A_57, %dma_wait3A_58] : memref<2x128x128xf32, #tpu.memory_space<vmem>> -> memref<1x128x128xf32, #tpu.memory_space<vmem>>
        %dma_wait3A_60 = tpu.memref_squeeze %dma_wait3A_59 : memref<1x128x128xf32, #tpu.memory_space<vmem>> -> memref<128x128xf32, #tpu.memory_space<vmem>>
        %dma_wait3A_61 = arith.constant 0 : i32
        %dma_wait3A_62 = tpu.memref_slice %arg2[%mul3A_50, %dma_wait3A_61] : memref<160000x128xf32, #tpu.memory_space<hbm>> -> memref<128x128xf32, #tpu.memory_space<hbm>>
        tpu.wait_dma2 semaphore(%arg9 : memref<!tpu.dma_semaphore, #tpu.memory_space<semaphore_mem>>) src(%dma_wait3A_62 : memref<128x128xf32, #tpu.memory_space<hbm>>) dst(%dma_wait3A_60 : memref<128x128xf32, #tpu.memory_space<vmem>>)
        %mul3A_63 = arith.constant 128 : i32
        %mul3A_64 = arith.muli %add3A_35, %mul3A_63 : i32
        %run_scoped3A = arith.constant 0 : i32
        "tpu.region"() ({
          %run_scoped3A_65 = tpu.sem_alloc : memref<!tpu.dma_semaphore, #tpu.memory_space<semaphore_mem>>
          %dma_start3A = arith.constant 0 : i32
          %dma_start3A_66 = arith.constant 0 : i32
          %dma_start3A_67 = tpu.memref_slice %arg7[%run_scoped3A, %dma_start3A, %dma_start3A_66] : memref<2x128x128xf32, #tpu.memory_space<vmem>> -> memref<1x128x128xf32, #tpu.memory_space<vmem>>
          %dma_start3A_68 = tpu.memref_squeeze %dma_start3A_67 : memref<1x128x128xf32, #tpu.memory_space<vmem>> -> memref<128x128xf32, #tpu.memory_space<vmem>>
          %dma_start3A_69 = tpu.memref_slice %arg6[%mul3A_64] : memref<5120xi32, #tpu.memory_space<vmem>> -> memref<128xi32, #tpu.memory_space<vmem>>
          %dma_start3A_70 = arith.constant 0 : i32
          %dma_start3A_71 = arith.constant 0 : i32
          %dma_start3A_72 = tpu.memref_slice %arg8[%dma_start3A_70, %dma_start3A_71] : memref<10240x128xf32, #tpu.memory_space<vmem_shared>> -> memref<10240x128xf32, #tpu.memory_space<vmem_shared>>
          tpu.enqueue_indirect_dma source(%dma_start3A_68 : memref<128x128xf32, #tpu.memory_space<vmem>>) target(%dma_start3A_72 : memref<10240x128xf32, #tpu.memory_space<vmem_shared>>) offsets(%dma_start3A_69 : memref<128xi32, #tpu.memory_space<vmem>>) semaphore(%run_scoped3A_65 : memref<!tpu.dma_semaphore, #tpu.memory_space<semaphore_mem>>) {add = true}
          %dma_wait3A_73 = arith.constant 0 : i32
          %dma_wait3A_74 = arith.constant 0 : i32
          %dma_wait3A_75 = tpu.memref_slice %arg7[%run_scoped3A, %dma_wait3A_73, %dma_wait3A_74] : memref<2x128x128xf32, #tpu.memory_space<vmem>> -> memref<1x128x128xf32, #tpu.memory_space<vmem>>
          %dma_wait3A_76 = tpu.memref_squeeze %dma_wait3A_75 : memref<1x128x128xf32, #tpu.memory_space<vmem>> -> memref<128x128xf32, #tpu.memory_space<vmem>>
          %dma_wait3A_77 = tpu.memref_slice %arg6[%mul3A_64] : memref<5120xi32, #tpu.memory_space<vmem>> -> memref<128xi32, #tpu.memory_space<vmem>>
          %dma_wait3A_78 = arith.constant 0 : i32
          %dma_wait3A_79 = arith.constant 0 : i32
          %dma_wait3A_80 = tpu.memref_slice %arg8[%dma_wait3A_78, %dma_wait3A_79] : memref<10240x128xf32, #tpu.memory_space<vmem_shared>> -> memref<10240x128xf32, #tpu.memory_space<vmem_shared>>
          tpu.wait_indirect_dma semaphore(%run_scoped3A_65 : memref<!tpu.dma_semaphore, #tpu.memory_space<semaphore_mem>>) src(%dma_wait3A_76 : memref<128x128xf32, #tpu.memory_space<vmem>>) dst(%dma_wait3A_80 : memref<10240x128xf32, #tpu.memory_space<vmem_shared>>)
          tpu.yield
        }) : () -> ()
      } else {
      }
      %mul3A_40 = arith.constant 2 : i32
      %mul3A_41 = arith.muli %mul3A_40, %add3A_18 : i32
      %add3A_42 = arith.constant 1 : i32
      %add3A_43 = arith.addi %mul3A_41, %add3A_42 : i32
      %lt3A_44 = arith.cmpi slt, %add3A_43, %min3A_4 : i32
      %convert_element_type3A_45 = arith.extui %lt3A_44 : i1 to i32
      %cond3A_46 = arith.constant 0 : i32
      %cond3A_47 = arith.cmpi ne, %convert_element_type3A_45, %cond3A_46 : i32
      scf.if %cond3A_47 {
        %add3A_48 = arith.addi %mul3A_2, %add3A_43 : i32
        %mul3A_49 = arith.constant 128 : i32
        %mul3A_50 = arith.muli %add3A_48, %mul3A_49 : i32
        %dma_wait3A = arith.constant 1 : i32
        %dma_wait3A_51 = arith.constant 0 : i32
        %dma_wait3A_52 = arith.constant 0 : i32
        %dma_wait3A_53 = tpu.memref_slice %arg7[%dma_wait3A, %dma_wait3A_51, %dma_wait3A_52] : memref<2x128x128xf32, #tpu.memory_space<vmem>> -> memref<1x128x128xf32, #tpu.memory_space<vmem>>
        %dma_wait3A_54 = tpu.memref_squeeze %dma_wait3A_53 : memref<1x128x128xf32, #tpu.memory_space<vmem>> -> memref<128x128xf32, #tpu.memory_space<vmem>>
        %dma_wait3A_55 = arith.constant 0 : i32
        %dma_wait3A_56 = tpu.memref_slice %arg2[%mul3A_50, %dma_wait3A_55] : memref<160000x128xf32, #tpu.memory_space<hbm>> -> memref<128x128xf32, #tpu.memory_space<hbm>>
        %dma_wait3A_57 = arith.constant 0 : i32
        %dma_wait3A_58 = arith.constant 0 : i32
        %dma_wait3A_59 = tpu.memref_slice %arg7[%dma_wait3A, %dma_wait3A_57, %dma_wait3A_58] : memref<2x128x128xf32, #tpu.memory_space<vmem>> -> memref<1x128x128xf32, #tpu.memory_space<vmem>>
        %dma_wait3A_60 = tpu.memref_squeeze %dma_wait3A_59 : memref<1x128x128xf32, #tpu.memory_space<vmem>> -> memref<128x128xf32, #tpu.memory_space<vmem>>
        %dma_wait3A_61 = arith.constant 0 : i32
        %dma_wait3A_62 = tpu.memref_slice %arg2[%mul3A_50, %dma_wait3A_61] : memref<160000x128xf32, #tpu.memory_space<hbm>> -> memref<128x128xf32, #tpu.memory_space<hbm>>
        tpu.wait_dma2 semaphore(%arg10 : memref<!tpu.dma_semaphore, #tpu.memory_space<semaphore_mem>>) src(%dma_wait3A_62 : memref<128x128xf32, #tpu.memory_space<hbm>>) dst(%dma_wait3A_60 : memref<128x128xf32, #tpu.memory_space<vmem>>)
        %mul3A_63 = arith.constant 128 : i32
        %mul3A_64 = arith.muli %add3A_43, %mul3A_63 : i32
        %run_scoped3A = arith.constant 1 : i32
        "tpu.region"() ({
          %run_scoped3A_65 = tpu.sem_alloc : memref<!tpu.dma_semaphore, #tpu.memory_space<semaphore_mem>>
          %dma_start3A = arith.constant 0 : i32
          %dma_start3A_66 = arith.constant 0 : i32
          %dma_start3A_67 = tpu.memref_slice %arg7[%run_scoped3A, %dma_start3A, %dma_start3A_66] : memref<2x128x128xf32, #tpu.memory_space<vmem>> -> memref<1x128x128xf32, #tpu.memory_space<vmem>>
          %dma_start3A_68 = tpu.memref_squeeze %dma_start3A_67 : memref<1x128x128xf32, #tpu.memory_space<vmem>> -> memref<128x128xf32, #tpu.memory_space<vmem>>
          %dma_start3A_69 = tpu.memref_slice %arg6[%mul3A_64] : memref<5120xi32, #tpu.memory_space<vmem>> -> memref<128xi32, #tpu.memory_space<vmem>>
          %dma_start3A_70 = arith.constant 0 : i32
          %dma_start3A_71 = arith.constant 0 : i32
          %dma_start3A_72 = tpu.memref_slice %arg8[%dma_start3A_70, %dma_start3A_71] : memref<10240x128xf32, #tpu.memory_space<vmem_shared>> -> memref<10240x128xf32, #tpu.memory_space<vmem_shared>>
          tpu.enqueue_indirect_dma source(%dma_start3A_68 : memref<128x128xf32, #tpu.memory_space<vmem>>) target(%dma_start3A_72 : memref<10240x128xf32, #tpu.memory_space<vmem_shared>>) offsets(%dma_start3A_69 : memref<128xi32, #tpu.memory_space<vmem>>) semaphore(%run_scoped3A_65 : memref<!tpu.dma_semaphore, #tpu.memory_space<semaphore_mem>>) {add = true}
          %dma_wait3A_73 = arith.constant 0 : i32
          %dma_wait3A_74 = arith.constant 0 : i32
          %dma_wait3A_75 = tpu.memref_slice %arg7[%run_scoped3A, %dma_wait3A_73, %dma_wait3A_74] : memref<2x128x128xf32, #tpu.memory_space<vmem>> -> memref<1x128x128xf32, #tpu.memory_space<vmem>>
          %dma_wait3A_76 = tpu.memref_squeeze %dma_wait3A_75 : memref<1x128x128xf32, #tpu.memory_space<vmem>> -> memref<128x128xf32, #tpu.memory_space<vmem>>
          %dma_wait3A_77 = tpu.memref_slice %arg6[%mul3A_64] : memref<5120xi32, #tpu.memory_space<vmem>> -> memref<128xi32, #tpu.memory_space<vmem>>
          %dma_wait3A_78 = arith.constant 0 : i32
          %dma_wait3A_79 = arith.constant 0 : i32
          %dma_wait3A_80 = tpu.memref_slice %arg8[%dma_wait3A_78, %dma_wait3A_79] : memref<10240x128xf32, #tpu.memory_space<vmem_shared>> -> memref<10240x128xf32, #tpu.memory_space<vmem_shared>>
          tpu.wait_indirect_dma semaphore(%run_scoped3A_65 : memref<!tpu.dma_semaphore, #tpu.memory_space<semaphore_mem>>) src(%dma_wait3A_76 : memref<128x128xf32, #tpu.memory_space<vmem>>) dst(%dma_wait3A_80 : memref<10240x128xf32, #tpu.memory_space<vmem_shared>>)
          tpu.yield
        }) : () -> ()
      } else {
      }
    }
    %scan3A_12 = arith.constant 20 : i32
    %barrier3A_13 = arith.constant 0 : index
    tpu.barrier barrier_id(%barrier3A_13)
    "tpu.region"() ({
      %run_scoped3A = tpu.sem_alloc : memref<!tpu.dma_semaphore, #tpu.memory_space<semaphore_mem>>
      %dma_start3A = arith.constant 0 : i32
      %dma_start3A_14 = tpu.memref_slice %arg5[%arg0, %mul3A_6, %dma_start3A] : memref<2x10240x128xf32, #tpu.memory_space<hbm>> -> memref<1x640x128xf32, #tpu.memory_space<hbm>>
      %dma_start3A_15 = tpu.memref_squeeze %dma_start3A_14 : memref<1x640x128xf32, #tpu.memory_space<hbm>> -> memref<640x128xf32, #tpu.memory_space<hbm>>
      %dma_start3A_16 = arith.constant 0 : i32
      %dma_start3A_17 = tpu.memref_slice %arg8[%mul3A_6, %dma_start3A_16] : memref<10240x128xf32, #tpu.memory_space<vmem_shared>> -> memref<640x128xf32, #tpu.memory_space<vmem_shared>>
      tpu.enqueue_dma source(%dma_start3A_17 : memref<640x128xf32, #tpu.memory_space<vmem_shared>>) target(%dma_start3A_15 : memref<640x128xf32, #tpu.memory_space<hbm>>) target_semaphore(%run_scoped3A : memref<!tpu.dma_semaphore, #tpu.memory_space<semaphore_mem>>)
      %dma_wait3A = arith.constant 0 : i32
      %dma_wait3A_18 = tpu.memref_slice %arg5[%arg0, %mul3A_6, %dma_wait3A] : memref<2x10240x128xf32, #tpu.memory_space<hbm>> -> memref<1x640x128xf32, #tpu.memory_space<hbm>>
      %dma_wait3A_19 = tpu.memref_squeeze %dma_wait3A_18 : memref<1x640x128xf32, #tpu.memory_space<hbm>> -> memref<640x128xf32, #tpu.memory_space<hbm>>
      %dma_wait3A_20 = arith.constant 0 : i32
      %dma_wait3A_21 = tpu.memref_slice %arg8[%mul3A_6, %dma_wait3A_20] : memref<10240x128xf32, #tpu.memory_space<vmem_shared>> -> memref<640x128xf32, #tpu.memory_space<vmem_shared>>
      tpu.wait_dma2 semaphore(%run_scoped3A : memref<!tpu.dma_semaphore, #tpu.memory_space<semaphore_mem>>) src(%dma_wait3A_21 : memref<640x128xf32, #tpu.memory_space<vmem_shared>>) dst(%dma_wait3A_19 : memref<640x128xf32, #tpu.memory_space<hbm>>)
      tpu.yield
    }) : () -> ()
    return
  }
}

#map = affine_map<(d0, d1) -> (0, 0)>
#map1 = affine_map<(d0, d1) -> (0)>
module attributes {stable_mosaic.version = 14 : i64} {
  func.func @gather2(%arg0: i32, %arg1: i32, %arg2: memref<10240x128xf32, #tpu.memory_space<hbm>>, %arg3: memref<163840xi32, #tpu.memory_space<hbm>>, %arg4: memref<10240x128xf32, #tpu.memory_space<hbm>>, %arg5: memref<163840xi32, #tpu.memory_space<hbm>>, %arg6: memref<160000x128xf32, #tpu.memory_space<hbm>>, %arg7: memref<160000x128xf32, #tpu.memory_space<hbm>>, %arg8: memref<5120xi32, #tpu.memory_space<vmem>>, %arg9: memref<5120xi32, #tpu.memory_space<vmem>>, %arg10: memref<2x128x128xf32, #tpu.memory_space<vmem>>, %arg11: memref<2x128x128xf32, #tpu.memory_space<vmem>>, %arg12: memref<!tpu.dma_semaphore, #tpu.memory_space<semaphore_mem>>, %arg13: memref<!tpu.dma_semaphore, #tpu.memory_space<semaphore_mem>>, %arg14: memref<!tpu.dma_semaphore, #tpu.memory_space<semaphore_mem>>, %arg15: memref<!tpu.dma_semaphore, #tpu.memory_space<semaphore_mem>>) attributes {dimension_semantics = [#tpu.dimension_semantics<core_parallel>, #tpu.dimension_semantics<subcore_parallel>], iteration_bounds = array<i64: 2, 16>, scalar_prefetch = 0 : i64, scratch_operands = 8 : i64, tpu.core_type = #tpu.core_type<sc_vector_subcore>, window_params = [{transform_indices = #map}, {transform_indices = #map1}, {transform_indices = #map}, {transform_indices = #map1}, {transform_indices = #map}, {transform_indices = #map}]} {
    %mul3A = arith.constant 2 : i32
    %mul3A_0 = arith.muli %arg1, %mul3A : i32
    %add3A = arith.addi %mul3A_0, %arg0 : i32
    %mul3A_1 = arith.constant 40 : i32
    %mul3A_2 = arith.muli %add3A, %mul3A_1 : i32
    %sub3A = arith.constant 1250 : i32
    %sub3A_3 = arith.subi %sub3A, %mul3A_2 : i32
    %min3A = arith.constant 40 : i32
    %min3A_4 = arith.minsi %min3A, %sub3A_3 : i32
    %mul3A_5 = arith.constant 128 : i32
    %mul3A_6 = arith.muli %mul3A_2, %mul3A_5 : i32
    "tpu.region"() ({
      %run_scoped3A = tpu.sem_alloc : memref<!tpu.dma_semaphore, #tpu.memory_space<semaphore_mem>>
      %dma_start3A = tpu.memref_slice %arg3[%mul3A_6] : memref<163840xi32, #tpu.memory_space<hbm>> -> memref<5120xi32, #tpu.memory_space<hbm>>
      %dma_start3A_13 = tpu.memref_slice %arg3[%mul3A_6] : memref<163840xi32, #tpu.memory_space<hbm>> -> memref<5120xi32, #tpu.memory_space<hbm>>
      tpu.enqueue_dma source(%dma_start3A_13 : memref<5120xi32, #tpu.memory_space<hbm>>) target(%arg8 : memref<5120xi32, #tpu.memory_space<vmem>>) target_semaphore(%run_scoped3A : memref<!tpu.dma_semaphore, #tpu.memory_space<semaphore_mem>>)
      %dma_wait3A = tpu.memref_slice %arg3[%mul3A_6] : memref<163840xi32, #tpu.memory_space<hbm>> -> memref<5120xi32, #tpu.memory_space<hbm>>
      %dma_wait3A_14 = tpu.memref_slice %arg3[%mul3A_6] : memref<163840xi32, #tpu.memory_space<hbm>> -> memref<5120xi32, #tpu.memory_space<hbm>>
      tpu.wait_dma2 semaphore(%run_scoped3A : memref<!tpu.dma_semaphore, #tpu.memory_space<semaphore_mem>>) src(%dma_wait3A_14 : memref<5120xi32, #tpu.memory_space<hbm>>) dst(%arg8 : memref<5120xi32, #tpu.memory_space<vmem>>)
      tpu.yield
    }) : () -> ()
    %mul3A_7 = arith.constant 128 : i32
    %mul3A_8 = arith.muli %mul3A_2, %mul3A_7 : i32
    "tpu.region"() ({
      %run_scoped3A = tpu.sem_alloc : memref<!tpu.dma_semaphore, #tpu.memory_space<semaphore_mem>>
      %dma_start3A = tpu.memref_slice %arg5[%mul3A_8] : memref<163840xi32, #tpu.memory_space<hbm>> -> memref<5120xi32, #tpu.memory_space<hbm>>
      %dma_start3A_13 = tpu.memref_slice %arg5[%mul3A_8] : memref<163840xi32, #tpu.memory_space<hbm>> -> memref<5120xi32, #tpu.memory_space<hbm>>
      tpu.enqueue_dma source(%dma_start3A_13 : memref<5120xi32, #tpu.memory_space<hbm>>) target(%arg9 : memref<5120xi32, #tpu.memory_space<vmem>>) target_semaphore(%run_scoped3A : memref<!tpu.dma_semaphore, #tpu.memory_space<semaphore_mem>>)
      %dma_wait3A = tpu.memref_slice %arg5[%mul3A_8] : memref<163840xi32, #tpu.memory_space<hbm>> -> memref<5120xi32, #tpu.memory_space<hbm>>
      %dma_wait3A_14 = tpu.memref_slice %arg5[%mul3A_8] : memref<163840xi32, #tpu.memory_space<hbm>> -> memref<5120xi32, #tpu.memory_space<hbm>>
      tpu.wait_dma2 semaphore(%run_scoped3A : memref<!tpu.dma_semaphore, #tpu.memory_space<semaphore_mem>>) src(%dma_wait3A_14 : memref<5120xi32, #tpu.memory_space<hbm>>) dst(%arg9 : memref<5120xi32, #tpu.memory_space<vmem>>)
      tpu.yield
    }) : () -> ()
    %scan3A = arith.constant 0 : i32
    %scan3A_9 = arith.constant 20 : i32
    %scan3A_10 = arith.addi %scan3A, %scan3A_9 : i32
    %scan3A_11 = arith.constant 1 : i32
    scf.for %scan3A_13 = %scan3A to %scan3A_10 step %scan3A_11  : i32 {
      %mul3A_14 = arith.constant 1 : i32
      %mul3A_15 = arith.muli %scan3A_13, %mul3A_14 : i32
      %add3A_16 = arith.constant 0 : i32
      %add3A_17 = arith.addi %add3A_16, %mul3A_15 : i32
      %mul3A_18 = arith.constant 2 : i32
      %mul3A_19 = arith.muli %mul3A_18, %add3A_17 : i32
      %add3A_20 = arith.constant 0 : i32
      %add3A_21 = arith.addi %mul3A_19, %add3A_20 : i32
      %lt3A = arith.cmpi slt, %add3A_21, %min3A_4 : i32
      %convert_element_type3A = arith.extui %lt3A : i1 to i32
      %cond3A = arith.constant 0 : i32
      %cond3A_22 = arith.cmpi ne, %convert_element_type3A, %cond3A : i32
      scf.if %cond3A_22 {
        %mul3A_47 = arith.constant 128 : i32
        %mul3A_48 = arith.muli %add3A_21, %mul3A_47 : i32
        %dma_start3A = arith.constant 0 : i32
        %dma_start3A_49 = arith.constant 0 : i32
        %dma_start3A_50 = arith.constant 0 : i32
        %dma_start3A_51 = tpu.memref_slice %arg10[%dma_start3A, %dma_start3A_49, %dma_start3A_50] : memref<2x128x128xf32, #tpu.memory_space<vmem>> -> memref<1x128x128xf32, #tpu.memory_space<vmem>>
        %dma_start3A_52 = tpu.memref_squeeze %dma_start3A_51 : memref<1x128x128xf32, #tpu.memory_space<vmem>> -> memref<128x128xf32, #tpu.memory_space<vmem>>
        %dma_start3A_53 = tpu.memref_slice %arg8[%mul3A_48] : memref<5120xi32, #tpu.memory_space<vmem>> -> memref<128xi32, #tpu.memory_space<vmem>>
        %dma_start3A_54 = arith.constant 0 : i32
        %dma_start3A_55 = arith.constant 0 : i32
        %dma_start3A_56 = tpu.memref_slice %arg2[%dma_start3A_54, %dma_start3A_55] : memref<10240x128xf32, #tpu.memory_space<hbm>> -> memref<10240x128xf32, #tpu.memory_space<hbm>>
        tpu.enqueue_indirect_dma source(%dma_start3A_56 : memref<10240x128xf32, #tpu.memory_space<hbm>>) target(%dma_start3A_52 : memref<128x128xf32, #tpu.memory_space<vmem>>) offsets(%dma_start3A_53 : memref<128xi32, #tpu.memory_space<vmem>>) semaphore(%arg12 : memref<!tpu.dma_semaphore, #tpu.memory_space<semaphore_mem>>)
        %mul3A_57 = arith.constant 128 : i32
        %mul3A_58 = arith.muli %add3A_21, %mul3A_57 : i32
        %dma_start3A_59 = arith.constant 0 : i32
        %dma_start3A_60 = arith.constant 0 : i32
        %dma_start3A_61 = arith.constant 0 : i32
        %dma_start3A_62 = tpu.memref_slice %arg11[%dma_start3A_59, %dma_start3A_60, %dma_start3A_61] : memref<2x128x128xf32, #tpu.memory_space<vmem>> -> memref<1x128x128xf32, #tpu.memory_space<vmem>>
        %dma_start3A_63 = tpu.memref_squeeze %dma_start3A_62 : memref<1x128x128xf32, #tpu.memory_space<vmem>> -> memref<128x128xf32, #tpu.memory_space<vmem>>
        %dma_start3A_64 = tpu.memref_slice %arg9[%mul3A_58] : memref<5120xi32, #tpu.memory_space<vmem>> -> memref<128xi32, #tpu.memory_space<vmem>>
        %dma_start3A_65 = arith.constant 0 : i32
        %dma_start3A_66 = arith.constant 0 : i32
        %dma_start3A_67 = tpu.memref_slice %arg4[%dma_start3A_65, %dma_start3A_66] : memref<10240x128xf32, #tpu.memory_space<hbm>> -> memref<10240x128xf32, #tpu.memory_space<hbm>>
        tpu.enqueue_indirect_dma source(%dma_start3A_67 : memref<10240x128xf32, #tpu.memory_space<hbm>>) target(%dma_start3A_63 : memref<128x128xf32, #tpu.memory_space<vmem>>) offsets(%dma_start3A_64 : memref<128xi32, #tpu.memory_space<vmem>>) semaphore(%arg13 : memref<!tpu.dma_semaphore, #tpu.memory_space<semaphore_mem>>)
      } else {
      }
      %mul3A_23 = arith.constant 2 : i32
      %mul3A_24 = arith.muli %mul3A_23, %add3A_17 : i32
      %add3A_25 = arith.constant 1 : i32
      %add3A_26 = arith.addi %mul3A_24, %add3A_25 : i32
      %lt3A_27 = arith.cmpi slt, %add3A_26, %min3A_4 : i32
      %convert_element_type3A_28 = arith.extui %lt3A_27 : i1 to i32
      %cond3A_29 = arith.constant 0 : i32
      %cond3A_30 = arith.cmpi ne, %convert_element_type3A_28, %cond3A_29 : i32
      scf.if %cond3A_30 {
        %mul3A_47 = arith.constant 128 : i32
        %mul3A_48 = arith.muli %add3A_26, %mul3A_47 : i32
        %dma_start3A = arith.constant 1 : i32
        %dma_start3A_49 = arith.constant 0 : i32
        %dma_start3A_50 = arith.constant 0 : i32
        %dma_start3A_51 = tpu.memref_slice %arg10[%dma_start3A, %dma_start3A_49, %dma_start3A_50] : memref<2x128x128xf32, #tpu.memory_space<vmem>> -> memref<1x128x128xf32, #tpu.memory_space<vmem>>
        %dma_start3A_52 = tpu.memref_squeeze %dma_start3A_51 : memref<1x128x128xf32, #tpu.memory_space<vmem>> -> memref<128x128xf32, #tpu.memory_space<vmem>>
        %dma_start3A_53 = tpu.memref_slice %arg8[%mul3A_48] : memref<5120xi32, #tpu.memory_space<vmem>> -> memref<128xi32, #tpu.memory_space<vmem>>
        %dma_start3A_54 = arith.constant 0 : i32
        %dma_start3A_55 = arith.constant 0 : i32
        %dma_start3A_56 = tpu.memref_slice %arg2[%dma_start3A_54, %dma_start3A_55] : memref<10240x128xf32, #tpu.memory_space<hbm>> -> memref<10240x128xf32, #tpu.memory_space<hbm>>
        tpu.enqueue_indirect_dma source(%dma_start3A_56 : memref<10240x128xf32, #tpu.memory_space<hbm>>) target(%dma_start3A_52 : memref<128x128xf32, #tpu.memory_space<vmem>>) offsets(%dma_start3A_53 : memref<128xi32, #tpu.memory_space<vmem>>) semaphore(%arg14 : memref<!tpu.dma_semaphore, #tpu.memory_space<semaphore_mem>>)
        %mul3A_57 = arith.constant 128 : i32
        %mul3A_58 = arith.muli %add3A_26, %mul3A_57 : i32
        %dma_start3A_59 = arith.constant 1 : i32
        %dma_start3A_60 = arith.constant 0 : i32
        %dma_start3A_61 = arith.constant 0 : i32
        %dma_start3A_62 = tpu.memref_slice %arg11[%dma_start3A_59, %dma_start3A_60, %dma_start3A_61] : memref<2x128x128xf32, #tpu.memory_space<vmem>> -> memref<1x128x128xf32, #tpu.memory_space<vmem>>
        %dma_start3A_63 = tpu.memref_squeeze %dma_start3A_62 : memref<1x128x128xf32, #tpu.memory_space<vmem>> -> memref<128x128xf32, #tpu.memory_space<vmem>>
        %dma_start3A_64 = tpu.memref_slice %arg9[%mul3A_58] : memref<5120xi32, #tpu.memory_space<vmem>> -> memref<128xi32, #tpu.memory_space<vmem>>
        %dma_start3A_65 = arith.constant 0 : i32
        %dma_start3A_66 = arith.constant 0 : i32
        %dma_start3A_67 = tpu.memref_slice %arg4[%dma_start3A_65, %dma_start3A_66] : memref<10240x128xf32, #tpu.memory_space<hbm>> -> memref<10240x128xf32, #tpu.memory_space<hbm>>
        tpu.enqueue_indirect_dma source(%dma_start3A_67 : memref<10240x128xf32, #tpu.memory_space<hbm>>) target(%dma_start3A_63 : memref<128x128xf32, #tpu.memory_space<vmem>>) offsets(%dma_start3A_64 : memref<128xi32, #tpu.memory_space<vmem>>) semaphore(%arg15 : memref<!tpu.dma_semaphore, #tpu.memory_space<semaphore_mem>>)
      } else {
      }
      %mul3A_31 = arith.constant 2 : i32
      %mul3A_32 = arith.muli %mul3A_31, %add3A_17 : i32
      %add3A_33 = arith.constant 0 : i32
      %add3A_34 = arith.addi %mul3A_32, %add3A_33 : i32
      %lt3A_35 = arith.cmpi slt, %add3A_34, %min3A_4 : i32
      %convert_element_type3A_36 = arith.extui %lt3A_35 : i1 to i32
      %cond3A_37 = arith.constant 0 : i32
      %cond3A_38 = arith.cmpi ne, %convert_element_type3A_36, %cond3A_37 : i32
      scf.if %cond3A_38 {
        %add3A_47 = arith.addi %mul3A_2, %add3A_34 : i32
        %mul3A_48 = arith.constant 128 : i32
        %mul3A_49 = arith.muli %add3A_47, %mul3A_48 : i32
        %mul3A_50 = arith.constant 128 : i32
        %mul3A_51 = arith.muli %add3A_34, %mul3A_50 : i32
        %dma_wait3A = arith.constant 0 : i32
        %dma_wait3A_52 = arith.constant 0 : i32
        %dma_wait3A_53 = arith.constant 0 : i32
        %dma_wait3A_54 = tpu.memref_slice %arg10[%dma_wait3A, %dma_wait3A_52, %dma_wait3A_53] : memref<2x128x128xf32, #tpu.memory_space<vmem>> -> memref<1x128x128xf32, #tpu.memory_space<vmem>>
        %dma_wait3A_55 = tpu.memref_squeeze %dma_wait3A_54 : memref<1x128x128xf32, #tpu.memory_space<vmem>> -> memref<128x128xf32, #tpu.memory_space<vmem>>
        %dma_wait3A_56 = tpu.memref_slice %arg8[%mul3A_51] : memref<5120xi32, #tpu.memory_space<vmem>> -> memref<128xi32, #tpu.memory_space<vmem>>
        %dma_wait3A_57 = arith.constant 0 : i32
        %dma_wait3A_58 = arith.constant 0 : i32
        %dma_wait3A_59 = tpu.memref_slice %arg2[%dma_wait3A_57, %dma_wait3A_58] : memref<10240x128xf32, #tpu.memory_space<hbm>> -> memref<10240x128xf32, #tpu.memory_space<hbm>>
        tpu.wait_indirect_dma semaphore(%arg12 : memref<!tpu.dma_semaphore, #tpu.memory_space<semaphore_mem>>) src(%dma_wait3A_59 : memref<10240x128xf32, #tpu.memory_space<hbm>>) dst(%dma_wait3A_55 : memref<128x128xf32, #tpu.memory_space<vmem>>)
        %mul3A_60 = arith.constant 128 : i32
        %mul3A_61 = arith.muli %add3A_34, %mul3A_60 : i32
        %dma_wait3A_62 = arith.constant 0 : i32
        %dma_wait3A_63 = arith.constant 0 : i32
        %dma_wait3A_64 = arith.constant 0 : i32
        %dma_wait3A_65 = tpu.memref_slice %arg11[%dma_wait3A_62, %dma_wait3A_63, %dma_wait3A_64] : memref<2x128x128xf32, #tpu.memory_space<vmem>> -> memref<1x128x128xf32, #tpu.memory_space<vmem>>
        %dma_wait3A_66 = tpu.memref_squeeze %dma_wait3A_65 : memref<1x128x128xf32, #tpu.memory_space<vmem>> -> memref<128x128xf32, #tpu.memory_space<vmem>>
        %dma_wait3A_67 = tpu.memref_slice %arg9[%mul3A_61] : memref<5120xi32, #tpu.memory_space<vmem>> -> memref<128xi32, #tpu.memory_space<vmem>>
        %dma_wait3A_68 = arith.constant 0 : i32
        %dma_wait3A_69 = arith.constant 0 : i32
        %dma_wait3A_70 = tpu.memref_slice %arg4[%dma_wait3A_68, %dma_wait3A_69] : memref<10240x128xf32, #tpu.memory_space<hbm>> -> memref<10240x128xf32, #tpu.memory_space<hbm>>
        tpu.wait_indirect_dma semaphore(%arg13 : memref<!tpu.dma_semaphore, #tpu.memory_space<semaphore_mem>>) src(%dma_wait3A_70 : memref<10240x128xf32, #tpu.memory_space<hbm>>) dst(%dma_wait3A_66 : memref<128x128xf32, #tpu.memory_space<vmem>>)
        %run_scoped3A = arith.constant 0 : i32
        "tpu.region"() ({
          %run_scoped3A_72 = tpu.sem_alloc : memref<!tpu.dma_semaphore, #tpu.memory_space<semaphore_mem>>
          %dma_start3A = arith.constant 0 : i32
          %dma_start3A_73 = arith.constant 0 : i32
          %dma_start3A_74 = tpu.memref_slice %arg10[%run_scoped3A, %dma_start3A, %dma_start3A_73] : memref<2x128x128xf32, #tpu.memory_space<vmem>> -> memref<1x128x128xf32, #tpu.memory_space<vmem>>
          %dma_start3A_75 = tpu.memref_squeeze %dma_start3A_74 : memref<1x128x128xf32, #tpu.memory_space<vmem>> -> memref<128x128xf32, #tpu.memory_space<vmem>>
          %dma_start3A_76 = arith.constant 0 : i32
          %dma_start3A_77 = tpu.memref_slice %arg6[%mul3A_49, %dma_start3A_76] : memref<160000x128xf32, #tpu.memory_space<hbm>> -> memref<128x128xf32, #tpu.memory_space<hbm>>
          %dma_start3A_78 = arith.constant 0 : i32
          %dma_start3A_79 = tpu.memref_slice %arg6[%mul3A_49, %dma_start3A_78] : memref<160000x128xf32, #tpu.memory_space<hbm>> -> memref<128x128xf32, #tpu.memory_space<hbm>>
          %dma_start3A_80 = arith.constant 0 : i32
          %dma_start3A_81 = arith.constant 0 : i32
          %dma_start3A_82 = tpu.memref_slice %arg10[%run_scoped3A, %dma_start3A_80, %dma_start3A_81] : memref<2x128x128xf32, #tpu.memory_space<vmem>> -> memref<1x128x128xf32, #tpu.memory_space<vmem>>
          %dma_start3A_83 = tpu.memref_squeeze %dma_start3A_82 : memref<1x128x128xf32, #tpu.memory_space<vmem>> -> memref<128x128xf32, #tpu.memory_space<vmem>>
          tpu.enqueue_dma source(%dma_start3A_83 : memref<128x128xf32, #tpu.memory_space<vmem>>) target(%dma_start3A_79 : memref<128x128xf32, #tpu.memory_space<hbm>>) target_semaphore(%run_scoped3A_72 : memref<!tpu.dma_semaphore, #tpu.memory_space<semaphore_mem>>)
          %dma_wait3A_84 = arith.constant 0 : i32
          %dma_wait3A_85 = arith.constant 0 : i32
          %dma_wait3A_86 = tpu.memref_slice %arg10[%run_scoped3A, %dma_wait3A_84, %dma_wait3A_85] : memref<2x128x128xf32, #tpu.memory_space<vmem>> -> memref<1x128x128xf32, #tpu.memory_space<vmem>>
          %dma_wait3A_87 = tpu.memref_squeeze %dma_wait3A_86 : memref<1x128x128xf32, #tpu.memory_space<vmem>> -> memref<128x128xf32, #tpu.memory_space<vmem>>
          %dma_wait3A_88 = arith.constant 0 : i32
          %dma_wait3A_89 = tpu.memref_slice %arg6[%mul3A_49, %dma_wait3A_88] : memref<160000x128xf32, #tpu.memory_space<hbm>> -> memref<128x128xf32, #tpu.memory_space<hbm>>
          %dma_wait3A_90 = arith.constant 0 : i32
          %dma_wait3A_91 = tpu.memref_slice %arg6[%mul3A_49, %dma_wait3A_90] : memref<160000x128xf32, #tpu.memory_space<hbm>> -> memref<128x128xf32, #tpu.memory_space<hbm>>
          %dma_wait3A_92 = arith.constant 0 : i32
          %dma_wait3A_93 = arith.constant 0 : i32
          %dma_wait3A_94 = tpu.memref_slice %arg10[%run_scoped3A, %dma_wait3A_92, %dma_wait3A_93] : memref<2x128x128xf32, #tpu.memory_space<vmem>> -> memref<1x128x128xf32, #tpu.memory_space<vmem>>
          %dma_wait3A_95 = tpu.memref_squeeze %dma_wait3A_94 : memref<1x128x128xf32, #tpu.memory_space<vmem>> -> memref<128x128xf32, #tpu.memory_space<vmem>>
          tpu.wait_dma2 semaphore(%run_scoped3A_72 : memref<!tpu.dma_semaphore, #tpu.memory_space<semaphore_mem>>) src(%dma_wait3A_95 : memref<128x128xf32, #tpu.memory_space<vmem>>) dst(%dma_wait3A_91 : memref<128x128xf32, #tpu.memory_space<hbm>>)
          tpu.yield
        }) : () -> ()
        %run_scoped3A_71 = arith.constant 0 : i32
        "tpu.region"() ({
          %run_scoped3A_72 = tpu.sem_alloc : memref<!tpu.dma_semaphore, #tpu.memory_space<semaphore_mem>>
          %dma_start3A = arith.constant 0 : i32
          %dma_start3A_73 = arith.constant 0 : i32
          %dma_start3A_74 = tpu.memref_slice %arg11[%run_scoped3A_71, %dma_start3A, %dma_start3A_73] : memref<2x128x128xf32, #tpu.memory_space<vmem>> -> memref<1x128x128xf32, #tpu.memory_space<vmem>>
          %dma_start3A_75 = tpu.memref_squeeze %dma_start3A_74 : memref<1x128x128xf32, #tpu.memory_space<vmem>> -> memref<128x128xf32, #tpu.memory_space<vmem>>
          %dma_start3A_76 = arith.constant 0 : i32
          %dma_start3A_77 = tpu.memref_slice %arg7[%mul3A_49, %dma_start3A_76] : memref<160000x128xf32, #tpu.memory_space<hbm>> -> memref<128x128xf32, #tpu.memory_space<hbm>>
          %dma_start3A_78 = arith.constant 0 : i32
          %dma_start3A_79 = tpu.memref_slice %arg7[%mul3A_49, %dma_start3A_78] : memref<160000x128xf32, #tpu.memory_space<hbm>> -> memref<128x128xf32, #tpu.memory_space<hbm>>
          %dma_start3A_80 = arith.constant 0 : i32
          %dma_start3A_81 = arith.constant 0 : i32
          %dma_start3A_82 = tpu.memref_slice %arg11[%run_scoped3A_71, %dma_start3A_80, %dma_start3A_81] : memref<2x128x128xf32, #tpu.memory_space<vmem>> -> memref<1x128x128xf32, #tpu.memory_space<vmem>>
          %dma_start3A_83 = tpu.memref_squeeze %dma_start3A_82 : memref<1x128x128xf32, #tpu.memory_space<vmem>> -> memref<128x128xf32, #tpu.memory_space<vmem>>
          tpu.enqueue_dma source(%dma_start3A_83 : memref<128x128xf32, #tpu.memory_space<vmem>>) target(%dma_start3A_79 : memref<128x128xf32, #tpu.memory_space<hbm>>) target_semaphore(%run_scoped3A_72 : memref<!tpu.dma_semaphore, #tpu.memory_space<semaphore_mem>>)
          %dma_wait3A_84 = arith.constant 0 : i32
          %dma_wait3A_85 = arith.constant 0 : i32
          %dma_wait3A_86 = tpu.memref_slice %arg11[%run_scoped3A_71, %dma_wait3A_84, %dma_wait3A_85] : memref<2x128x128xf32, #tpu.memory_space<vmem>> -> memref<1x128x128xf32, #tpu.memory_space<vmem>>
          %dma_wait3A_87 = tpu.memref_squeeze %dma_wait3A_86 : memref<1x128x128xf32, #tpu.memory_space<vmem>> -> memref<128x128xf32, #tpu.memory_space<vmem>>
          %dma_wait3A_88 = arith.constant 0 : i32
          %dma_wait3A_89 = tpu.memref_slice %arg7[%mul3A_49, %dma_wait3A_88] : memref<160000x128xf32, #tpu.memory_space<hbm>> -> memref<128x128xf32, #tpu.memory_space<hbm>>
          %dma_wait3A_90 = arith.constant 0 : i32
          %dma_wait3A_91 = tpu.memref_slice %arg7[%mul3A_49, %dma_wait3A_90] : memref<160000x128xf32, #tpu.memory_space<hbm>> -> memref<128x128xf32, #tpu.memory_space<hbm>>
          %dma_wait3A_92 = arith.constant 0 : i32
          %dma_wait3A_93 = arith.constant 0 : i32
          %dma_wait3A_94 = tpu.memref_slice %arg11[%run_scoped3A_71, %dma_wait3A_92, %dma_wait3A_93] : memref<2x128x128xf32, #tpu.memory_space<vmem>> -> memref<1x128x128xf32, #tpu.memory_space<vmem>>
          %dma_wait3A_95 = tpu.memref_squeeze %dma_wait3A_94 : memref<1x128x128xf32, #tpu.memory_space<vmem>> -> memref<128x128xf32, #tpu.memory_space<vmem>>
          tpu.wait_dma2 semaphore(%run_scoped3A_72 : memref<!tpu.dma_semaphore, #tpu.memory_space<semaphore_mem>>) src(%dma_wait3A_95 : memref<128x128xf32, #tpu.memory_space<vmem>>) dst(%dma_wait3A_91 : memref<128x128xf32, #tpu.memory_space<hbm>>)
          tpu.yield
        }) : () -> ()
      } else {
      }
      %mul3A_39 = arith.constant 2 : i32
      %mul3A_40 = arith.muli %mul3A_39, %add3A_17 : i32
      %add3A_41 = arith.constant 1 : i32
      %add3A_42 = arith.addi %mul3A_40, %add3A_41 : i32
      %lt3A_43 = arith.cmpi slt, %add3A_42, %min3A_4 : i32
      %convert_element_type3A_44 = arith.extui %lt3A_43 : i1 to i32
      %cond3A_45 = arith.constant 0 : i32
      %cond3A_46 = arith.cmpi ne, %convert_element_type3A_44, %cond3A_45 : i32
      scf.if %cond3A_46 {
        %add3A_47 = arith.addi %mul3A_2, %add3A_42 : i32
        %mul3A_48 = arith.constant 128 : i32
        %mul3A_49 = arith.muli %add3A_47, %mul3A_48 : i32
        %mul3A_50 = arith.constant 128 : i32
        %mul3A_51 = arith.muli %add3A_42, %mul3A_50 : i32
        %dma_wait3A = arith.constant 1 : i32
        %dma_wait3A_52 = arith.constant 0 : i32
        %dma_wait3A_53 = arith.constant 0 : i32
        %dma_wait3A_54 = tpu.memref_slice %arg10[%dma_wait3A, %dma_wait3A_52, %dma_wait3A_53] : memref<2x128x128xf32, #tpu.memory_space<vmem>> -> memref<1x128x128xf32, #tpu.memory_space<vmem>>
        %dma_wait3A_55 = tpu.memref_squeeze %dma_wait3A_54 : memref<1x128x128xf32, #tpu.memory_space<vmem>> -> memref<128x128xf32, #tpu.memory_space<vmem>>
        %dma_wait3A_56 = tpu.memref_slice %arg8[%mul3A_51] : memref<5120xi32, #tpu.memory_space<vmem>> -> memref<128xi32, #tpu.memory_space<vmem>>
        %dma_wait3A_57 = arith.constant 0 : i32
        %dma_wait3A_58 = arith.constant 0 : i32
        %dma_wait3A_59 = tpu.memref_slice %arg2[%dma_wait3A_57, %dma_wait3A_58] : memref<10240x128xf32, #tpu.memory_space<hbm>> -> memref<10240x128xf32, #tpu.memory_space<hbm>>
        tpu.wait_indirect_dma semaphore(%arg14 : memref<!tpu.dma_semaphore, #tpu.memory_space<semaphore_mem>>) src(%dma_wait3A_59 : memref<10240x128xf32, #tpu.memory_space<hbm>>) dst(%dma_wait3A_55 : memref<128x128xf32, #tpu.memory_space<vmem>>)
        %mul3A_60 = arith.constant 128 : i32
        %mul3A_61 = arith.muli %add3A_42, %mul3A_60 : i32
        %dma_wait3A_62 = arith.constant 1 : i32
        %dma_wait3A_63 = arith.constant 0 : i32
        %dma_wait3A_64 = arith.constant 0 : i32
        %dma_wait3A_65 = tpu.memref_slice %arg11[%dma_wait3A_62, %dma_wait3A_63, %dma_wait3A_64] : memref<2x128x128xf32, #tpu.memory_space<vmem>> -> memref<1x128x128xf32, #tpu.memory_space<vmem>>
        %dma_wait3A_66 = tpu.memref_squeeze %dma_wait3A_65 : memref<1x128x128xf32, #tpu.memory_space<vmem>> -> memref<128x128xf32, #tpu.memory_space<vmem>>
        %dma_wait3A_67 = tpu.memref_slice %arg9[%mul3A_61] : memref<5120xi32, #tpu.memory_space<vmem>> -> memref<128xi32, #tpu.memory_space<vmem>>
        %dma_wait3A_68 = arith.constant 0 : i32
        %dma_wait3A_69 = arith.constant 0 : i32
        %dma_wait3A_70 = tpu.memref_slice %arg4[%dma_wait3A_68, %dma_wait3A_69] : memref<10240x128xf32, #tpu.memory_space<hbm>> -> memref<10240x128xf32, #tpu.memory_space<hbm>>
        tpu.wait_indirect_dma semaphore(%arg15 : memref<!tpu.dma_semaphore, #tpu.memory_space<semaphore_mem>>) src(%dma_wait3A_70 : memref<10240x128xf32, #tpu.memory_space<hbm>>) dst(%dma_wait3A_66 : memref<128x128xf32, #tpu.memory_space<vmem>>)
        %run_scoped3A = arith.constant 1 : i32
        "tpu.region"() ({
          %run_scoped3A_72 = tpu.sem_alloc : memref<!tpu.dma_semaphore, #tpu.memory_space<semaphore_mem>>
          %dma_start3A = arith.constant 0 : i32
          %dma_start3A_73 = arith.constant 0 : i32
          %dma_start3A_74 = tpu.memref_slice %arg10[%run_scoped3A, %dma_start3A, %dma_start3A_73] : memref<2x128x128xf32, #tpu.memory_space<vmem>> -> memref<1x128x128xf32, #tpu.memory_space<vmem>>
          %dma_start3A_75 = tpu.memref_squeeze %dma_start3A_74 : memref<1x128x128xf32, #tpu.memory_space<vmem>> -> memref<128x128xf32, #tpu.memory_space<vmem>>
          %dma_start3A_76 = arith.constant 0 : i32
          %dma_start3A_77 = tpu.memref_slice %arg6[%mul3A_49, %dma_start3A_76] : memref<160000x128xf32, #tpu.memory_space<hbm>> -> memref<128x128xf32, #tpu.memory_space<hbm>>
          %dma_start3A_78 = arith.constant 0 : i32
          %dma_start3A_79 = tpu.memref_slice %arg6[%mul3A_49, %dma_start3A_78] : memref<160000x128xf32, #tpu.memory_space<hbm>> -> memref<128x128xf32, #tpu.memory_space<hbm>>
          %dma_start3A_80 = arith.constant 0 : i32
          %dma_start3A_81 = arith.constant 0 : i32
          %dma_start3A_82 = tpu.memref_slice %arg10[%run_scoped3A, %dma_start3A_80, %dma_start3A_81] : memref<2x128x128xf32, #tpu.memory_space<vmem>> -> memref<1x128x128xf32, #tpu.memory_space<vmem>>
          %dma_start3A_83 = tpu.memref_squeeze %dma_start3A_82 : memref<1x128x128xf32, #tpu.memory_space<vmem>> -> memref<128x128xf32, #tpu.memory_space<vmem>>
          tpu.enqueue_dma source(%dma_start3A_83 : memref<128x128xf32, #tpu.memory_space<vmem>>) target(%dma_start3A_79 : memref<128x128xf32, #tpu.memory_space<hbm>>) target_semaphore(%run_scoped3A_72 : memref<!tpu.dma_semaphore, #tpu.memory_space<semaphore_mem>>)
          %dma_wait3A_84 = arith.constant 0 : i32
          %dma_wait3A_85 = arith.constant 0 : i32
          %dma_wait3A_86 = tpu.memref_slice %arg10[%run_scoped3A, %dma_wait3A_84, %dma_wait3A_85] : memref<2x128x128xf32, #tpu.memory_space<vmem>> -> memref<1x128x128xf32, #tpu.memory_space<vmem>>
          %dma_wait3A_87 = tpu.memref_squeeze %dma_wait3A_86 : memref<1x128x128xf32, #tpu.memory_space<vmem>> -> memref<128x128xf32, #tpu.memory_space<vmem>>
          %dma_wait3A_88 = arith.constant 0 : i32
          %dma_wait3A_89 = tpu.memref_slice %arg6[%mul3A_49, %dma_wait3A_88] : memref<160000x128xf32, #tpu.memory_space<hbm>> -> memref<128x128xf32, #tpu.memory_space<hbm>>
          %dma_wait3A_90 = arith.constant 0 : i32
          %dma_wait3A_91 = tpu.memref_slice %arg6[%mul3A_49, %dma_wait3A_90] : memref<160000x128xf32, #tpu.memory_space<hbm>> -> memref<128x128xf32, #tpu.memory_space<hbm>>
          %dma_wait3A_92 = arith.constant 0 : i32
          %dma_wait3A_93 = arith.constant 0 : i32
          %dma_wait3A_94 = tpu.memref_slice %arg10[%run_scoped3A, %dma_wait3A_92, %dma_wait3A_93] : memref<2x128x128xf32, #tpu.memory_space<vmem>> -> memref<1x128x128xf32, #tpu.memory_space<vmem>>
          %dma_wait3A_95 = tpu.memref_squeeze %dma_wait3A_94 : memref<1x128x128xf32, #tpu.memory_space<vmem>> -> memref<128x128xf32, #tpu.memory_space<vmem>>
          tpu.wait_dma2 semaphore(%run_scoped3A_72 : memref<!tpu.dma_semaphore, #tpu.memory_space<semaphore_mem>>) src(%dma_wait3A_95 : memref<128x128xf32, #tpu.memory_space<vmem>>) dst(%dma_wait3A_91 : memref<128x128xf32, #tpu.memory_space<hbm>>)
          tpu.yield
        }) : () -> ()
        %run_scoped3A_71 = arith.constant 1 : i32
        "tpu.region"() ({
          %run_scoped3A_72 = tpu.sem_alloc : memref<!tpu.dma_semaphore, #tpu.memory_space<semaphore_mem>>
          %dma_start3A = arith.constant 0 : i32
          %dma_start3A_73 = arith.constant 0 : i32
          %dma_start3A_74 = tpu.memref_slice %arg11[%run_scoped3A_71, %dma_start3A, %dma_start3A_73] : memref<2x128x128xf32, #tpu.memory_space<vmem>> -> memref<1x128x128xf32, #tpu.memory_space<vmem>>
          %dma_start3A_75 = tpu.memref_squeeze %dma_start3A_74 : memref<1x128x128xf32, #tpu.memory_space<vmem>> -> memref<128x128xf32, #tpu.memory_space<vmem>>
          %dma_start3A_76 = arith.constant 0 : i32
          %dma_start3A_77 = tpu.memref_slice %arg7[%mul3A_49, %dma_start3A_76] : memref<160000x128xf32, #tpu.memory_space<hbm>> -> memref<128x128xf32, #tpu.memory_space<hbm>>
          %dma_start3A_78 = arith.constant 0 : i32
          %dma_start3A_79 = tpu.memref_slice %arg7[%mul3A_49, %dma_start3A_78] : memref<160000x128xf32, #tpu.memory_space<hbm>> -> memref<128x128xf32, #tpu.memory_space<hbm>>
          %dma_start3A_80 = arith.constant 0 : i32
          %dma_start3A_81 = arith.constant 0 : i32
          %dma_start3A_82 = tpu.memref_slice %arg11[%run_scoped3A_71, %dma_start3A_80, %dma_start3A_81] : memref<2x128x128xf32, #tpu.memory_space<vmem>> -> memref<1x128x128xf32, #tpu.memory_space<vmem>>
          %dma_start3A_83 = tpu.memref_squeeze %dma_start3A_82 : memref<1x128x128xf32, #tpu.memory_space<vmem>> -> memref<128x128xf32, #tpu.memory_space<vmem>>
          tpu.enqueue_dma source(%dma_start3A_83 : memref<128x128xf32, #tpu.memory_space<vmem>>) target(%dma_start3A_79 : memref<128x128xf32, #tpu.memory_space<hbm>>) target_semaphore(%run_scoped3A_72 : memref<!tpu.dma_semaphore, #tpu.memory_space<semaphore_mem>>)
          %dma_wait3A_84 = arith.constant 0 : i32
          %dma_wait3A_85 = arith.constant 0 : i32
          %dma_wait3A_86 = tpu.memref_slice %arg11[%run_scoped3A_71, %dma_wait3A_84, %dma_wait3A_85] : memref<2x128x128xf32, #tpu.memory_space<vmem>> -> memref<1x128x128xf32, #tpu.memory_space<vmem>>
          %dma_wait3A_87 = tpu.memref_squeeze %dma_wait3A_86 : memref<1x128x128xf32, #tpu.memory_space<vmem>> -> memref<128x128xf32, #tpu.memory_space<vmem>>
          %dma_wait3A_88 = arith.constant 0 : i32
          %dma_wait3A_89 = tpu.memref_slice %arg7[%mul3A_49, %dma_wait3A_88] : memref<160000x128xf32, #tpu.memory_space<hbm>> -> memref<128x128xf32, #tpu.memory_space<hbm>>
          %dma_wait3A_90 = arith.constant 0 : i32
          %dma_wait3A_91 = tpu.memref_slice %arg7[%mul3A_49, %dma_wait3A_90] : memref<160000x128xf32, #tpu.memory_space<hbm>> -> memref<128x128xf32, #tpu.memory_space<hbm>>
          %dma_wait3A_92 = arith.constant 0 : i32
          %dma_wait3A_93 = arith.constant 0 : i32
          %dma_wait3A_94 = tpu.memref_slice %arg11[%run_scoped3A_71, %dma_wait3A_92, %dma_wait3A_93] : memref<2x128x128xf32, #tpu.memory_space<vmem>> -> memref<1x128x128xf32, #tpu.memory_space<vmem>>
          %dma_wait3A_95 = tpu.memref_squeeze %dma_wait3A_94 : memref<1x128x128xf32, #tpu.memory_space<vmem>> -> memref<128x128xf32, #tpu.memory_space<vmem>>
          tpu.wait_dma2 semaphore(%run_scoped3A_72 : memref<!tpu.dma_semaphore, #tpu.memory_space<semaphore_mem>>) src(%dma_wait3A_95 : memref<128x128xf32, #tpu.memory_space<vmem>>) dst(%dma_wait3A_91 : memref<128x128xf32, #tpu.memory_space<hbm>>)
          tpu.yield
        }) : () -> ()
      } else {
      }
    }
    %scan3A_12 = arith.constant 20 : i32
    return
  }
}

module attributes {stable_mosaic.version = 14 : i64} {
  func.func @_tc_node0(%arg0: memref<10240x32xf32, #tpu.memory_space<vmem>>, %arg1: memref<32x64xf32, #tpu.memory_space<vmem>>, %arg2: memref<1x64xf32, #tpu.memory_space<vmem>>, %arg3: memref<64x64xf32, #tpu.memory_space<vmem>>, %arg4: memref<64x64xf32, #tpu.memory_space<vmem>>, %arg5: memref<64x64xf32, #tpu.memory_space<vmem>>, %arg6: memref<10240x128xf32, #tpu.memory_space<vmem>>, %arg7: memref<10240x128xf32, #tpu.memory_space<vmem>>) attributes {dimension_semantics = [], scalar_prefetch = 0 : i64, scratch_operands = 0 : i64, tpu.core_type = #tpu.core_type<tc>} {
    %get3A = arith.constant 0 : index
    %get3A_0 = arith.constant 0 : index
    %get3A_1 = vector.load %arg0[%get3A, %get3A_0] : memref<10240x32xf32, #tpu.memory_space<vmem>>, vector<10240x32xf32>
    %get3A_2 = arith.constant 0 : index
    %get3A_3 = arith.constant 0 : index
    %get3A_4 = vector.load %arg1[%get3A_2, %get3A_3] : memref<32x64xf32, #tpu.memory_space<vmem>>, vector<32x64xf32>
    %dot_general3A = arith.constant dense<0.000000e+00> : vector<10240x64xf32>
    %dot_general3A_5 = tpu.matmul %get3A_1, %get3A_4, %dot_general3A {dimension_numbers = #tpu.dot_dimension_numbers<[1], [0], [0], [1], [0, 0, 1, 1], [], []>, transpose_lhs_hint = false} : vector<10240x32xf32>, vector<32x64xf32>, vector<10240x64xf32> -> vector<10240x64xf32>
    %get3A_6 = arith.constant 0 : index
    %get3A_7 = arith.constant 0 : index
    %get3A_8 = vector.load %arg2[%get3A_6, %get3A_7] : memref<1x64xf32, #tpu.memory_space<vmem>>, vector<1x64xf32>
    %add3A = vector.broadcast %get3A_8 : vector<1x64xf32> to vector<10240x64xf32>
    %add3A_9 = arith.addf %dot_general3A_5, %add3A : vector<10240x64xf32>
    %get3A_10 = arith.constant 0 : index
    %get3A_11 = arith.constant 0 : index
    %get3A_12 = vector.load %arg3[%get3A_10, %get3A_11] : memref<64x64xf32, #tpu.memory_space<vmem>>, vector<64x64xf32>
    %dot_general3A_13 = arith.constant dense<0.000000e+00> : vector<10240x64xf32>
    %dot_general3A_14 = tpu.matmul %add3A_9, %get3A_12, %dot_general3A_13 {dimension_numbers = #tpu.dot_dimension_numbers<[1], [0], [0], [1], [0, 0, 1, 1], [], []>, transpose_lhs_hint = false} : vector<10240x64xf32>, vector<64x64xf32>, vector<10240x64xf32> -> vector<10240x64xf32>
    %get3A_15 = arith.constant 0 : index
    %get3A_16 = arith.constant 0 : index
    %get3A_17 = vector.load %arg5[%get3A_15, %get3A_16] : memref<64x64xf32, #tpu.memory_space<vmem>>, vector<64x64xf32>
    %dot_general3A_18 = arith.constant dense<0.000000e+00> : vector<10240x64xf32>
    %dot_general3A_19 = tpu.matmul %add3A_9, %get3A_17, %dot_general3A_18 {dimension_numbers = #tpu.dot_dimension_numbers<[1], [0], [0], [1], [0, 0, 1, 1], [], []>, transpose_lhs_hint = false} : vector<10240x64xf32>, vector<64x64xf32>, vector<10240x64xf32> -> vector<10240x64xf32>
    %broadcast_in_dim3A = arith.constant 0.000000e+00 : f32
    %broadcast_in_dim3A_20 = vector.broadcast %broadcast_in_dim3A : f32 to vector<10240x32xf32>
    %concatenate3A = tpu.concatenate %get3A_1, %dot_general3A_14, %broadcast_in_dim3A_20 in 1 : vector<10240x32xf32>, vector<10240x64xf32>, vector<10240x32xf32> -> vector<10240x128xf32>
    %concatenate3A_21 = tpu.concatenate %dot_general3A_19, %broadcast_in_dim3A_20, %broadcast_in_dim3A_20 in 1 : vector<10240x64xf32>, vector<10240x32xf32>, vector<10240x32xf32> -> vector<10240x128xf32>
    %bitcast_convert_type3A = tpu.bitcast %concatenate3A : vector<10240x128xf32> -> vector<10240x128xi32>
    %bitcast_convert_type3A_22 = tpu.bitcast %concatenate3A_21 : vector<10240x128xf32> -> vector<10240x128xi32>
    %add3A_23 = arith.constant 32768 : i32
    %add3A_24 = vector.broadcast %add3A_23 : i32 to vector<10240x128xi32>
    %add3A_25 = arith.addi %bitcast_convert_type3A, %add3A_24 : vector<10240x128xi32>
    %shift_right_logical3A = arith.constant 16 : i32
    %shift_right_logical3A_26 = vector.broadcast %shift_right_logical3A : i32 to vector<10240x128xi32>
    %shift_right_logical3A_27 = arith.shrui %add3A_25, %shift_right_logical3A_26 : vector<10240x128xi32>
    %add3A_28 = arith.constant 32768 : i32
    %add3A_29 = vector.broadcast %add3A_28 : i32 to vector<10240x128xi32>
    %add3A_30 = arith.addi %bitcast_convert_type3A_22, %add3A_29 : vector<10240x128xi32>
    %and3A = arith.constant -65536 : i32
    %and3A_31 = vector.broadcast %and3A : i32 to vector<10240x128xi32>
    %and3A_32 = arith.andi %add3A_30, %and3A_31 : vector<10240x128xi32>
    %or3A = arith.ori %and3A_32, %shift_right_logical3A_27 : vector<10240x128xi32>
    %bitcast_convert_type3A_33 = tpu.bitcast %or3A : vector<10240x128xi32> -> vector<10240x128xf32>
    %swap3A = arith.constant 0 : index
    %swap3A_34 = arith.constant 0 : index
    %swap3A_35 = vector.load %arg6[%swap3A, %swap3A_34] : memref<10240x128xf32, #tpu.memory_space<vmem>>, vector<10240x128xf32>
    tpu.vector_store %arg6[%swap3A, %swap3A_34], %bitcast_convert_type3A_33 {strides = array<i32>} : memref<10240x128xf32, #tpu.memory_space<vmem>>, vector<10240x128xf32>,
    %get3A_36 = arith.constant 0 : index
    %get3A_37 = arith.constant 0 : index
    %get3A_38 = vector.load %arg4[%get3A_36, %get3A_37] : memref<64x64xf32, #tpu.memory_space<vmem>>, vector<64x64xf32>
    %dot_general3A_39 = arith.constant dense<0.000000e+00> : vector<10240x64xf32>
    %dot_general3A_40 = tpu.matmul %add3A_9, %get3A_38, %dot_general3A_39 {dimension_numbers = #tpu.dot_dimension_numbers<[1], [0], [0], [1], [0, 0, 1, 1], [], []>, transpose_lhs_hint = false} : vector<10240x64xf32>, vector<64x64xf32>, vector<10240x64xf32> -> vector<10240x64xf32>
    %concatenate3A_41 = tpu.concatenate %dot_general3A_40, %broadcast_in_dim3A_20, %broadcast_in_dim3A_20 in 1 : vector<10240x64xf32>, vector<10240x32xf32>, vector<10240x32xf32> -> vector<10240x128xf32>
    %swap3A_42 = arith.constant 0 : index
    %swap3A_43 = arith.constant 0 : index
    %swap3A_44 = vector.load %arg7[%swap3A_42, %swap3A_43] : memref<10240x128xf32, #tpu.memory_space<vmem>>, vector<10240x128xf32>
    tpu.vector_store %arg7[%swap3A_42, %swap3A_43], %concatenate3A_41 {strides = array<i32>} : memref<10240x128xf32, #tpu.memory_space<vmem>>, vector<10240x128xf32>,
    return
  }
}

module attributes {stable_mosaic.version = 14 : i64} {
  func.func @_tc_edge0(%arg0: i32, %arg1: memref<2000x128xf32, #tpu.memory_space<vmem>>, %arg2: memref<2000x128xf32, #tpu.memory_space<vmem>>, %arg3: memref<2000x16xf32, #tpu.memory_space<vmem>>, %arg4: memref<16x64xf32, #tpu.memory_space<vmem>>, %arg5: memref<1x64xf32, #tpu.memory_space<vmem>>, %arg6: memref<64x64xf32, #tpu.memory_space<vmem>>, %arg7: memref<1x64xf32, #tpu.memory_space<vmem>>, %arg8: memref<1x64xf32, #tpu.memory_space<vmem>>, %arg9: memref<64x64xf32, #tpu.memory_space<vmem>>, %arg10: memref<1x64xf32, #tpu.memory_space<vmem>>, %arg11: memref<512x32xf32, #tpu.memory_space<vmem>>, %arg12: memref<32x32xf32, #tpu.memory_space<vmem>>, %arg13: memref<16x512xf32, #tpu.memory_space<vmem>>, %arg14: memref<32x512xf32, #tpu.memory_space<vmem>>, %arg15: memref<2000x128xf32, #tpu.memory_space<vmem>>, %arg16: memref<2000x64xf32, #tpu.memory_space<vmem>>) attributes {dimension_semantics = [#tpu.dimension_semantics<arbitrary>], iteration_bounds = array<i64: 80>, scalar_prefetch = 0 : i64, scratch_operands = 0 : i64, tpu.core_type = #tpu.core_type<tc>, window_params = [{transform_indices = @transform_0, window_bounds = array<i64: 2000, 128>}, {transform_indices = @transform_1, window_bounds = array<i64: 2000, 128>}, {transform_indices = @transform_2, window_bounds = array<i64: 2000, 16>}, {pipeline_mode = #tpu.pipeline_mode<synchronous>, transform_indices = @transform_3, window_bounds = array<i64: 16, 64>}, {pipeline_mode = #tpu.pipeline_mode<synchronous>, transform_indices = @transform_4, window_bounds = array<i64: 1, 64>}, {pipeline_mode = #tpu.pipeline_mode<synchronous>, transform_indices = @transform_5, window_bounds = array<i64: 64, 64>}, {pipeline_mode = #tpu.pipeline_mode<synchronous>, transform_indices = @transform_6, window_bounds = array<i64: 1, 64>}, {pipeline_mode = #tpu.pipeline_mode<synchronous>, transform_indices = @transform_7, window_bounds = array<i64: 1, 64>}, {pipeline_mode = #tpu.pipeline_mode<synchronous>, transform_indices = @transform_8, window_bounds = array<i64: 64, 64>}, {pipeline_mode = #tpu.pipeline_mode<synchronous>, transform_indices = @transform_9, window_bounds = array<i64: 1, 64>}, {pipeline_mode = #tpu.pipeline_mode<synchronous>, transform_indices = @transform_10, window_bounds = array<i64: 512, 32>}, {pipeline_mode = #tpu.pipeline_mode<synchronous>, transform_indices = @transform_11, window_bounds = array<i64: 32, 32>}, {pipeline_mode = #tpu.pipeline_mode<synchronous>, transform_indices = @transform_12, window_bounds = array<i64: 16, 512>}, {pipeline_mode = #tpu.pipeline_mode<synchronous>, transform_indices = @transform_13, window_bounds = array<i64: 32, 512>}, {transform_indices = @transform_14, window_bounds = array<i64: 2000, 128>}, {transform_indices = @transform_15, window_bounds = array<i64: 2000, 64>}]} {
    %get3A = arith.constant 0 : index
    %get3A_0 = arith.constant 0 : index
    %get3A_1 = vector.load %arg1[%get3A, %get3A_0] : memref<2000x128xf32, #tpu.memory_space<vmem>>, vector<2000x128xf32>
    %bitcast_convert_type3A = tpu.bitcast %get3A_1 : vector<2000x128xf32> -> vector<2000x128xi32>
    %shift_left3A = arith.constant 16 : i32
    %shift_left3A_2 = vector.broadcast %shift_left3A : i32 to vector<2000x128xi32>
    %shift_left3A_3 = arith.shli %bitcast_convert_type3A, %shift_left3A_2 : vector<2000x128xi32>
    %bitcast_convert_type3A_4 = tpu.bitcast %shift_left3A_3 : vector<2000x128xi32> -> vector<2000x128xf32>
    %and3A = arith.constant -65536 : i32
    %and3A_5 = vector.broadcast %and3A : i32 to vector<2000x128xi32>
    %and3A_6 = arith.andi %bitcast_convert_type3A, %and3A_5 : vector<2000x128xi32>
    %bitcast_convert_type3A_7 = tpu.bitcast %and3A_6 : vector<2000x128xi32> -> vector<2000x128xf32>
    %slice3A = vector.extract_strided_slice %bitcast_convert_type3A_4 {offsets = [0, 0], sizes = [2000, 32], strides = [1, 1]} : vector<2000x128xf32> to vector<2000x32xf32>
    %slice3A_8 = vector.extract_strided_slice %bitcast_convert_type3A_4 {offsets = [0, 32], sizes = [2000, 64], strides = [1, 1]} : vector<2000x128xf32> to vector<2000x64xf32>
    %slice3A_9 = vector.extract_strided_slice %bitcast_convert_type3A_7 {offsets = [0, 0], sizes = [2000, 64], strides = [1, 1]} : vector<2000x128xf32> to vector<2000x64xf32>
    %get3A_10 = arith.constant 0 : index
    %get3A_11 = arith.constant 0 : index
    %get3A_12 = vector.load %arg3[%get3A_10, %get3A_11] : memref<2000x16xf32, #tpu.memory_space<vmem>>, vector<2000x16xf32>
    %get3A_13 = arith.constant 0 : index
    %get3A_14 = arith.constant 0 : index
    %get3A_15 = vector.load %arg4[%get3A_13, %get3A_14] : memref<16x64xf32, #tpu.memory_space<vmem>>, vector<16x64xf32>
    %get3A_16 = arith.constant 0 : index
    %get3A_17 = arith.constant 0 : index
    %get3A_18 = vector.load %arg6[%get3A_16, %get3A_17] : memref<64x64xf32, #tpu.memory_space<vmem>>, vector<64x64xf32>
    %dot_general3A = arith.constant dense<0.000000e+00> : vector<16x64xf32>
    %dot_general3A_19 = tpu.matmul %get3A_15, %get3A_18, %dot_general3A {dimension_numbers = #tpu.dot_dimension_numbers<[1], [0], [0], [1], [0, 0, 1, 1], [], []>, transpose_lhs_hint = false} : vector<16x64xf32>, vector<64x64xf32>, vector<16x64xf32> -> vector<16x64xf32>
    %get3A_20 = arith.constant 0 : index
    %get3A_21 = arith.constant 0 : index
    %get3A_22 = vector.load %arg5[%get3A_20, %get3A_21] : memref<1x64xf32, #tpu.memory_space<vmem>>, vector<1x64xf32>
    %get3A_23 = arith.constant 0 : index
    %get3A_24 = arith.constant 0 : index
    %get3A_25 = vector.load %arg6[%get3A_23, %get3A_24] : memref<64x64xf32, #tpu.memory_space<vmem>>, vector<64x64xf32>
    %dot_general3A_26 = arith.constant dense<0.000000e+00> : vector<1x64xf32>
    %dot_general3A_27 = tpu.matmul %get3A_22, %get3A_25, %dot_general3A_26 {dimension_numbers = #tpu.dot_dimension_numbers<[1], [0], [0], [1], [0, 0, 1, 1], [], []>, transpose_lhs_hint = false} : vector<1x64xf32>, vector<64x64xf32>, vector<1x64xf32> -> vector<1x64xf32>
    %get3A_28 = arith.constant 0 : index
    %get3A_29 = arith.constant 0 : index
    %get3A_30 = vector.load %arg7[%get3A_28, %get3A_29] : memref<1x64xf32, #tpu.memory_space<vmem>>, vector<1x64xf32>
    %add3A = arith.addf %dot_general3A_27, %get3A_30 : vector<1x64xf32>
    %convert_element_type3A = arith.truncf %get3A_12 : vector<2000x16xf32> to vector<2000x16xbf16>
    %convert_element_type3A_31 = arith.truncf %dot_general3A_19 : vector<16x64xf32> to vector<16x64xbf16>
    %dot_general3A_32 = arith.constant dense<0.000000e+00> : vector<2000x64xf32>
    %dot_general3A_33 = tpu.matmul %convert_element_type3A, %convert_element_type3A_31, %dot_general3A_32 {dimension_numbers = #tpu.dot_dimension_numbers<[1], [0], [0], [1], [0, 0, 1, 1], [], []>, transpose_lhs_hint = false} : vector<2000x16xbf16>, vector<16x64xbf16>, vector<2000x64xf32> -> vector<2000x64xf32>
    %add3A_34 = vector.broadcast %add3A : vector<1x64xf32> to vector<2000x64xf32>
    %add3A_35 = arith.addf %dot_general3A_33, %add3A_34 : vector<2000x64xf32>
    %get3A_36 = arith.constant 0 : index
    %get3A_37 = arith.constant 0 : index
    %get3A_38 = vector.load %arg2[%get3A_36, %get3A_37] : memref<2000x128xf32, #tpu.memory_space<vmem>>, vector<2000x64xf32>
    %add3A_39 = arith.addf %slice3A_8, %get3A_38 : vector<2000x64xf32>
    %add3A_40 = arith.addf %add3A_39, %add3A_35 : vector<2000x64xf32>
    %ge3A = arith.constant 0.000000e+00 : f32
    %ge3A_41 = vector.broadcast %ge3A : f32 to vector<2000x64xf32>
    %ge3A_42 = arith.cmpf oge, %add3A_40, %ge3A_41 : vector<2000x64xf32>
    %mul3A = arith.constant 0.00999999977 : f32
    %mul3A_43 = vector.broadcast %mul3A : f32 to vector<2000x64xf32>
    %mul3A_44 = arith.mulf %mul3A_43, %add3A_40 : vector<2000x64xf32>
    %select_n3A = arith.select %ge3A_42, %add3A_40, %mul3A_44 : vector<2000x64xi1>, vector<2000x64xf32>
    %get3A_45 = arith.constant 0 : index
    %get3A_46 = arith.constant 0 : index
    %get3A_47 = vector.load %arg8[%get3A_45, %get3A_46] : memref<1x64xf32, #tpu.memory_space<vmem>>, vector<1x64xf32>
    %mul3A_48 = vector.broadcast %get3A_47 : vector<1x64xf32> to vector<2000x64xf32>
    %mul3A_49 = arith.mulf %select_n3A, %mul3A_48 : vector<2000x64xf32>
    %reduce_sum3A = arith.constant dense<0.000000e+00> : vector<2000xf32>
    %reduce_sum3A_50 = vector.multi_reduction <add>, %mul3A_49, %reduce_sum3A [1] : vector<2000x64xf32> to vector<2000xf32>
    %broadcast_in_dim3A = vector.shape_cast %reduce_sum3A_50 : vector<2000xf32> to vector<2000x1xf32>
    %exp3A = math.exp %broadcast_in_dim3A : vector<2000x1xf32>
    %get3A_51 = arith.constant 0 : index
    %get3A_52 = arith.constant 0 : index
    %get3A_53 = vector.load %arg9[%get3A_51, %get3A_52] : memref<64x64xf32, #tpu.memory_space<vmem>>, vector<64x64xf32>
    %convert_element_type3A_54 = arith.truncf %select_n3A : vector<2000x64xf32> to vector<2000x64xbf16>
    %convert_element_type3A_55 = arith.truncf %get3A_53 : vector<64x64xf32> to vector<64x64xbf16>
    %dot_general3A_56 = arith.constant dense<0.000000e+00> : vector<2000x64xf32>
    %dot_general3A_57 = tpu.matmul %convert_element_type3A_54, %convert_element_type3A_55, %dot_general3A_56 {dimension_numbers = #tpu.dot_dimension_numbers<[1], [0], [0], [1], [0, 0, 1, 1], [], []>, transpose_lhs_hint = false} : vector<2000x64xbf16>, vector<64x64xbf16>, vector<2000x64xf32> -> vector<2000x64xf32>
    %get3A_58 = arith.constant 0 : index
    %get3A_59 = arith.constant 0 : index
    %get3A_60 = vector.load %arg10[%get3A_58, %get3A_59] : memref<1x64xf32, #tpu.memory_space<vmem>>, vector<1x64xf32>
    %add3A_61 = vector.broadcast %get3A_60 : vector<1x64xf32> to vector<2000x64xf32>
    %add3A_62 = arith.addf %dot_general3A_57, %add3A_61 : vector<2000x64xf32>
    %swap3A = arith.constant 0 : index
    %swap3A_63 = arith.constant 0 : index
    %swap3A_64 = vector.load %arg16[%swap3A, %swap3A_63] : memref<2000x64xf32, #tpu.memory_space<vmem>>, vector<2000x64xf32>
    tpu.vector_store %arg16[%swap3A, %swap3A_63], %add3A_62 {strides = array<i32>} : memref<2000x64xf32, #tpu.memory_space<vmem>>, vector<2000x64xf32>,
    %get3A_65 = arith.constant 0 : index
    %get3A_66 = arith.constant 0 : index
    %get3A_67 = vector.load %arg13[%get3A_65, %get3A_66] : memref<16x512xf32, #tpu.memory_space<vmem>>, vector<16x512xf32>
    %convert_element_type3A_68 = arith.truncf %get3A_12 : vector<2000x16xf32> to vector<2000x16xbf16>
    %convert_element_type3A_69 = arith.truncf %get3A_67 : vector<16x512xf32> to vector<16x512xbf16>
    %dot_general3A_70 = arith.constant dense<0.000000e+00> : vector<2000x512xf32>
    %dot_general3A_71 = tpu.matmul %convert_element_type3A_68, %convert_element_type3A_69, %dot_general3A_70 {dimension_numbers = #tpu.dot_dimension_numbers<[1], [0], [0], [1], [0, 0, 1, 1], [], []>, transpose_lhs_hint = false} : vector<2000x16xbf16>, vector<16x512xbf16>, vector<2000x512xf32> -> vector<2000x512xf32>
    %get3A_72 = arith.constant 0 : index
    %get3A_73 = arith.constant 0 : index
    %get3A_74 = vector.load %arg14[%get3A_72, %get3A_73] : memref<32x512xf32, #tpu.memory_space<vmem>>, vector<32x512xf32>
    %convert_element_type3A_75 = arith.truncf %slice3A : vector<2000x32xf32> to vector<2000x32xbf16>
    %convert_element_type3A_76 = arith.truncf %get3A_74 : vector<32x512xf32> to vector<32x512xbf16>
    %dot_general3A_77 = arith.constant dense<0.000000e+00> : vector<2000x512xf32>
    %dot_general3A_78 = tpu.matmul %convert_element_type3A_75, %convert_element_type3A_76, %dot_general3A_77 {dimension_numbers = #tpu.dot_dimension_numbers<[1], [0], [0], [1], [0, 0, 1, 1], [], []>, transpose_lhs_hint = false} : vector<2000x32xbf16>, vector<32x512xbf16>, vector<2000x512xf32> -> vector<2000x512xf32>
    %mul3A_79 = arith.mulf %dot_general3A_71, %dot_general3A_78 : vector<2000x512xf32>
    %get3A_80 = arith.constant 0 : index
    %get3A_81 = arith.constant 0 : index
    %get3A_82 = vector.load %arg11[%get3A_80, %get3A_81] : memref<512x32xf32, #tpu.memory_space<vmem>>, vector<512x32xf32>
    %convert_element_type3A_83 = arith.truncf %mul3A_79 : vector<2000x512xf32> to vector<2000x512xbf16>
    %convert_element_type3A_84 = arith.truncf %get3A_82 : vector<512x32xf32> to vector<512x32xbf16>
    %dot_general3A_85 = arith.constant dense<0.000000e+00> : vector<2000x32xf32>
    %dot_general3A_86 = tpu.matmul %convert_element_type3A_83, %convert_element_type3A_84, %dot_general3A_85 {dimension_numbers = #tpu.dot_dimension_numbers<[1], [0], [0], [1], [0, 0, 1, 1], [], []>, transpose_lhs_hint = false} : vector<2000x512xbf16>, vector<512x32xbf16>, vector<2000x32xf32> -> vector<2000x32xf32>
    %get3A_87 = arith.constant 0 : index
    %get3A_88 = arith.constant 0 : index
    %get3A_89 = vector.load %arg12[%get3A_87, %get3A_88] : memref<32x32xf32, #tpu.memory_space<vmem>>, vector<32x32xf32>
    %convert_element_type3A_90 = arith.truncf %slice3A : vector<2000x32xf32> to vector<2000x32xbf16>
    %convert_element_type3A_91 = arith.truncf %get3A_89 : vector<32x32xf32> to vector<32x32xbf16>
    %dot_general3A_92 = arith.constant dense<0.000000e+00> : vector<2000x32xf32>
    %dot_general3A_93 = tpu.matmul %convert_element_type3A_90, %convert_element_type3A_91, %dot_general3A_92 {dimension_numbers = #tpu.dot_dimension_numbers<[1], [0], [0], [1], [0, 0, 1, 1], [], []>, transpose_lhs_hint = false} : vector<2000x32xbf16>, vector<32x32xbf16>, vector<2000x32xf32> -> vector<2000x32xf32>
    %add3A_94 = arith.addf %dot_general3A_86, %dot_general3A_93 : vector<2000x32xf32>
    %iota3A = tpu.iota {dimensions = array<i32: 1>} : vector<2000x32xi32>
    %eq3A = arith.constant 0 : i32
    %eq3A_95 = vector.broadcast %eq3A : i32 to vector<2000x32xi32>
    %eq3A_96 = arith.cmpi eq, %iota3A, %eq3A_95 : vector<2000x32xi32>
    %eq3A_97 = arith.constant 1 : i32
    %eq3A_98 = vector.broadcast %eq3A_97 : i32 to vector<2000x32xi32>
    %eq3A_99 = arith.cmpi eq, %iota3A, %eq3A_98 : vector<2000x32xi32>
    %jit3A = arith.constant 1.000000e+00 : f32
    %jit3A_100 = arith.constant 0.000000e+00 : f32
    %broadcast_in_dim3A_101 = vector.broadcast %jit3A : f32 to vector<2000x32xf32>
    %broadcast_in_dim3A_102 = vector.broadcast %jit3A_100 : f32 to vector<2000x32xf32>
    %select_n3A_103 = arith.select %eq3A_99, %broadcast_in_dim3A_101, %broadcast_in_dim3A_102 : vector<2000x32xi1>, vector<2000x32xf32>
    %broadcast_in_dim3A_104 = vector.shape_cast %exp3A : vector<2000x1xf32> to vector<2000x1xf32>
    %broadcast_in_dim3A_105 = vector.broadcast %broadcast_in_dim3A_104 : vector<2000x1xf32> to vector<2000x32xf32>
    %select_n3A_106 = arith.select %eq3A_96, %broadcast_in_dim3A_105, %select_n3A_103 : vector<2000x32xi1>, vector<2000x32xf32>
    %mul3A_107 = vector.broadcast %exp3A : vector<2000x1xf32> to vector<2000x64xf32>
    %mul3A_108 = arith.mulf %mul3A_107, %slice3A_9 : vector<2000x64xf32>
    %concatenate3A = tpu.concatenate %mul3A_108, %add3A_94, %select_n3A_106 in 1 : vector<2000x64xf32>, vector<2000x32xf32>, vector<2000x32xf32> -> vector<2000x128xf32>
    %swap3A_109 = arith.constant 0 : index
    %swap3A_110 = arith.constant 0 : index
    %swap3A_111 = vector.load %arg15[%swap3A_109, %swap3A_110] : memref<2000x128xf32, #tpu.memory_space<vmem>>, vector<2000x128xf32>
    tpu.vector_store %arg15[%swap3A_109, %swap3A_110], %concatenate3A {strides = array<i32>} : memref<2000x128xf32, #tpu.memory_space<vmem>>, vector<2000x128xf32>,
    return
  }
  func.func @transform_0(%arg0: i32) -> (i32, i32) {
    %c0_i32 = arith.constant 0 : i32
    %c0_i32_0 = arith.constant 0 : i32
    return %arg0, %c0_i32 : i32, i32
  }
  func.func @transform_1(%arg0: i32) -> (i32, i32) {
    %c0_i32 = arith.constant 0 : i32
    %c0_i32_0 = arith.constant 0 : i32
    return %arg0, %c0_i32 : i32, i32
  }
  func.func @transform_2(%arg0: i32) -> (i32, i32) {
    %c0_i32 = arith.constant 0 : i32
    %c0_i32_0 = arith.constant 0 : i32
    return %arg0, %c0_i32 : i32, i32
  }
  func.func @transform_3(%arg0: i32) -> (i32, i32) {
    %c0_i32 = arith.constant 0 : i32
    %c0_i32_0 = arith.constant 0 : i32
    %c0_i32_1 = arith.constant 0 : i32
    return %c0_i32, %c0_i32_0 : i32, i32
  }
  func.func @transform_4(%arg0: i32) -> (i32, i32) {
    %c0_i32 = arith.constant 0 : i32
    %c0_i32_0 = arith.constant 0 : i32
    %c0_i32_1 = arith.constant 0 : i32
    return %c0_i32, %c0_i32_0 : i32, i32
  }
  func.func @transform_5(%arg0: i32) -> (i32, i32) {
    %c0_i32 = arith.constant 0 : i32
    %c0_i32_0 = arith.constant 0 : i32
    %c0_i32_1 = arith.constant 0 : i32
    return %c0_i32, %c0_i32_0 : i32, i32
  }
  func.func @transform_6(%arg0: i32) -> (i32, i32) {
    %c0_i32 = arith.constant 0 : i32
    %c0_i32_0 = arith.constant 0 : i32
    %c0_i32_1 = arith.constant 0 : i32
    return %c0_i32, %c0_i32_0 : i32, i32
  }
  func.func @transform_7(%arg0: i32) -> (i32, i32) {
    %c0_i32 = arith.constant 0 : i32
    %c0_i32_0 = arith.constant 0 : i32
    %c0_i32_1 = arith.constant 0 : i32
    return %c0_i32, %c0_i32_0 : i32, i32
  }
  func.func @transform_8(%arg0: i32) -> (i32, i32) {
    %c0_i32 = arith.constant 0 : i32
    %c0_i32_0 = arith.constant 0 : i32
    %c0_i32_1 = arith.constant 0 : i32
    return %c0_i32, %c0_i32_0 : i32, i32
  }
  func.func @transform_9(%arg0: i32) -> (i32, i32) {
    %c0_i32 = arith.constant 0 : i32
    %c0_i32_0 = arith.constant 0 : i32
    %c0_i32_1 = arith.constant 0 : i32
    return %c0_i32, %c0_i32_0 : i32, i32
  }
  func.func @transform_10(%arg0: i32) -> (i32, i32) {
    %c0_i32 = arith.constant 0 : i32
    %c0_i32_0 = arith.constant 0 : i32
    %c0_i32_1 = arith.constant 0 : i32
    return %c0_i32, %c0_i32_0 : i32, i32
  }
  func.func @transform_11(%arg0: i32) -> (i32, i32) {
    %c0_i32 = arith.constant 0 : i32
    %c0_i32_0 = arith.constant 0 : i32
    %c0_i32_1 = arith.constant 0 : i32
    return %c0_i32, %c0_i32_0 : i32, i32
  }
  func.func @transform_12(%arg0: i32) -> (i32, i32) {
    %c0_i32 = arith.constant 0 : i32
    %c0_i32_0 = arith.constant 0 : i32
    %c0_i32_1 = arith.constant 0 : i32
    return %c0_i32, %c0_i32_0 : i32, i32
  }
  func.func @transform_13(%arg0: i32) -> (i32, i32) {
    %c0_i32 = arith.constant 0 : i32
    %c0_i32_0 = arith.constant 0 : i32
    %c0_i32_1 = arith.constant 0 : i32
    return %c0_i32, %c0_i32_0 : i32, i32
  }
  func.func @transform_14(%arg0: i32) -> (i32, i32) {
    %c0_i32 = arith.constant 0 : i32
    %c0_i32_0 = arith.constant 0 : i32
    return %arg0, %c0_i32 : i32, i32
  }
  func.func @transform_15(%arg0: i32) -> (i32, i32) {
    %c0_i32 = arith.constant 0 : i32
    %c0_i32_0 = arith.constant 0 : i32
    return %arg0, %c0_i32 : i32, i32
  }
}

module attributes {stable_mosaic.version = 14 : i64} {
  func.func @_tc_node1(%arg0: memref<2x10240x128xf32, #tpu.memory_space<vmem>>, %arg1: memref<1x32xf32, #tpu.memory_space<vmem>>, %arg2: memref<64x64xf32, #tpu.memory_space<vmem>>, %arg3: memref<64x64xf32, #tpu.memory_space<vmem>>, %arg4: memref<64x64xf32, #tpu.memory_space<vmem>>, %arg5: memref<10240x128xf32, #tpu.memory_space<vmem>>, %arg6: memref<10240x128xf32, #tpu.memory_space<vmem>>, %arg7: memref<10240x32xf32, #tpu.memory_space<vmem>>) attributes {dimension_semantics = [], scalar_prefetch = 0 : i64, scratch_operands = 0 : i64, tpu.core_type = #tpu.core_type<tc>} {
    %get3A = arith.constant 0 : index
    %get3A_0 = arith.constant 0 : index
    %get3A_1 = arith.constant 0 : index
    %get3A_2 = vector.load %arg0[%get3A, %get3A_0, %get3A_1] : memref<2x10240x128xf32, #tpu.memory_space<vmem>>, vector<1x10240x128xf32>
    %get3A_3 = vector.shape_cast %get3A_2 : vector<1x10240x128xf32> to vector<10240x128xf32>
    %get3A_4 = arith.constant 1 : index
    %get3A_5 = arith.constant 0 : index
    %get3A_6 = arith.constant 0 : index
    %get3A_7 = vector.load %arg0[%get3A_4, %get3A_5, %get3A_6] : memref<2x10240x128xf32, #tpu.memory_space<vmem>>, vector<1x10240x128xf32>
    %get3A_8 = vector.shape_cast %get3A_7 : vector<1x10240x128xf32> to vector<10240x128xf32>
    %add3A = arith.addf %get3A_3, %get3A_8 : vector<10240x128xf32>
    %slice3A = vector.extract_strided_slice %add3A {offsets = [0, 96], sizes = [10240, 1], strides = [1, 1]} : vector<10240x128xf32> to vector<10240x1xf32>
    %slice3A_9 = vector.extract_strided_slice %add3A {offsets = [0, 97], sizes = [10240, 1], strides = [1, 1]} : vector<10240x128xf32> to vector<10240x1xf32>
    %slice3A_10 = vector.extract_strided_slice %add3A {offsets = [0, 0], sizes = [10240, 64], strides = [1, 1]} : vector<10240x128xf32> to vector<10240x64xf32>
    %add3A_11 = arith.constant 1.000000e-16 : f32
    %add3A_12 = vector.broadcast %add3A_11 : f32 to vector<10240x1xf32>
    %add3A_13 = arith.addf %slice3A, %add3A_12 : vector<10240x1xf32>
    %div3A = vector.broadcast %add3A_13 : vector<10240x1xf32> to vector<10240x64xf32>
    %div3A_14 = arith.divf %slice3A_10, %div3A : vector<10240x64xf32>
    %slice3A_15 = vector.extract_strided_slice %add3A {offsets = [0, 64], sizes = [10240, 32], strides = [1, 1]} : vector<10240x128xf32> to vector<10240x32xf32>
    %max3A = arith.constant 1.000000e+00 : f32
    %max3A_16 = vector.broadcast %max3A : f32 to vector<10240x1xf32>
    %max3A_17 = arith.maximumf %slice3A_9, %max3A_16 : vector<10240x1xf32>
    %div3A_18 = vector.broadcast %max3A_17 : vector<10240x1xf32> to vector<10240x32xf32>
    %div3A_19 = arith.divf %slice3A_15, %div3A_18 : vector<10240x32xf32>
    %get3A_20 = arith.constant 0 : index
    %get3A_21 = arith.constant 0 : index
    %get3A_22 = vector.load %arg1[%get3A_20, %get3A_21] : memref<1x32xf32, #tpu.memory_space<vmem>>, vector<1x32xf32>
    %add3A_23 = vector.broadcast %get3A_22 : vector<1x32xf32> to vector<10240x32xf32>
    %add3A_24 = arith.addf %div3A_19, %add3A_23 : vector<10240x32xf32>
    %swap3A = arith.constant 0 : index
    %swap3A_25 = arith.constant 0 : index
    %swap3A_26 = vector.load %arg7[%swap3A, %swap3A_25] : memref<10240x32xf32, #tpu.memory_space<vmem>>, vector<10240x32xf32>
    tpu.vector_store %arg7[%swap3A, %swap3A_25], %add3A_24 {strides = array<i32>} : memref<10240x32xf32, #tpu.memory_space<vmem>>, vector<10240x32xf32>,
    %get3A_27 = arith.constant 0 : index
    %get3A_28 = arith.constant 0 : index
    %get3A_29 = vector.load %arg2[%get3A_27, %get3A_28] : memref<64x64xf32, #tpu.memory_space<vmem>>, vector<64x64xf32>
    %dot_general3A = arith.constant dense<0.000000e+00> : vector<10240x64xf32>
    %dot_general3A_30 = tpu.matmul %div3A_14, %get3A_29, %dot_general3A {dimension_numbers = #tpu.dot_dimension_numbers<[1], [0], [0], [1], [0, 0, 1, 1], [], []>, transpose_lhs_hint = false} : vector<10240x64xf32>, vector<64x64xf32>, vector<10240x64xf32> -> vector<10240x64xf32>
    %get3A_31 = arith.constant 0 : index
    %get3A_32 = arith.constant 0 : index
    %get3A_33 = vector.load %arg4[%get3A_31, %get3A_32] : memref<64x64xf32, #tpu.memory_space<vmem>>, vector<64x64xf32>
    %dot_general3A_34 = arith.constant dense<0.000000e+00> : vector<10240x64xf32>
    %dot_general3A_35 = tpu.matmul %div3A_14, %get3A_33, %dot_general3A_34 {dimension_numbers = #tpu.dot_dimension_numbers<[1], [0], [0], [1], [0, 0, 1, 1], [], []>, transpose_lhs_hint = false} : vector<10240x64xf32>, vector<64x64xf32>, vector<10240x64xf32> -> vector<10240x64xf32>
    %concatenate3A = tpu.concatenate %dot_general3A_30, %dot_general3A_35 in 1 : vector<10240x64xf32>, vector<10240x64xf32> -> vector<10240x128xf32>
    %swap3A_36 = arith.constant 0 : index
    %swap3A_37 = arith.constant 0 : index
    %swap3A_38 = vector.load %arg5[%swap3A_36, %swap3A_37] : memref<10240x128xf32, #tpu.memory_space<vmem>>, vector<10240x128xf32>
    tpu.vector_store %arg5[%swap3A_36, %swap3A_37], %concatenate3A {strides = array<i32>} : memref<10240x128xf32, #tpu.memory_space<vmem>>, vector<10240x128xf32>,
    %get3A_39 = arith.constant 0 : index
    %get3A_40 = arith.constant 0 : index
    %get3A_41 = vector.load %arg3[%get3A_39, %get3A_40] : memref<64x64xf32, #tpu.memory_space<vmem>>, vector<64x64xf32>
    %dot_general3A_42 = arith.constant dense<0.000000e+00> : vector<10240x64xf32>
    %dot_general3A_43 = tpu.matmul %div3A_14, %get3A_41, %dot_general3A_42 {dimension_numbers = #tpu.dot_dimension_numbers<[1], [0], [0], [1], [0, 0, 1, 1], [], []>, transpose_lhs_hint = false} : vector<10240x64xf32>, vector<64x64xf32>, vector<10240x64xf32> -> vector<10240x64xf32>
    %broadcast_in_dim3A = arith.constant 0.000000e+00 : f32
    %broadcast_in_dim3A_44 = vector.broadcast %broadcast_in_dim3A : f32 to vector<10240x64xf32>
    %concatenate3A_45 = tpu.concatenate %dot_general3A_43, %broadcast_in_dim3A_44 in 1 : vector<10240x64xf32>, vector<10240x64xf32> -> vector<10240x128xf32>
    %swap3A_46 = arith.constant 0 : index
    %swap3A_47 = arith.constant 0 : index
    %swap3A_48 = vector.load %arg6[%swap3A_46, %swap3A_47] : memref<10240x128xf32, #tpu.memory_space<vmem>>, vector<10240x128xf32>
    tpu.vector_store %arg6[%swap3A_46, %swap3A_47], %concatenate3A_45 {strides = array<i32>} : memref<10240x128xf32, #tpu.memory_space<vmem>>, vector<10240x128xf32>,
    return
  }
}

module attributes {stable_mosaic.version = 14 : i64} {
  func.func @_tc_final(%arg0: memref<2x10112x128xf32, #tpu.memory_space<vmem>>, %arg1: memref<10240x32xf32, #tpu.memory_space<vmem>>, %arg2: memref<128x1xf32, #tpu.memory_space<vmem>>, %arg3: memref<1x1xf32, #tpu.memory_space<vmem>>, %arg4: memref<10000x128xf32, #tpu.memory_space<vmem>>, %arg5: memref<1x128xf32, #tpu.memory_space<vmem>>) attributes {dimension_semantics = [], scalar_prefetch = 0 : i64, scratch_operands = 0 : i64, tpu.core_type = #tpu.core_type<tc>} {
    %get3A = arith.constant 0 : index
    %get3A_0 = arith.constant 0 : index
    %get3A_1 = arith.constant 0 : index
    %get3A_2 = vector.load %arg0[%get3A, %get3A_0, %get3A_1] : memref<2x10112x128xf32, #tpu.memory_space<vmem>>, vector<1x10000x128xf32>
    %get3A_3 = vector.shape_cast %get3A_2 : vector<1x10000x128xf32> to vector<10000x128xf32>
    %get3A_4 = arith.constant 1 : index
    %get3A_5 = arith.constant 0 : index
    %get3A_6 = arith.constant 0 : index
    %get3A_7 = vector.load %arg0[%get3A_4, %get3A_5, %get3A_6] : memref<2x10112x128xf32, #tpu.memory_space<vmem>>, vector<1x10000x128xf32>
    %get3A_8 = vector.shape_cast %get3A_7 : vector<1x10000x128xf32> to vector<10000x128xf32>
    %add3A = arith.addf %get3A_3, %get3A_8 : vector<10000x128xf32>
    %slice3A = vector.extract_strided_slice %add3A {offsets = [0, 0], sizes = [10000, 64], strides = [1, 1]} : vector<10000x128xf32> to vector<10000x64xf32>
    %slice3A_9 = vector.extract_strided_slice %add3A {offsets = [0, 64], sizes = [10000, 1], strides = [1, 1]} : vector<10000x128xf32> to vector<10000x1xf32>
    %add3A_10 = arith.constant 1.000000e-16 : f32
    %add3A_11 = vector.broadcast %add3A_10 : f32 to vector<10000x1xf32>
    %add3A_12 = arith.addf %slice3A_9, %add3A_11 : vector<10000x1xf32>
    %div3A = vector.broadcast %add3A_12 : vector<10000x1xf32> to vector<10000x64xf32>
    %div3A_13 = arith.divf %slice3A, %div3A : vector<10000x64xf32>
    %get3A_14 = arith.constant 0 : index
    %get3A_15 = arith.constant 0 : index
    %get3A_16 = vector.load %arg1[%get3A_14, %get3A_15] : memref<10240x32xf32, #tpu.memory_space<vmem>>, vector<10000x32xf32>
    %broadcast_in_dim3A = arith.constant 0.000000e+00 : f32
    %broadcast_in_dim3A_17 = vector.broadcast %broadcast_in_dim3A : f32 to vector<10000x32xf32>
    %concatenate3A = tpu.concatenate %div3A_13, %get3A_16, %broadcast_in_dim3A_17 in 1 : vector<10000x64xf32>, vector<10000x32xf32>, vector<10000x32xf32> -> vector<10000x128xf32>
    %get3A_18 = arith.constant 0 : index
    %get3A_19 = arith.constant 0 : index
    %get3A_20 = vector.load %arg2[%get3A_18, %get3A_19] : memref<128x1xf32, #tpu.memory_space<vmem>>, vector<128x1xf32>
    %dot_general3A = arith.constant dense<0.000000e+00> : vector<10000x1xf32>
    %dot_general3A_21 = tpu.matmul %concatenate3A, %get3A_20, %dot_general3A {dimension_numbers = #tpu.dot_dimension_numbers<[1], [0], [0], [1], [0, 0, 1, 1], [], []>, transpose_lhs_hint = false} : vector<10000x128xf32>, vector<128x1xf32>, vector<10000x1xf32> -> vector<10000x1xf32>
    %get3A_22 = arith.constant 0 : index
    %get3A_23 = arith.constant 0 : index
    %get3A_24 = vector.load %arg3[%get3A_22, %get3A_23] : memref<1x1xf32, #tpu.memory_space<vmem>>, vector<1x1xf32>
    %add3A_25 = vector.broadcast %get3A_24 : vector<1x1xf32> to vector<10000x1xf32>
    %add3A_26 = arith.addf %dot_general3A_21, %add3A_25 : vector<10000x1xf32>
    %reduce_max3A = vector.shape_cast %add3A_26 : vector<10000x1xf32> to vector<1x10000x1xf32>
    %reduce_max3A_27 = arith.constant dense<0xFF800000> : vector<1xf32>
    %reduce_max3A_28 = vector.multi_reduction <maximumf>, %reduce_max3A, %reduce_max3A_27 [1, 2] : vector<1x10000x1xf32> to vector<1xf32>
    %reduce_max3A_29 = vector.shape_cast %reduce_max3A_28 : vector<1xf32> to vector<1x1x1xf32>
    %reduce_max3A_30 = vector.extract %reduce_max3A_29[0, 0, 0] : f32 from vector<1x1x1xf32>
    %sub3A = vector.broadcast %reduce_max3A_30 : f32 to vector<10000x1xf32>
    %sub3A_31 = arith.subf %add3A_26, %sub3A : vector<10000x1xf32>
    %exp3A = math.exp %sub3A_31 : vector<10000x1xf32>
    %reduce_sum3A = vector.shape_cast %exp3A : vector<10000x1xf32> to vector<1x10000x1xf32>
    %reduce_sum3A_32 = arith.constant dense<0.000000e+00> : vector<1xf32>
    %reduce_sum3A_33 = vector.multi_reduction <add>, %reduce_sum3A, %reduce_sum3A_32 [1, 2] : vector<1x10000x1xf32> to vector<1xf32>
    %reduce_sum3A_34 = vector.shape_cast %reduce_sum3A_33 : vector<1xf32> to vector<1x1x1xf32>
    %reduce_sum3A_35 = vector.extract %reduce_sum3A_34[0, 0, 0] : f32 from vector<1x1x1xf32>
    %div3A_36 = vector.broadcast %reduce_sum3A_35 : f32 to vector<10000x1xf32>
    %div3A_37 = arith.divf %exp3A, %div3A_36 : vector<10000x1xf32>
    %swap3A = arith.constant 0 : index
    %swap3A_38 = arith.constant 0 : index
    %swap3A_39 = vector.load %arg4[%swap3A, %swap3A_38] : memref<10000x128xf32, #tpu.memory_space<vmem>>, vector<10000x128xf32>
    tpu.vector_store %arg4[%swap3A, %swap3A_38], %concatenate3A {strides = array<i32>} : memref<10000x128xf32, #tpu.memory_space<vmem>>, vector<10000x128xf32>,
    %mul3A = vector.broadcast %div3A_37 : vector<10000x1xf32> to vector<10000x128xf32>
    %mul3A_40 = arith.mulf %mul3A, %concatenate3A : vector<10000x128xf32>
    %reduce_sum3A_41 = arith.constant dense<0.000000e+00> : vector<128xf32>
    %reduce_sum3A_42 = vector.multi_reduction <add>, %mul3A_40, %reduce_sum3A_41 [0] : vector<10000x128xf32> to vector<128xf32>
    %broadcast_in_dim3A_43 = vector.shape_cast %reduce_sum3A_42 : vector<128xf32> to vector<1x128xf32>
    %swap3A_44 = arith.constant 0 : index
    %swap3A_45 = arith.constant 0 : index
    %swap3A_46 = vector.load %arg5[%swap3A_44, %swap3A_45] : memref<1x128xf32, #tpu.memory_space<vmem>>, vector<1x128xf32>
    tpu.vector_store %arg5[%swap3A_44, %swap3A_45], %broadcast_in_dim3A_43 {strides = array<i32>} : memref<1x128xf32, #tpu.memory_space<vmem>>, vector<1x128xf32>,
    return
  }
}

</mosaic_0001>

<sc_bundles>
// kernel: kernel.12.cloned.1.call-start
scs
__scs_entry_jumppad:
0x0: {  	(pc) =	sbr.rel $0x88, $3  }
0x1: {  	(tag) =	ssettag $0x0;
	lr =	simm.s32 $0x1  }
0x2: {  	[smem:$0x3F89] =	sst lr;
	_ =	strace $0xD0000000  }
0x3: {  	_ = 	snop  }
0x4: {  	_ = 	snop  }
0x5: {  	_ = 	snop  }
0x6: {  	_ = 	snop  }
0x7: {  	_ = 	snop  }
__scs_overlays_trampoline_lowered:
0x8: {  	[smem:$0x3F98] =	sst s0  }
0x9: {  	[smem:$0x3F99] =	sst s1  }
0xa: {  	[smem:$0x3F9A] =	sst s2  }
0xb: {  	[smem:$0x3F9B] =	sst s3  }
0xc: {  	[smem:$0x3F9C] =	sst s4  }
0xd: {  	[smem:$0x3F9D] =	sst s5  }
0xe: {  	[smem:$0x3F9E] =	sst s6  }
0xf: {  	[smem:$0x3F9F] =	sst s7  }
0x10: {  	[smem:$0x3FA0] =	sst s8  }
0x11: {  	[smem:$0x3FA1] =	sst s9;
	s0 =	simm.s32 @!p0 $0x0  }
0x12: {  	s1 =	sld [smem:$0x3F87];
	s0 =	simm.s32 @p0 $0x1  }
0x13: {  	[smem:$0x3FA2] =	sst s0;
	s0 =	simm.s32 @!p1 $0x0  }
0x14: {  	s2 =	sld [smem:$0x3F86];
	s0 =	simm.s32 @p1 $0x1  }
0x15: {  	[smem:$0x3FA3] =	sst s0;
	s0 =	simm.s32 @!p2 $0x0  }
0x16: {  	s3 =	sld [smem:$0x3FDB];
	s0 =	simm.s32 @p2 $0x1  }
0x17: {  	s4 =	simm.s32 $0x1BF5;
	[smem:$0x3FA5] =	sst s0  }
0x18: {  	s0 =	sld [smem:$0x3F88];
	_ =	swait.ge [sflag:s4], $0x0  }
0x19: {  	s7 =	sld [smem:$0x3F89]  }
0x1a: {  	s8 =	sadd.s32 $0xFFFFE003, lr  }
0x1b: {  	s9 =	sadd.s32 $0xFFFFFEF7, lr;
	s5 =	simm.s32 $0xFFFFFFFF;
	p2 =	slt.u32 s8, $0xFFFFF086  }
0x1c: {  	p1 =	slt.u32 s9, $0xF7A;
	s5 =	simm.s32 @!p2 $0x0  }
0x1d: {  	s5 =	simm.s32 @p1 $0x1;
	p0 =	seq.s32 s7, s2  }
0x1e: {  	s7 =	smul.u32 @!p0 $0xF7A, s2;
	p2 =	seq.s32 @!p0 s5, $0x0  }
0x1f: {  	s9 =	smul.u32 $0xF7A, s1;
	s8 =	simm.s32 @!p0 $0x1BF5;
	p2 =	por !p2, p0  }
0x20: {  	[sflag:s8] =	ssyncset.s32 @!p0 $0xFFFFF086;
	s6 =	sadd.s32 @!p0 s3, s7;
	s7 =	simm.s32 @!p0 $0x108  }
0x21: {  	s3 =	sadd.s32 s3, s9;
	s6 =	sadd.s32 @!p0 $0x88, s6;
	s7 =	simm.s32 @p2 $0x1082  }
0x22: {  	[simem:s7], [sflag:s8] =	dma.local @!p0 [hbm:s6], $0xF7A  }
0x23: {  	s9 =	sor.u32 $0xD0000000, s2;
	s6 =	simm.s32 $0x108;
	_ =	swait.ge @!p0 [sflag:s8], $0x0  }
0x24: {  	s3 =	sadd.s32 $0x88, s3;
	s6 =	simm.s32 @!p1 $0x1082;
	[sflag:s4] =	ssyncset.s32 $0xFFFFF086  }
0x25: {  	[simem:s6], [sflag:s4] =	dma.local [hbm:s3], $0xF7A  }
0x26: {  	[smem:$0x3F89] =	sst s1;
	(tag) =	ssettag s2;
	_ =	strace s9  }
0x27: {  	s1 =	sld [smem:$0x3F99]  }
0x28: {  	s2 =	sld [smem:$0x3F9A]  }
0x29: {  	s4 =	sld [smem:$0x3F9C]  }
0x2a: {  	p0 =	seq.s32 s5, $0x0;
	s5 =	sld [smem:$0x3F9D]  }
0x2b: {  	s6 =	sld [smem:$0x3F9E]  }
0x2c: {  	s7 =	sld [smem:$0x3F9F]  }
0x2d: {  	s3 =	simm.s32 $0x108;
	s8 =	sld [smem:$0x3FA0]  }
0x2e: {  	s3 =	simm.s32 @!p0 $0x1082;
	s9 =	sld [smem:$0x3FA1]  }
0x2f: {  	lr =	sadd.s32 s0, s3;
	s0 =	sld [smem:$0x3F98]  }
0x30: {  	s3 =	sld [smem:$0x3F9B]  }
0x31: {  	[smem:$0x3FA4] =	sst s10  }
0x32: {  	s10 =	sld [smem:$0x3FA2];
	_ =	sdelay $0x3  }
0x33: {  	p0 =	seq.s32 s10, $0x1;
	s10 =	sld [smem:$0x3FA4];
	_ =	sdelay $0x3  }
0x34: {  	[smem:$0x3FA4] =	sst s10  }
0x35: {  	s10 =	sld [smem:$0x3FA3];
	_ =	sdelay $0x3  }
0x36: {  	p1 =	seq.s32 s10, $0x1;
	s10 =	sld [smem:$0x3FA4];
	_ =	sdelay $0x3  }
0x37: {  	[smem:$0x3FA4] =	sst s10  }
0x38: {  	s10 =	sld [smem:$0x3FA5]  }
0x39: {  	_ = 	snop;
	(pc) =	sbr.ind lr, $3  }
0x3a: {  	_ = 	snop  }
0x3b: {  	_ = 	snop  }
0x3c: {  	p2 =	seq.s32 s10, $0x1;
	s10 =	sld [smem:$0x3FA4]  }
0x3d: {  	_ =	shalt  }
0x3e: {  	_ =	shalt  }
0x3f: {  	_ =	shalt  }
0x40: {  	_ =	shalt  }
0x41: {  	_ =	shalt  }
0x42: {  	_ =	shalt  }
0x43: {  	_ =	shalt  }
0x44: {  	_ =	shalt  }
0x45: {  	_ =	shalt  }
0x46: {  	_ =	shalt  }
0x47: {  	_ =	shalt  }
0x48: {  	_ =	shalt  }
0x49: {  	_ =	shalt  }
0x4a: {  	_ =	shalt  }
0x4b: {  	_ =	shalt  }
0x4c: {  	_ =	shalt  }
0x4d: {  	_ =	shalt  }
0x4e: {  	_ =	shalt  }
0x4f: {  	_ =	shalt  }
0x50: {  	_ =	shalt  }
0x51: {  	_ =	shalt  }
0x52: {  	_ =	shalt  }
0x53: {  	_ =	shalt  }
0x54: {  	_ =	shalt  }
0x55: {  	_ =	shalt  }
0x56: {  	_ =	shalt  }
0x57: {  	_ =	shalt  }
0x58: {  	_ =	shalt  }
0x59: {  	_ =	shalt  }
0x5a: {  	_ =	shalt  }
0x5b: {  	_ =	shalt  }
0x5c: {  	_ =	shalt  }
0x5d: {  	_ =	shalt  }
0x5e: {  	_ =	shalt  }
0x5f: {  	_ =	shalt  }
0x60: {  	_ =	shalt  }
0x61: {  	_ =	shalt  }
0x62: {  	_ =	shalt  }
0x63: {  	_ =	shalt  }
0x64: {  	_ =	shalt  }
0x65: {  	_ =	shalt  }
0x66: {  	_ =	shalt  }
0x67: {  	_ =	shalt  }
0x68: {  	_ =	shalt  }
0x69: {  	_ =	shalt  }
0x6a: {  	_ =	shalt  }
0x6b: {  	_ =	shalt  }
0x6c: {  	_ =	shalt  }
0x6d: {  	_ =	shalt  }
0x6e: {  	_ =	shalt  }
0x6f: {  	_ =	shalt  }
0x70: {  	_ =	shalt  }
0x71: {  	_ =	shalt  }
0x72: {  	_ =	shalt  }
0x73: {  	_ =	shalt  }
0x74: {  	_ =	shalt  }
0x75: {  	_ =	shalt  }
0x76: {  	_ =	shalt  }
0x77: {  	_ =	shalt  }
0x78: {  	_ =	shalt  }
0x79: {  	_ =	shalt  }
0x7a: {  	_ =	shalt  }
0x7b: {  	_ =	shalt  }
0x7c: {  	_ =	shalt  }
0x7d: {  	_ =	shalt  }
0x7e: {  	_ =	shalt  }
0x7f: {  	_ =	shalt  }
0x80: {  	_ =	shalt  }
0x81: {  	_ =	shalt  }
0x82: {  	_ =	shalt  }
0x83: {  	_ =	shalt  }
0x84: {  	_ =	shalt  }
0x85: {  	_ =	shalt  }
0x86: {  	_ =	shalt  }
0x87: {  	_ =	shalt  }
.Lfunc_end0:
.L_simem_size_0:
called_computation.1_lowered:
.L_overlay_start_0:
0x88: {  	s2 =	sld [smem:$0x3FD9]  }
0x89: {  	s3 =	sld [smem:$0x3FFE];
	_ =	sdelay $0x1  }
0x8a: {  	s1 =	srdreg.scid  }
0x8b: {  	s0 =	sand.u32 $0x1, s1  }
0x8c: {  	s16 =	sshll.u32 s0, $0xA;
	s2 =	sadd.s32 s3, s2  }
0x8d: {  	s2 =	sadd.s32 s2, s16  }
0x8e: {  	[smem:$0x3FB0] =	sst s2  }
0x8f: {  	_ = 	snop  }
0x90: {  	(tm) =	ssettm $0x1  }
0x91: {  	s17 =	sld [smem:$0x3FFB];
	_ =	sdelay $0x3  }
0x92: {  	_ =	strace s17  }
0x93: {  	s2 =	sld [smem:$0x3FFC];
	_ =	sdelay $0x3  }
0x94: {  	_ =	strace s2  }
0x95: {  	s2 =	sld [smem:$0x3FFD];
	_ =	sdelay $0x3  }
0x96: {  	_ =	strace s2  }
0x97: {  	_ =	strace $0x8FFFFFFF  }
0x98: {  	s18 =	sld [smem:$0x3FDB];
	_ =	sdelay $0x1  }
0x99: {  	s19 =	simm.s32 $_scs_section_size  }
0x9a: {  	s4 =	simm.s32 $_size__tile_overlayer_lowered;
	s5 =	simm.s32 $_tile_overlayer_lowered  }
0x9b: {  	s22 =	simm.s32 $0x1BFF;
	s21 =	sshll.u32 s5, $0x1;
	s2 =	sadd.s32 s19, s18  }
0x9c: {  	s6 =	simm.s32 $0x0;
	s20 =	sshll.u32 s4, $0x1;
	s4 =	sadd.s32 s21, s2  }
0x9d: {  	[timem:s6], [sflag:s22] =	dma.local [hbm:s4], s20  }
0x9e: {  	_ =	swait.ge [sflag:s22], s20  }
0x9f: {  	s3 =	ssub.s32 $0x0, s20;
	[sflag:s22] =	ssyncset.done $0x0  }
0xa0: {  	[sflag:s22] =	ssyncadd.s32 s3;
	_ =	sdelay $0x1  }
0xa1: {  	s23 =	simm.s32 $0x1B8B  }
0xa2: {  	_ =	swait.ge [sflag:s23], $0x1  }
0xa3: {  	[sflag:s23] =	ssyncset.done $0x0  }
0xa4: {  	s25 =	simm.s32 $0x1B8E;
	s24 =	sld [smem:$0x3FFE];
	[sflag:s23] =	ssyncadd.s32 $0xFFFFFFFF  }
0xa5: {  	s26 =	simm.s32 $execute0_lowered;
	[smem:$0x3FD2] =	sst s25  }
0xa6: {  	s4 =	sshll.u32 s26, $0x1;
	_ =	strace $0x80000049;
	[dreg:$0x1] =	wrdreg $0xFFFFFFFF  }
0xa7: {  	s28 =	simm.s32 $_size_execute0_lowered;
	s2 =	sadd.s32 s2, s4;
	[dreg:$0x0] =	wrdreg $0x0  }
0xa8: {  	s4 =	sshll.u32 s28, $0x1;
	[dreg:$0x2] =	wrdreg s2  }
0xa9: {  	[dreg:$0x3] =	wrdreg s4  }
0xaa: {  	[dreg:$0x4] =	wrdreg $0xC0  }
0xab: {  	_ =	task [dreg:s6], $0x5FFFF  }
0xac: {  	[dreg:$0x1] =	wrdreg $0xFFFFFFFF  }
0xad: {  	[dreg:$0x0] =	wrdreg $0x60  }
0xae: {  	[dreg:$0x2] =	wrdreg s24  }
0xaf: {  	[dreg:$0x3] =	wrdreg $0x94000  }
0xb0: {  	[dreg:$0x4] =	wrdreg $0x9  }
0xb1: {  	_ =	task.clear_ibuf [dreg:s6], $0x5FFFF;
	_ =	strace $0x90000049  }
0xb2: {  	s29 =	simm.s32 $0x9;
	_ =	strace $0x8000004B  }
0xb3: {  	_ =	swait.ge [sflag:s29], $0x1  }
0xb4: {  	[sflag:s29] =	ssyncadd.s32 $0xFFFFFFFF  }
0xb5: {  	_ =	strace $0x9000004B  }
0xb6: {  	_ =	sfence  }
0xb7: {  	s30 =	sld [smem:$0x0];
	_ =	sdelay $0x2  }
0xb8: {  	s31 =	sshll.u32 s1, $0xD;
	s1 =	sshrl.u32 s1, $0x2  }
0xb9: {  	s3 =	sand.u32 $0x4000, s31;
	s1 =	sadd.s32 s1, s30  }
0xba: {  	s0 =	sor.u32 s3, s0;
	s1 =	sshll.u32 s1, $0x11  }
0xbb: {  	s0 =	sor.u32 s1, s0  }
0xbc: {  	s0 =	sadd.s32 $0x8F2B, s0  }
0xbd: {  	[sflag:s0] =	ssyncadd.remote.s32 $0x1  }
0xbe: {  	_ =	sfence.sel $0xFFFF  }
0xbf: {  	[dreg:$0x0] =	wrdreg $0xFFFFFFFF;
	(pc) =	sbr.abs _section_cstart, $3  }
0xc0: {  	[dreg:$0x1] =	wrdreg $0xFFFFFFFF  }
0xc1: {  	_ =	task.clear_ibuf [dreg:s6], $0x2FFFF;
	_ =	strace $0x9FFFFFFF  }
0xc2: {  	(tm) =	ssettm $0x7FFFFFFF  }
0xc3: {  	_ =	shalt  }
tec
execute0_lowered:
.L_overlay_start_1:
0x0: {  	(tag) =	ssettag $0x1  }
0x1: {  	s0 =	stileid.u32  }
0x2: {  	s9 =	smul.u32 $0x14000, s0  }
0x3: {  	s13 =	smul.u32 $0x50000, s0  }
0x4: {  	s1 =	srdreg.scid;
	s24 =	smul.u32 $0x50, s0  }
0x5: {  	s5 =	rddreg [dreg:$0x0];
	s8 =	sand.u32 $0x1, s1;
	s15 =	smul.u32 $0x28000, s0  }
0x6: {  	s2 =	rddreg [dreg:$0x1];
	s3 =	simm.s32 $0x0;
	s7 =	smul.u32 $0x140000, s8  }
0x7: {  	s22 =	sshll.u32 s0, $0x1;
	s1 =	rddreg [dreg:$0x2];
	s28 =	smul.u32 $0x28, s8  }
0x8: {  	[smem:$0x7FF] =	sst s3;
	s6 =	sor.u32 s8, s22;
	s30 =	smul.u32 $0x14000, s8  }
0x9: {  	s10 =	sadd.s32 $0x7ACC00, s5;
	s29 =	sshll.u32 s0, $0x6;
	s4 =	smul.u32 $0x280, s6  }
0xa: {  	_ =	strace $0x8000004A;
	s23 =	ssub.s32 $0x2, s8;
	s6 =	smul.u32 $0x28, s6  }
0xb: {  	s12 =	sshrl.u32 s23, $0x1;
	s26 =	sshrl.u32 s13, $0x2;
	s31 =	sadd.s32 s15, s10  }
0xc: {  	s7 =	sadd.s32 s9, s7;
	s9 =	ssub.s32 s23, s12;
	s13 =	sadd.s32 s26, s2  }
0xd: {  	s12 =	sadd.s32 s28, s24;
	s11 =	sadd.s32 s4, s5;
	s4 =	sadd.s32 $0x9C00, s5  }
0xe: {  	s7 =	sshrl.u32 s7, $0x3;
	s25 =	ssub.s32 $0x4E2, s6;
	s6 =	sor.u32 $0x1C03, s29  }
0xf: {  	s12 =	sshll.u32 s12, $0xB;
	s9 =	smax.u32 s9, $0x1;
	s14 =	sadd.s32 s7, s5  }
0x10: {  	s5 =	smin.u32 s25, $0x28;
	s7 =	sadd.s32 $0x4C00, s11;
	s12 =	sadd.s32 s12, s10  }
0x11: {  	s10 =	sadd.s32 s30, s31;
	s8 =	sadd.s32 $0xC400, s14;
	s11 =	sadd.s32 $0x800, s12  }
0x12: {  	s12 =	sshrl.u32 s13, $0x3;
	s13 =	simm.s32 $0x3;
	s14 =	simm.s32 $0x0  }
.LBB2_1:
0x13: {  	[spmem:s12], [sflag:s6] =	dma.local [hbm:s4], $0x2800  }
0x14: {  	_ =	swait.ge [sflag:s13], $0x2800  }
0x15: {  	[sflag:s13] =	ssyncset.done $0x0  }
0x16: {  	[sflag:s13] =	ssyncadd.s32 $0xFFFFD800  }
0x17: {  	[tilespmem:s3], [sflag:$0x3] =	stream.linear.gather [hbm4b:s7+s3], $0x1400, $0x38;
	[tilespmem:$0x1D400] =	vst v63  }
0x18: {  	_ =	swait.ge [sflag:s13], $0x1400  }
0x19: {  	[sflag:s13] =	ssyncset.done $0x0  }
0x1a: {  	p1 =	sle.u32 s5, $0x0;
	p0 =	sle.u32 s5, $0x1;
	[sflag:s13] =	ssyncadd.s32 $0xFFFFEC00  }
0x1b: {  	s15 =	simm.s32 @!p1 $0x0;
	s16 =	simm.s32 @!p1 $0x1400;
	[bflag:$0x0] =	sbarrier.arrive $0xFFFF  }
0x1c: {  	[tilespmem:s16], [sflag:$0x1] =	stream.linear.gather @!p1 [hbm4b:s10+s15], $0x4000, $0x38;
	[tilespmem:$0x1D400] =	vst v63  }
0x1d: {  	s18 =	simm.s32 @!p0 $0x5400;
	s17 =	simm.s32 @!p1 $0x1;
	s15 =	simm.s32 @!p0 $0x0  }
0x1e: {  	[tilespmem:s18], [sflag:$0x2] =	stream.linear.gather @!p0 [hbm4b:s11+s15], $0x4000, $0x38;
	[tilespmem:$0x1D400] =	vst v63  }
0x1f: {  	_ =	swait.ge @!p1 [sflag:s17], $0x4000  }
0x20: {  	[sflag:s17] =	ssyncset.done @!p1 $0x0  }
0x21: {  	s15 =	simm.s32 @!p1 $0x80;
	[sflag:s17] =	ssyncadd.s32 @!p1 $0xFFFFC000;
	s17 =	simm.s32 @!p1 $0x4  }
0x22: {  	[spmem:s2] =	stream.indirect.scatter.add.f32 @!p1 [tilespmem:s16], [sflag:$0x4], $0x80, s3, s15, $0xb8;
	[tilespmem:$0x1D400] =	vst v63  }
0x23: {  	_ =	swait.ge @!p1 [sflag:s17], $0x4000  }
0x24: {  	p0 =	por p0, p0;
	[sflag:s17] =	ssyncset.done @!p1 $0x0  }
0x25: {  	s15 =	simm.s32 @!p0 $0x2;
	[sflag:s17] =	ssyncadd.s32 @!p1 $0xFFFFC000  }
0x26: {  	p2 =	sle.u32 s5, $0x3;
	_ =	swait.ge @!p0 [sflag:s15], $0x4000  }
0x27: {  	s19 =	simm.s32 @!p0 $0x3;
	s20 =	simm.s32 @!p0 $0x80;
	[sflag:s15] =	ssyncset.done @!p0 $0x0  }
0x28: {  	s16 =	sadd.s32 $0x1000, s10;
	[sflag:s15] =	ssyncadd.s32 @!p0 $0xFFFFC000;
	s15 =	simm.s32 @!p0 $0x80  }
0x29: {  	[spmem:s2] =	stream.indirect.scatter.add.f32 @!p0 [tilespmem:s18], [sflag:$0x3], $0x80, s15, s20, $0xb8;
	[tilespmem:$0x1D400] =	vst v63  }
0x2a: {  	s17 =	simm.s32 $0x5;
	p1 =	sle.u32 s5, $0x2;
	_ =	swait.ge @!p0 [sflag:s19], $0x4000  }
0x2b: {  	s18 =	sadd.s32 $0x1000, s11;
	s15 =	simm.s32 $0x100;
	[sflag:s19] =	ssyncset.done @!p0 $0x0  }
.LBB2_2:
0x2c: {  	s20 =	simm.s32 @!p1 $0x0;
	s21 =	simm.s32 @!p1 $0x1400;
	[sflag:s19] =	ssyncadd.s32 @!p0 $0xFFFFC000  }
0x2d: {  	[tilespmem:s21], [sflag:$0x1] =	stream.linear.gather @!p1 [hbm4b:s16+s20], $0x4000, $0x38;
	[tilespmem:$0x1D400] =	vst v63  }
0x2e: {  	s19 =	simm.s32 @!p2 $0x0;
	s22 =	simm.s32 @!p1 $0x1;
	s20 =	simm.s32 @!p2 $0x5400  }
0x2f: {  	[tilespmem:s20], [sflag:$0x2] =	stream.linear.gather @!p2 [hbm4b:s18+s19], $0x4000, $0x38;
	[tilespmem:$0x1D400] =	vst v63  }
0x30: {  	s23 =	smov.u32 s17;
	s17 =	sadd.s32 $0x2, s17;
	_ =	swait.ge @!p1 [sflag:s22], $0x4000  }
0x31: {  	p0 =	por p2, p2;
	p3 =	sne.s32 s17, $0x29;
	[sflag:s22] =	ssyncset.done @!p1 $0x0  }
0x32: {  	s19 =	simm.s32 @!p1 $0x80;
	[sflag:s22] =	ssyncadd.s32 @!p1 $0xFFFFC000;
	s22 =	simm.s32 @!p1 $0x4  }
0x33: {  	[spmem:s2] =	stream.indirect.scatter.add.f32 @!p1 [tilespmem:s21], [sflag:$0x4], $0x80, s15, s19, $0xb8;
	[tilespmem:$0x1D400] =	vst v63  }
0x34: {  	_ =	swait.ge @!p1 [sflag:s22], $0x4000  }
0x35: {  	[sflag:s22] =	ssyncset.done @!p1 $0x0  }
0x36: {  	s21 =	simm.s32 @!p0 $0x2;
	[sflag:s22] =	ssyncadd.s32 @!p1 $0xFFFFC000  }
0x37: {  	s16 =	sadd.s32 $0x1000, s16;
	s18 =	sadd.s32 $0x1000, s18;
	_ =	swait.ge @!p0 [sflag:s21], $0x4000  }
.Ltmp0:
0x38: {  	s19 =	simm.s32 @!p0 $0x3;
	[sflag:s21] =	ssyncset.done @!p0 $0x0;
	(pc) =	sbr.rel @p3 .LBB2_2-.Ltmp0, $4  }
0x39: {  	s22 =	simm.s32 @!p0 $0x80;
	[sflag:s21] =	ssyncadd.s32 @!p0 $0xFFFFC000;
	s21 =	sadd.s32 @!p0 $0x80, s15  }
0x3a: {  	[spmem:s2] =	stream.indirect.scatter.add.f32 @!p0 [tilespmem:s20], [sflag:$0x3], $0x80, s21, s22, $0xb8;
	[tilespmem:$0x1D400] =	vst v63  }
0x3b: {  	s15 =	sadd.s32 $0x100, s15;
	s20 =	sadd.s32 $0xFFFFFFFF, s23;
	_ =	swait.ge @!p0 [sflag:s19], $0x4000  }
0x3c: {  	p2 =	sge.u32 s23, s5;
	p1 =	sge.u32 s20, s5;
	[sflag:s19] =	ssyncset.done @!p0 $0x0  }
0x3d: {  	s17 =	simm.s32 @!p1 $0x0;
	s20 =	simm.s32 @!p1 $0x1400;
	[sflag:s19] =	ssyncadd.s32 @!p0 $0xFFFFC000  }
0x3e: {  	[tilespmem:s20], [sflag:$0x1] =	stream.linear.gather @!p1 [hbm4b:s16+s17], $0x4000, $0x38;
	[tilespmem:$0x1D400] =	vst v63  }
0x3f: {  	s19 =	simm.s32 @!p1 $0x1;
	s16 =	simm.s32 @!p2 $0x0;
	s17 =	simm.s32 @!p2 $0x5400  }
0x40: {  	[tilespmem:s17], [sflag:$0x2] =	stream.linear.gather @!p2 [hbm4b:s18+s16], $0x4000, $0x38;
	[tilespmem:$0x1D400] =	vst v63  }
0x41: {  	_ =	swait.ge @!p1 [sflag:s19], $0x4000  }
0x42: {  	[sflag:s19] =	ssyncset.done @!p1 $0x0  }
0x43: {  	s16 =	simm.s32 @!p1 $0x80;
	s18 =	simm.s32 @!p1 $0x4;
	[sflag:s19] =	ssyncadd.s32 @!p1 $0xFFFFC000  }
0x44: {  	[spmem:s2] =	stream.indirect.scatter.add.f32 @!p1 [tilespmem:s20], [sflag:$0x4], $0x80, s15, s16, $0xb8;
	[tilespmem:$0x1D400] =	vst v63  }
0x45: {  	_ =	swait.ge @!p1 [sflag:s18], $0x4000  }
0x46: {  	p0 =	por p2, p2;
	[sflag:s18] =	ssyncset.done @!p1 $0x0  }
0x47: {  	s16 =	simm.s32 @!p0 $0x2;
	[sflag:s18] =	ssyncadd.s32 @!p1 $0xFFFFC000  }
0x48: {  	_ =	swait.ge @!p0 [sflag:s16], $0x4000  }
0x49: {  	s15 =	sadd.s32 @!p0 $0x80, s15;
	[sflag:s16] =	ssyncset.done @!p0 $0x0  }
0x4a: {  	s18 =	simm.s32 @!p0 $0x3;
	[sflag:s16] =	ssyncadd.s32 @!p0 $0xFFFFC000;
	s16 =	simm.s32 @!p0 $0x80  }
0x4b: {  	[spmem:s2] =	stream.indirect.scatter.add.f32 @!p0 [tilespmem:s17], [sflag:$0x3], $0x80, s15, s16, $0xb8;
	[tilespmem:$0x1D400] =	vst v63  }
0x4c: {  	_ =	swait.ge @!p0 [sflag:s18], $0x4000  }
0x4d: {  	s14 =	sadd.s32 $0x1, s14;
	[sflag:s18] =	ssyncset.done @!p0 $0x0  }
0x4e: {  	[sflag:s18] =	ssyncadd.s32 @!p0 $0xFFFFC000;
	p0 =	sne.s32 s14, s9  }
.Ltmp1:
0x4f: {  	[bflag:$0x0] =	sbarrier.arrive $0xFFFF;
	(pc) =	sbr.rel @p0 .LBB2_1-.Ltmp1, $4  }
0x50: {  	[hbm:s8], [sflag:s6] =	dma.local [spmem:s12], $0x2800  }
0x51: {  	_ =	swait.ge [sflag:s13], $0x2800  }
0x52: {  	[sflag:s13] =	ssyncset.done $0x0  }
0x53: {  	[sflag:s13] =	ssyncadd.s32 $0xFFFFD800  }
0x54: {  	_ =	sfence.sel $0x180000  }
0x55: {  	[bflag:$0x0] =	sbarrier.arrive $0xFFFF  }
0x56: {  	p0 =	sne.s32 s0, $0x0;
	_ =	strace $0x9000004A  }
0x57: {  	s0 =	sadd.s32 @!p0 $0x100000, s1;
	[bflag:$0x2] =	sbarrier.arrive $0xFFFF  }
0x58: {  	[sflag:s0] =	ssyncadd.tile.s32 @!p0 $0x1;
	_ =	shalt  }
.Lfunc_end2:
_tile_overlayer_lowered:
.L_overlay_start_2:
0x59: {  	(tag) =	ssettag $0x2  }
0x5a: {  	s0 =	rddreg [dreg:$0x0];
	s2 =	stileid.u32  }
0x5b: {  	s1 =	rddreg [dreg:$0x1];
	p0 =	sne.s32 s2, $0x0  }
0x5c: {  	s3 =	rddreg [dreg:$0x2];
	[bflag:$0x3] =	sbarrier.arrive $0xFFFF;
	s2 =	simm.s32 @!p0 $0x1C03  }
0x5d: {  	[timem:s3], [sflag:s2] =	dma.local @!p0 [hbm:s0], s1  }
0x5e: {  	s0 =	simm.s32 @!p0 $0x3  }
0x5f: {  	_ =	swait.ge @!p0 [sflag:s0], s1  }
0x60: {  	s1 =	ssub.s32 @!p0 $0x0, s1;
	[sflag:s0] =	ssyncset.done @!p0 $0x0  }
0x61: {  	[sflag:s0] =	ssyncadd.s32 @!p0 s1  }
0x62: {  	[bflag:$0x3] =	sbarrier.arrive $0xFFFF  }
0x63: {  	_ =	shalt  }

// kernel: kernel.15.cloned.1.call-start
scs
__scs_entry_jumppad:
0x0: {  	(pc) =	sbr.rel $0x88, $3  }
0x1: {  	(tag) =	ssettag $0x0;
	lr =	simm.s32 $0x1  }
0x2: {  	[smem:$0x3F89] =	sst lr;
	_ =	strace $0xD0000000  }
0x3: {  	_ = 	snop  }
0x4: {  	_ = 	snop  }
0x5: {  	_ = 	snop  }
0x6: {  	_ = 	snop  }
0x7: {  	_ = 	snop  }
__scs_overlays_trampoline_lowered:
0x8: {  	[smem:$0x3F98] =	sst s0  }
0x9: {  	[smem:$0x3F99] =	sst s1  }
0xa: {  	[smem:$0x3F9A] =	sst s2  }
0xb: {  	[smem:$0x3F9B] =	sst s3  }
0xc: {  	[smem:$0x3F9C] =	sst s4  }
0xd: {  	[smem:$0x3F9D] =	sst s5  }
0xe: {  	[smem:$0x3F9E] =	sst s6  }
0xf: {  	[smem:$0x3F9F] =	sst s7  }
0x10: {  	[smem:$0x3FA0] =	sst s8  }
0x11: {  	[smem:$0x3FA1] =	sst s9;
	s0 =	simm.s32 @!p0 $0x0  }
0x12: {  	s1 =	sld [smem:$0x3F87];
	s0 =	simm.s32 @p0 $0x1  }
0x13: {  	[smem:$0x3FA2] =	sst s0;
	s0 =	simm.s32 @!p1 $0x0  }
0x14: {  	s2 =	sld [smem:$0x3F86];
	s0 =	simm.s32 @p1 $0x1  }
0x15: {  	[smem:$0x3FA3] =	sst s0;
	s0 =	simm.s32 @!p2 $0x0  }
0x16: {  	s3 =	sld [smem:$0x3FDB];
	s0 =	simm.s32 @p2 $0x1  }
0x17: {  	s4 =	simm.s32 $0x1BF5;
	[smem:$0x3FA5] =	sst s0  }
0x18: {  	s0 =	sld [smem:$0x3F88];
	_ =	swait.ge [sflag:s4], $0x0  }
0x19: {  	s7 =	sld [smem:$0x3F89]  }
0x1a: {  	s8 =	sadd.s32 $0xFFFFE003, lr  }
0x1b: {  	s9 =	sadd.s32 $0xFFFFFEF7, lr;
	s5 =	simm.s32 $0xFFFFFFFF;
	p2 =	slt.u32 s8, $0xFFFFF086  }
0x1c: {  	p1 =	slt.u32 s9, $0xF7A;
	s5 =	simm.s32 @!p2 $0x0  }
0x1d: {  	s5 =	simm.s32 @p1 $0x1;
	p0 =	seq.s32 s7, s2  }
0x1e: {  	s7 =	smul.u32 @!p0 $0xF7A, s2;
	p2 =	seq.s32 @!p0 s5, $0x0  }
0x1f: {  	s9 =	smul.u32 $0xF7A, s1;
	s8 =	simm.s32 @!p0 $0x1BF5;
	p2 =	por !p2, p0  }
0x20: {  	[sflag:s8] =	ssyncset.s32 @!p0 $0xFFFFF086;
	s6 =	sadd.s32 @!p0 s3, s7;
	s7 =	simm.s32 @!p0 $0x108  }
0x21: {  	s3 =	sadd.s32 s3, s9;
	s6 =	sadd.s32 @!p0 $0x88, s6;
	s7 =	simm.s32 @p2 $0x1082  }
0x22: {  	[simem:s7], [sflag:s8] =	dma.local @!p0 [hbm:s6], $0xF7A  }
0x23: {  	s9 =	sor.u32 $0xD0000000, s2;
	s6 =	simm.s32 $0x108;
	_ =	swait.ge @!p0 [sflag:s8], $0x0  }
0x24: {  	s3 =	sadd.s32 $0x88, s3;
	s6 =	simm.s32 @!p1 $0x1082;
	[sflag:s4] =	ssyncset.s32 $0xFFFFF086  }
0x25: {  	[simem:s6], [sflag:s4] =	dma.local [hbm:s3], $0xF7A  }
0x26: {  	[smem:$0x3F89] =	sst s1;
	(tag) =	ssettag s2;
	_ =	strace s9  }
0x27: {  	s1 =	sld [smem:$0x3F99]  }
0x28: {  	s2 =	sld [smem:$0x3F9A]  }
0x29: {  	s4 =	sld [smem:$0x3F9C]  }
0x2a: {  	p0 =	seq.s32 s5, $0x0;
	s5 =	sld [smem:$0x3F9D]  }
0x2b: {  	s6 =	sld [smem:$0x3F9E]  }
0x2c: {  	s7 =	sld [smem:$0x3F9F]  }
0x2d: {  	s3 =	simm.s32 $0x108;
	s8 =	sld [smem:$0x3FA0]  }
0x2e: {  	s3 =	simm.s32 @!p0 $0x1082;
	s9 =	sld [smem:$0x3FA1]  }
0x2f: {  	lr =	sadd.s32 s0, s3;
	s0 =	sld [smem:$0x3F98]  }
0x30: {  	s3 =	sld [smem:$0x3F9B]  }
0x31: {  	[smem:$0x3FA4] =	sst s10  }
0x32: {  	s10 =	sld [smem:$0x3FA2];
	_ =	sdelay $0x3  }
0x33: {  	p0 =	seq.s32 s10, $0x1;
	s10 =	sld [smem:$0x3FA4];
	_ =	sdelay $0x3  }
0x34: {  	[smem:$0x3FA4] =	sst s10  }
0x35: {  	s10 =	sld [smem:$0x3FA3];
	_ =	sdelay $0x3  }
0x36: {  	p1 =	seq.s32 s10, $0x1;
	s10 =	sld [smem:$0x3FA4];
	_ =	sdelay $0x3  }
0x37: {  	[smem:$0x3FA4] =	sst s10  }
0x38: {  	s10 =	sld [smem:$0x3FA5]  }
0x39: {  	_ = 	snop;
	(pc) =	sbr.ind lr, $3  }
0x3a: {  	_ = 	snop  }
0x3b: {  	_ = 	snop  }
0x3c: {  	p2 =	seq.s32 s10, $0x1;
	s10 =	sld [smem:$0x3FA4]  }
0x3d: {  	_ =	shalt  }
0x3e: {  	_ =	shalt  }
0x3f: {  	_ =	shalt  }
0x40: {  	_ =	shalt  }
0x41: {  	_ =	shalt  }
0x42: {  	_ =	shalt  }
0x43: {  	_ =	shalt  }
0x44: {  	_ =	shalt  }
0x45: {  	_ =	shalt  }
0x46: {  	_ =	shalt  }
0x47: {  	_ =	shalt  }
0x48: {  	_ =	shalt  }
0x49: {  	_ =	shalt  }
0x4a: {  	_ =	shalt  }
0x4b: {  	_ =	shalt  }
0x4c: {  	_ =	shalt  }
0x4d: {  	_ =	shalt  }
0x4e: {  	_ =	shalt  }
0x4f: {  	_ =	shalt  }
0x50: {  	_ =	shalt  }
0x51: {  	_ =	shalt  }
0x52: {  	_ =	shalt  }
0x53: {  	_ =	shalt  }
0x54: {  	_ =	shalt  }
0x55: {  	_ =	shalt  }
0x56: {  	_ =	shalt  }
0x57: {  	_ =	shalt  }
0x58: {  	_ =	shalt  }
0x59: {  	_ =	shalt  }
0x5a: {  	_ =	shalt  }
0x5b: {  	_ =	shalt  }
0x5c: {  	_ =	shalt  }
0x5d: {  	_ =	shalt  }
0x5e: {  	_ =	shalt  }
0x5f: {  	_ =	shalt  }
0x60: {  	_ =	shalt  }
0x61: {  	_ =	shalt  }
0x62: {  	_ =	shalt  }
0x63: {  	_ =	shalt  }
0x64: {  	_ =	shalt  }
0x65: {  	_ =	shalt  }
0x66: {  	_ =	shalt  }
0x67: {  	_ =	shalt  }
0x68: {  	_ =	shalt  }
0x69: {  	_ =	shalt  }
0x6a: {  	_ =	shalt  }
0x6b: {  	_ =	shalt  }
0x6c: {  	_ =	shalt  }
0x6d: {  	_ =	shalt  }
0x6e: {  	_ =	shalt  }
0x6f: {  	_ =	shalt  }
0x70: {  	_ =	shalt  }
0x71: {  	_ =	shalt  }
0x72: {  	_ =	shalt  }
0x73: {  	_ =	shalt  }
0x74: {  	_ =	shalt  }
0x75: {  	_ =	shalt  }
0x76: {  	_ =	shalt  }
0x77: {  	_ =	shalt  }
0x78: {  	_ =	shalt  }
0x79: {  	_ =	shalt  }
0x7a: {  	_ =	shalt  }
0x7b: {  	_ =	shalt  }
0x7c: {  	_ =	shalt  }
0x7d: {  	_ =	shalt  }
0x7e: {  	_ =	shalt  }
0x7f: {  	_ =	shalt  }
0x80: {  	_ =	shalt  }
0x81: {  	_ =	shalt  }
0x82: {  	_ =	shalt  }
0x83: {  	_ =	shalt  }
0x84: {  	_ =	shalt  }
0x85: {  	_ =	shalt  }
0x86: {  	_ =	shalt  }
0x87: {  	_ =	shalt  }
.Lfunc_end0:
.L_simem_size_0:
called_computation.2_lowered:
.L_overlay_start_0:
0x88: {  	s2 =	sld [smem:$0x3FD9]  }
0x89: {  	s3 =	sld [smem:$0x3FFE];
	_ =	sdelay $0x1  }
0x8a: {  	s1 =	srdreg.scid  }
0x8b: {  	s0 =	sand.u32 $0x1, s1  }
0x8c: {  	s14 =	sshll.u32 s0, $0xA;
	s2 =	sadd.s32 s3, s2  }
0x8d: {  	s2 =	sadd.s32 s2, s14  }
0x8e: {  	[smem:$0x3FB0] =	sst s2  }
0x8f: {  	_ = 	snop  }
0x90: {  	s2 =	sld [smem:$0x3FD0];
	_ =	sdelay $0x2  }
0x91: {  	s4 =	simm.s32 $0xA;
	s5 =	simm.s32 $0x10;
	s15 =	sld [smem:$0x3FB9]  }
0x92: {  	[smem:s5], [sflag:s4] =	dma.local [hbm:s2], $0x1  }
0x93: {  	_ =	swait.eq [sflag:s4], $0x1  }
0x94: {  	[sflag:s4] =	ssyncset.done $0x0  }
0x95: {  	[sflag:s4] =	ssyncadd.s32 $0xFFFFFFFF  }
0x96: {  	s16 =	sld [smem:$0x10];
	(tm) =	ssettm $0x1  }
0x97: {  	s17 =	sld [smem:$0x3FFB];
	_ =	sdelay $0x3  }
0x98: {  	_ =	strace s17  }
0x99: {  	s4 =	sld [smem:$0x3FFC];
	_ =	sdelay $0x3  }
0x9a: {  	_ =	strace s4  }
0x9b: {  	s4 =	sld [smem:$0x3FFD];
	_ =	sdelay $0x3  }
0x9c: {  	_ =	strace s4  }
0x9d: {  	_ =	strace $0x8FFFFFFF  }
0x9e: {  	s18 =	sld [smem:$0x3FDB];
	_ =	sdelay $0x1  }
0x9f: {  	s19 =	simm.s32 $_scs_section_size  }
0xa0: {  	s6 =	simm.s32 $_size__tile_overlayer_lowered;
	s7 =	simm.s32 $_tile_overlayer_lowered  }
0xa1: {  	s22 =	simm.s32 $0x1BFF;
	s21 =	sshll.u32 s7, $0x1;
	s4 =	sadd.s32 s19, s18  }
0xa2: {  	s8 =	simm.s32 $0x0;
	s20 =	sshll.u32 s6, $0x1;
	s6 =	sadd.s32 s21, s4  }
0xa3: {  	[timem:s8], [sflag:s22] =	dma.local [hbm:s6], s20  }
0xa4: {  	_ =	swait.ge [sflag:s22], s20  }
0xa5: {  	s5 =	ssub.s32 $0x0, s20;
	[sflag:s22] =	ssyncset.done $0x0  }
0xa6: {  	[sflag:s22] =	ssyncadd.s32 s5;
	_ =	sdelay $0x1  }
0xa7: {  	s23 =	simm.s32 $0x1B8B  }
0xa8: {  	_ =	swait.ge [sflag:s23], $0x1  }
0xa9: {  	[sflag:s23] =	ssyncset.done $0x0  }
0xaa: {  	s25 =	simm.s32 $0x1B8E;
	s24 =	sld [smem:$0x3FFE];
	[sflag:s23] =	ssyncadd.s32 $0xFFFFFFFF  }
0xab: {  	s26 =	simm.s32 $execute0_lowered;
	[smem:$0x3FD2] =	sst s25  }
0xac: {  	s6 =	sshll.u32 s26, $0x1;
	_ =	strace $0x8000004C;
	[dreg:$0x1] =	wrdreg $0xFFFFFFFF  }
0xad: {  	s28 =	simm.s32 $_size_execute0_lowered;
	s4 =	sadd.s32 s4, s6;
	[dreg:$0x0] =	wrdreg $0x0  }
0xae: {  	s6 =	sshll.u32 s28, $0x1;
	[dreg:$0x2] =	wrdreg s4  }
0xaf: {  	[dreg:$0x3] =	wrdreg s6  }
0xb0: {  	[dreg:$0x4] =	wrdreg $0xC0  }
0xb1: {  	_ =	task [dreg:s8], $0x5FFFF  }
0xb2: {  	[dreg:$0x1] =	wrdreg $0xFFFFFFFF  }
0xb3: {  	[dreg:$0x0] =	wrdreg $0x60  }
0xb4: {  	[dreg:$0x2] =	wrdreg s24  }
0xb5: {  	[dreg:$0x3] =	wrdreg s16  }
0xb6: {  	[dreg:$0x4] =	wrdreg s15  }
0xb7: {  	[dreg:$0x5] =	wrdreg $0xC3000  }
0xb8: {  	[dreg:$0x6] =	wrdreg $0x9  }
0xb9: {  	_ =	task.clear_ibuf [dreg:s8], $0x7FFFF;
	_ =	strace $0x9000004C  }
0xba: {  	s29 =	simm.s32 $0x9;
	_ =	strace $0x8000004E  }
0xbb: {  	_ =	swait.ge [sflag:s29], $0x1  }
0xbc: {  	[sflag:s29] =	ssyncadd.s32 $0xFFFFFFFF  }
0xbd: {  	_ =	strace $0x9000004E  }
0xbe: {  	_ =	sfence  }
0xbf: {  	s30 =	sld [smem:$0x0];
	_ =	sdelay $0x2  }
0xc0: {  	s31 =	sshll.u32 s1, $0xD;
	s1 =	sshrl.u32 s1, $0x2  }
0xc1: {  	s3 =	sand.u32 $0x4000, s31;
	s1 =	sadd.s32 s1, s30  }
0xc2: {  	s0 =	sor.u32 s3, s0;
	s1 =	sshll.u32 s1, $0x11  }
0xc3: {  	s0 =	sor.u32 s1, s0  }
0xc4: {  	s0 =	sadd.s32 $0x8F2B, s0  }
0xc5: {  	[sflag:s0] =	ssyncadd.remote.s32 $0x1  }
0xc6: {  	_ =	sfence.sel $0xFFFF  }
0xc7: {  	[dreg:$0x0] =	wrdreg $0xFFFFFFFF;
	(pc) =	sbr.abs _section_cstart, $3  }
0xc8: {  	[dreg:$0x1] =	wrdreg $0xFFFFFFFF  }
0xc9: {  	_ =	task.clear_ibuf [dreg:s8], $0x2FFFF;
	_ =	strace $0x9FFFFFFF  }
0xca: {  	(tm) =	ssettm $0x7FFFFFFF  }
0xcb: {  	_ =	shalt  }
tec
execute0_lowered:
.L_overlay_start_1:
0x0: {  	(tag) =	ssettag $0x1  }
0x1: {  	s0 =	rddreg [dreg:$0x0]  }
0x2: {  	s1 =	rddreg [dreg:$0x1]  }
0x3: {  	s3 =	rddreg [dreg:$0x3];
	s2 =	simm.s32 $0x0;
	s23 =	srdreg.scid  }
0x4: {  	s10 =	stileid.u32;
	s17 =	simm.s32 $0x5;
	s19 =	simm.s32 $0x8200  }
0x5: {  	s20 =	simm.s32 $0x6;
	s21 =	simm.s32 $0x1;
	s22 =	simm.s32 $0x2  }
0x6: {  	v0 =	vimm.s32 $0xFEDCBA98;
	s28 =	simm.s32 $0x4;
	s29 =	simm.s32 $0x180;
	s30 =	simm.s32 $0x0  }
0x7: {  	v1 =	vimm.s32 $0x76543210;
	v2 =	vimm.s32 $0x3210FEDC;
	[smem:$0x7FF] =	sst s2;
	s6 =	sadd.s32 $0x9C00, s0;
	s2 =	sand.u32 $0x1, s23  }
0x8: {  	v3 =	vimm.s32 $0xBA987654;
	s7 =	sadd.s32 $0x31C00, s0;
	s8 =	sadd.s32 $0x4C00, s0;
	s5 =	smul.u32 $0x13C00, s10  }
0x9: {  	v4 =	vimm.s32 $0x10FEDCBA;
	s11 =	sshll.u32 s10, $0x1;
	s9 =	sadd.s32 $0xA1DC00, s0;
	s12 =	sadd.s32 $0x59C00, s0  }
0xa: {  	v5 =	vimm.s32 $0x98765432;
	v6 =	vimm.s32 $0xFEDCBA9;
	s13 =	smul.u32 $0x4F000, s10;
	s31 =	sshll.u32 s10, $0x6;
	s23 =	simm.s32 $0x40  }
0xb: {  	v7 =	vimm.s32 $0x87654321;
	v0 =	vunpack.c.l.s4.s8 v0;
	v1 =	vunpack.c.l.s4.s8 v1;
	_ =	strace $0x8000004D;
	s4 =	smul.u32 $0x13C000, s2;
	s11 =	sor.u32 s2, s11  }
0xc: {  	v2 =	vunpack.c.l.s4.s8 v2;
	v3 =	vunpack.c.l.s4.s8 v3;
	v4 =	vunpack.c.l.s4.s8 v4;
	[dreg:$0x5] =	wrdreg s12;
	s2 =	ssub.s32 $0x2, s2;
	s11 =	smul.u32 $0x4F, s11  }
0xd: {  	v5 =	vunpack.c.l.s4.s8 v5;
	v6 =	vunpack.c.l.s4.s8 v6;
	v7 =	vunpack.c.l.s4.s8 v7;
	s24 =	sshrl.u32 s2, $0x1;
	s26 =	sshrl.u32 s13, $0x2;
	s13 =	sor.u32 $0x1C05, s31  }
.Ltmp0:
0xe: {  	v0 =	vunpack.c.0.s8.s32 v0;
	v1 =	vunpack.c.0.s8.s32 v1;
	v2 =	vunpack.c.0.s8.s32 v2;
	s4 =	sadd.s32 s5, s4;
	s2 =	ssub.s32 s2, s24;
	(pc) =	sbr.rel .LBB2_1-.Ltmp0, $4  }
0xf: {  	v3 =	vunpack.c.0.s8.s32 v3;
	v4 =	vunpack.c.0.s8.s32 v4;
	v5 =	vunpack.c.0.s8.s32 v5;
	s24 =	simm.s32 $0x100;
	s4 =	sshrl.u32 s4, $0x3;
	s25 =	ssub.s32 $0x9C4, s11  }
0x10: {  	v6 =	vunpack.c.0.s8.s32 v6;
	v7 =	vunpack.c.0.s8.s32 v7;
	v0 =	vand.u32 $0xF, v0;
	s15 =	smax.u32 s2, $0x1;
	s0 =	sadd.s32 s4, s0;
	s12 =	smin.u32 s25, $0x4F  }
0x11: {  	vm0 =	vmmov $0x1;
	s4 =	sadd.s32 s26, s3;
	v0 =	vcombine.low v0, v1;
	v1 =	vcombine.low v3, v2;
	s25 =	simm.s32 $0xA200;
	s0 =	sadd.s32 $0x5C400, s0  }
0x12: {  	v2 =	vcombine.low v5, v4;
	s26 =	simm.s32 $0x3;
	v3 =	vimm.f32 $0.0e+00;
	v4 =	vcombine.low v7, v6;
	s16 =	sshrl.u32 s4, $0x3;
	[dreg:$0x6] =	wrdreg s0  }
.LBB2_13:
0x13: {  	s30 =	sadd.s32 $0x1, s30  }
0x14: {  	[bflag:$0x0] =	sbarrier.arrive $0xFFFF;
	p0 =	sne.s32 s30, s15  }
.Ltmp1:
0x15: {  	s0 =	rddreg [dreg:$0x6];
	(pc) =	sbr.rel @!p0 .LBB2_14-.Ltmp1, $4  }
0x16: {  	[hbm:s0], [sflag:s13] =	dma.local [spmem:s16], $0x2780  }
0x17: {  	_ =	swait.ge [sflag:s17], $0x2780  }
0x18: {  	[sflag:s17] =	ssyncset.done $0x0  }
0x19: {  	[sflag:s17] =	ssyncadd.s32 $0xFFFFD880  }
.LBB2_1:
0x1a: {  	s0 =	rddreg [dreg:$0x5]  }
0x1b: {  	[spmem:s16], [sflag:s13] =	dma.local [hbm:s0], $0x2780  }
0x1c: {  	_ =	swait.ge [sflag:s17], $0x2780  }
0x1d: {  	[sflag:s17] =	ssyncset.done $0x0  }
0x1e: {  	[sflag:s17] =	ssyncadd.s32 $0xFFFFD880  }
0x1f: {  	s2 =	simm.s32 $0x0;
	s4 =	simm.s32 $0xC200;
	s31 =	rddreg [dreg:$0x2]  }
0x20: {  	[tilespmem:s4], [sflag:$0x5] =	stream.linear.gather [hbm4b:s31+s2], $0x80, $0x38;
	[tilespmem:$0x1FF00] =	vst v63  }
0x21: {  	_ =	swait.ge [sflag:s17], $0x80  }
0x22: {  	[sflag:s17] =	ssyncset.done $0x0  }
0x23: {  	[sflag:s17] =	ssyncadd.s32 $0xFFFFFF80  }
0x24: {  	v5 =	vld [tilespmem:$0xC200]  }
0x25: {  	v6 =	vld [tilespmem:$0xC210]  }
0x26: {  	v7 =	vld [tilespmem:$0xC220]  }
0x27: {  	v8 =	vld [tilespmem:$0xC230];
	_ =	sdelay $0x1  }
0x28: {  	v5 =	vmul.f32 $9.999999770e-03, v5  }
0x29: {  	v6 =	vmul.f32 $9.999999770e-03, v6  }
0x2a: {  	[tilespmem:$0xC280] =	vst v5;
	v5 =	vmul.f32 $9.999999770e-03, v7  }
0x2b: {  	[tilespmem:$0xC290] =	vst v6;
	v6 =	vmul.f32 $9.999999770e-03, v8  }
0x2c: {  	[tilespmem:$0xC2A0] =	vst v5  }
0x2d: {  	s0 =	simm.s32 $0x0;
	s2 =	simm.s32 $0x200;
	[tilespmem:$0xC2B0] =	vst v6  }
.LBB2_2:
0x2e: {  	p0 =	sne.s32 s2, $0x7E00;
	[tilespmem:s0+$0xA270] =	vst v3  }
0x2f: {  	[tilespmem:s0+$0xA200] =	vst v3  }
0x30: {  	[tilespmem:s0+$0xA210] =	vst v3  }
.Ltmp2:
0x31: {  	[tilespmem:s0+$0xA220] =	vst v3;
	(pc) =	sbr.rel @p0 .LBB2_2-.Ltmp2, $4  }
0x32: {  	[tilespmem:s0+$0xA230] =	vst v3  }
0x33: {  	[tilespmem:s0+$0xA240] =	vst v3  }
0x34: {  	[tilespmem:s0+$0xA250] =	vst v3  }
0x35: {  	[tilespmem:s0+$0xA260] =	vst v3;
	s0 =	sshra.s32 s2, $0x2;
	s2 =	sadd.s32 $0x200, s2  }
0x36: {  	[tilespmem:s0+$0xA270] =	vst v3  }
0x37: {  	[tilespmem:s0+$0xA200] =	vst v3  }
0x38: {  	[tilespmem:s0+$0xA210] =	vst v3  }
0x39: {  	[tilespmem:s0+$0xA220] =	vst v3  }
0x3a: {  	[tilespmem:s0+$0xA230] =	vst v3  }
.Ltmp3:
0x3b: {  	[tilespmem:s0+$0xA240] =	vst v3;
	(pc) =	sbr.rel .LBB2_4-.Ltmp3, $4  }
0x3c: {  	[tilespmem:s0+$0xA250] =	vst v3  }
0x3d: {  	[tilespmem:s0+$0xA260] =	vst v3  }
0x3e: {  	[bflag:$0x0] =	sbarrier.arrive $0xFFFF  }
0x3f: {  	s31 =	simm.s32 $0x0  }
.LBB2_12:
0x40: {  	s31 =	sadd.s32 $0x1, s31  }
0x41: {  	p0 =	sne.s32 s31, $0x28  }
.Ltmp4:
0x42: {  	_ = 	snop;
	(pc) =	sbr.rel @!p0 .LBB2_13-.Ltmp4, $1  }
0x43: {  	_ =	sdelay $0x3  }
.LBB2_4:
0x44: {  	s2 =	sshll.u32 s31, $0x1  }
0x45: {  	p1 =	sge.u32 s2, s12  }
0x46: {  	s0 =	sadd.s32 @!p1 s11, s2  }
0x47: {  	s0 =	sshll.u32 @!p1 s0, $0x3  }
0x48: {  	s5 =	simm.s32 @!p1 $0x0;
	s4 =	sadd.s32 @!p1 s1, s0  }
0x49: {  	[tilespmem:s5], [sflag:$0x6] =	stream.linear.gather @!p1 [hbm4b:s4+s5], $0x40, $0x38;
	[tilespmem:$0x1FF00] =	vst v63  }
0x4a: {  	s4 =	simm.s32 @!p1 $0x6  }
0x4b: {  	_ =	swait.ge @!p1 [sflag:s4], $0x40  }
0x4c: {  	[sflag:s4] =	ssyncset.done @!p1 $0x0  }
0x4d: {  	s18 =	simm.s32 @!p1 $0x100;
	s0 =	sadd.s32 @!p1 s8, s0;
	[sflag:s4] =	ssyncadd.s32 @!p1 $0xFFFFFFC0  }
0x4e: {  	[tilespmem:s18], [sflag:$0x6] =	stream.linear.gather @!p1 [hbm4b:s0+s5], $0x40, $0x38;
	[tilespmem:$0x1FF00] =	vst v63  }
0x4f: {  	_ =	swait.ge @!p1 [sflag:s4], $0x40  }
0x50: {  	[sflag:s4] =	ssyncset.done @!p1 $0x0  }
0x51: {  	s0 =	simm.s32 @!p1 $0x40;
	[sflag:s4] =	ssyncadd.s32 @!p1 $0xFFFFFFC0;
	s4 =	simm.s32 @!p1 $0x200  }
0x52: {  	[tilespmem:s4], [sflag:$0x1] =	stream.indirect.gather @!p1 [hbm4b:s6+s0], $0x80, s5, s0, $0xb8;
	[tilespmem:$0x1FF00] =	vst v63  }
0x53: {  	s4 =	simm.s32 @!p1 $0x4200  }
0x54: {  	[tilespmem:s4], [sflag:$0x2] =	stream.indirect.gather @!p1 [hbm4b:s7+s0], $0x80, s18, s0, $0xb8;
	[tilespmem:$0x1FF00] =	vst v63  }
0x55: {  	s0 =	sor.u32 $0x1, s2  }
0x56: {  	p0 =	sge.u32 s0, s12  }
0x57: {  	s4 =	sadd.s32 @!p0 s11, s0  }
0x58: {  	s4 =	sshll.u32 @!p0 s4, $0x3  }
0x59: {  	s4 =	sand.u32 @!p0 $0x1FFFFFF8, s4  }
0x5a: {  	s18 =	simm.s32 @!p0 $0x0;
	s10 =	simm.s32 @!p0 $0x80;
	s5 =	sadd.s32 @!p0 s1, s4  }
0x5b: {  	[tilespmem:s10], [sflag:$0x6] =	stream.linear.gather @!p0 [hbm4b:s5+s18], $0x40, $0x38;
	[tilespmem:$0x1FF00] =	vst v63  }
0x5c: {  	s5 =	simm.s32 @!p0 $0x6  }
0x5d: {  	_ =	swait.ge @!p0 [sflag:s5], $0x40  }
0x5e: {  	[sflag:s5] =	ssyncset.done @!p0 $0x0  }
0x5f: {  	s14 =	simm.s32 @!p0 $0x180;
	s4 =	sadd.s32 @!p0 s8, s4;
	[sflag:s5] =	ssyncadd.s32 @!p0 $0xFFFFFFC0  }
0x60: {  	[tilespmem:s14], [sflag:$0x6] =	stream.linear.gather @!p0 [hbm4b:s4+s18], $0x40, $0x38;
	[tilespmem:$0x1FF00] =	vst v63  }
0x61: {  	_ =	swait.ge @!p0 [sflag:s5], $0x40  }
.Ltmp5:
0x62: {  	[sflag:s5] =	ssyncset.done @!p0 $0x0;
	(pc) =	sbr.rel @p1 .LBB2_8-.Ltmp5, $4  }
0x63: {  	s4 =	simm.s32 @!p0 $0x40;
	[sflag:s5] =	ssyncadd.s32 @!p0 $0xFFFFFFC0;
	s5 =	simm.s32 @!p0 $0x2200  }
0x64: {  	[tilespmem:s5], [sflag:$0x3] =	stream.indirect.gather @!p0 [hbm4b:s6+s4], $0x80, s10, s4, $0xb8;
	[tilespmem:$0x1FF00] =	vst v63  }
0x65: {  	s5 =	simm.s32 @!p0 $0x6200  }
0x66: {  	[tilespmem:s5], [sflag:$0x4] =	stream.indirect.gather @!p0 [hbm4b:s7+s4], $0x80, s14, s4, $0xb8;
	[tilespmem:$0x1FF00] =	vst v63  }
0x67: {  	s2 =	sadd.s32 s11, s2  }
0x68: {  	s2 =	sshll.u32 s2, $0xA  }
0x69: {  	s4 =	simm.s32 $0x0;
	s2 =	sadd.s32 s9, s2  }
0x6a: {  	[tilespmem:s19], [sflag:$0x6] =	stream.linear.gather [hbm4b:s2+s4], $0x2000, $0x38;
	[tilespmem:$0x1FF00] =	vst v63  }
0x6b: {  	_ =	swait.ge [sflag:s20], $0x2000  }
0x6c: {  	[sflag:s20] =	ssyncset.done $0x0  }
0x6d: {  	[sflag:s20] =	ssyncadd.s32 $0xFFFFE000  }
0x6e: {  	_ =	swait.ge [sflag:s21], $0x2000  }
0x6f: {  	[sflag:s21] =	ssyncset.done $0x0  }
0x70: {  	[sflag:s21] =	ssyncadd.s32 $0xFFFFE000  }
0x71: {  	_ =	swait.ge [sflag:s22], $0x2000  }
0x72: {  	[sflag:s22] =	ssyncset.done $0x0  }
0x73: {  	s5 =	simm.s32 $0x0;
	[sflag:s22] =	ssyncadd.s32 $0xFFFFE000  }
0x74: {  	v5 =	vld [tilespmem:s5+$0x8230]  }
0x75: {  	v6 =	vld [tilespmem:s5+$0x8220]  }
0x76: {  	v7 =	vld [tilespmem:s5+$0x230]  }
0x77: {  	v8 =	vld [tilespmem:s5+$0x4230]  }
0x78: {  	v9 =	vld [tilespmem:s5+$0x8210]  }
0x79: {  	v10 =	vld [tilespmem:s5+$0x220]  }
0x7a: {  	v11 =	vld [tilespmem:s5+$0x8200]  }
0x7b: {  	v12 =	vld [tilespmem:s5+$0x200]  }
0x7c: {  	v13 =	vld [tilespmem:s5+$0x4200]  }
0x7d: {  	v14 =	vld [tilespmem:s5+$0x210]  }
0x7e: {  	v15 =	vld [tilespmem:s5+$0x4210]  }
0x7f: {  	v16 =	vld [tilespmem:s5+$0x4220]  }
0x80: {  	v17 =	vld [tilespmem:$0xC280]  }
0x81: {  	v12 =	vadd.f32 v13, v12;
	v13 =	vld [tilespmem:$0xC200]  }
0x82: {  	v18 =	vld [tilespmem:$0xC290]  }
0x83: {  	v11 =	vadd.f32 v11, v12;
	v12 =	vadd.f32 v15, v14;
	v14 =	vld [tilespmem:$0xC210]  }
0x84: {  	v15 =	vld [tilespmem:$0xC2A0]  }
0x85: {  	v10 =	vadd.f32 v16, v10;
	vm1 =	vge.f32 v11, $0.0e+00;
	v9 =	vadd.f32 v9, v12;
	v12 =	vld [tilespmem:$0xC220]  }
0x86: {  	v7 =	vadd.f32 v8, v7;
	v8 =	vld [tilespmem:$0xC2B0];
	v13 =	vsel vm1, v13, v17  }
0x87: {  	v6 =	vadd.f32 v6, v10;
	v10 =	vld [tilespmem:$0xC230];
	v11 =	vmul.f32 v13, v11;
	vm1 =	vge.f32 v9, $0.0e+00  }
0x88: {  	v5 =	vadd.f32 v5, v7;
	v13 =	vsel vm1, v14, v18  }
0x89: {  	vm1 =	vge.f32 v6, $0.0e+00;
	v7 =	vadd.f32 $0.0e+00, v11;
	v9 =	vmul.f32 v13, v9  }
0x8a: {  	v11 =	vsel vm1, v12, v15  }
0x8b: {  	vm1 =	vge.f32 v5, $0.0e+00;
	v7 =	vadd.f32 v9, v7;
	v6 =	vmul.f32 v11, v6  }
0x8c: {  	v8 =	vsel vm1, v10, v8  }
0x8d: {  	v5 =	vmul.f32 v8, v5;
	v6 =	vadd.f32 v6, v7;
	_ =	sdelay $0x1  }
0x8e: {  	v5 =	vadd.f32 v5, v6;
	_ =	sdelay $0x1  }
0x8f: {  	v6 =	vperm.xlane v5, v0;
	_ =	sdelay $0x1  }
0x90: {  	v5 =	vadd.f32 v5, v6;
	_ =	sdelay $0x1  }
0x91: {  	v6 =	vperm.xlane v5, v1;
	_ =	sdelay $0x1  }
0x92: {  	v5 =	vadd.f32 v5, v6;
	_ =	sdelay $0x1  }
0x93: {  	v6 =	vperm.xlane v5, v2;
	_ =	sdelay $0x1  }
0x94: {  	v5 =	vadd.f32 v5, v6;
	_ =	sdelay $0x1  }
0x95: {  	v6 =	vperm.xlane v5, v4;
	_ =	sdelay $0x1  }
0x96: {  	v5 =	vadd.f32 v5, v6;
	_ =	sdelay $0x1  }
0x97: {  	v5 =	vmul.f32 $1.442695020e+00, v5;
	_ =	sdelay $0x1  }
0x98: {  	v16 =	vld [tilespmem:s5+$0x270];
	(erf) = vpow2.f32 v5  }
0x99: {  	v13 =	vld [tilespmem:s5+$0x250]  }
0x9a: {  	s4 =	simm.s32 $0x80;
	v15 =	vld [tilespmem:s5+$0x260]  }
0x9b: {  	v12 =	vld [tilespmem:s4+$0x8200]  }
0x9c: {  	v11 =	vld [tilespmem:s5+$0x240]  }
0x9d: {  	v9 =	vld [tilespmem:s4+$0x8210]  }
0x9e: {  	v10 =	vld [tilespmem:s4+$0x220]  }
0x9f: {  	v8 =	vld [tilespmem:s4+$0x4230]  }
0xa0: {  	v7 =	vld [tilespmem:s4+$0x230]  }
0xa1: {  	v6 =	vld [tilespmem:s4+$0x8220];
	v14 =	vpop (erf)  }
0xa2: {  	s2 =	simm.s32 $0x400;
	v5 =	vld [tilespmem:s4+$0x8230];
	v15 =	vmul.f32 v15, v14;
	v16 =	vmul.f32 v16, v14;
	v17 =	vnsel vm0, $0x0, v14  }
.LBB2_6:
0xa3: {  	p1 =	sne.s32 s2, $0x7E00;
	v18 =	vld [tilespmem:s4+$0x200];
	v11 =	vmul.f32 v14, v11;
	v13 =	vmul.f32 v14, v13;
	[tilespmem:s5+$0xA240] =	vst v17  }
0xa4: {  	v14 =	vld [tilespmem:s4+$0x4200];
	[tilespmem:s5+$0xA230] =	vst v16  }
0xa5: {  	v16 =	vld [tilespmem:s4+$0x210];
	[tilespmem:s5+$0xA220] =	vst v15  }
0xa6: {  	v15 =	vld [tilespmem:s4+$0x4210];
	[tilespmem:s5+$0xA210] =	vst v13  }
0xa7: {  	v13 =	vld [tilespmem:s4+$0x4220];
	[tilespmem:s5+$0xA200] =	vst v11;
	s5 =	smov.u32 s4  }
0xa8: {  	v11 =	vld [tilespmem:$0xC280]  }
0xa9: {  	v14 =	vadd.f32 v14, v18;
	v17 =	vld [tilespmem:$0xC200]  }
0xaa: {  	v18 =	vld [tilespmem:$0xC290]  }
0xab: {  	v12 =	vadd.f32 v12, v14;
	v14 =	vadd.f32 v15, v16;
	v15 =	vld [tilespmem:$0xC210]  }
0xac: {  	v16 =	vld [tilespmem:$0xC2A0]  }
0xad: {  	v10 =	vadd.f32 v13, v10;
	vm1 =	vge.f32 v12, $0.0e+00;
	v9 =	vadd.f32 v9, v14;
	v13 =	vld [tilespmem:$0xC220]  }
0xae: {  	v7 =	vadd.f32 v8, v7;
	v11 =	vsel vm1, v17, v11;
	v8 =	vld [tilespmem:$0xC2B0]  }
0xaf: {  	v6 =	vadd.f32 v6, v10;
	v11 =	vmul.f32 v11, v12;
	vm1 =	vge.f32 v9, $0.0e+00;
	v10 =	vld [tilespmem:$0xC230]  }
0xb0: {  	v5 =	vadd.f32 v5, v7;
	v12 =	vsel vm1, v15, v18  }
0xb1: {  	vm1 =	vge.f32 v6, $0.0e+00;
	v7 =	vadd.f32 $0.0e+00, v11;
	v9 =	vmul.f32 v12, v9  }
0xb2: {  	v11 =	vsel vm1, v13, v16  }
0xb3: {  	vm1 =	vge.f32 v5, $0.0e+00;
	v7 =	vadd.f32 v9, v7;
	v6 =	vmul.f32 v11, v6  }
0xb4: {  	v8 =	vsel vm1, v10, v8  }
0xb5: {  	v6 =	vadd.f32 v6, v7;
	v5 =	vmul.f32 v8, v5;
	_ =	sdelay $0x1  }
0xb6: {  	v5 =	vadd.f32 v5, v6;
	_ =	sdelay $0x1  }
0xb7: {  	v6 =	vperm.xlane v5, v0;
	_ =	sdelay $0x1  }
0xb8: {  	v5 =	vadd.f32 v5, v6;
	_ =	sdelay $0x1  }
0xb9: {  	v6 =	vperm.xlane v5, v1;
	_ =	sdelay $0x1  }
0xba: {  	v5 =	vadd.f32 v5, v6;
	_ =	sdelay $0x1  }
0xbb: {  	v6 =	vperm.xlane v5, v2;
	_ =	sdelay $0x1  }
0xbc: {  	v5 =	vadd.f32 v5, v6;
	_ =	sdelay $0x1  }
0xbd: {  	v6 =	vperm.xlane v5, v4;
	_ =	sdelay $0x1  }
0xbe: {  	v5 =	vadd.f32 v5, v6;
	_ =	sdelay $0x1  }
0xbf: {  	v5 =	vmul.f32 $1.442695020e+00, v5;
	_ =	sdelay $0x1  }
0xc0: {  	v11 =	vld [tilespmem:s5+$0x240];
	(erf) = vpow2.f32 v5  }
0xc1: {  	v13 =	vld [tilespmem:s5+$0x250]  }
0xc2: {  	v15 =	vld [tilespmem:s5+$0x260]  }
0xc3: {  	s4 =	sshra.s32 s2, $0x2;
	v16 =	vld [tilespmem:s5+$0x270]  }
0xc4: {  	v5 =	vld [tilespmem:s4+$0x8230]  }
0xc5: {  	v6 =	vld [tilespmem:s4+$0x8220]  }
.Ltmp6:
0xc6: {  	v7 =	vld [tilespmem:s4+$0x230];
	(pc) =	sbr.rel @p1 .LBB2_6-.Ltmp6, $4  }
0xc7: {  	v8 =	vld [tilespmem:s4+$0x4230]  }
0xc8: {  	v9 =	vld [tilespmem:s4+$0x8210]  }
0xc9: {  	v10 =	vld [tilespmem:s4+$0x220];
	v14 =	vpop (erf)  }
0xca: {  	s2 =	sadd.s32 $0x200, s2;
	v12 =	vld [tilespmem:s4+$0x8200];
	v15 =	vmul.f32 v15, v14;
	v16 =	vmul.f32 v16, v14;
	v17 =	vnsel vm0, $0x0, v14  }
0xcb: {  	v18 =	vld [tilespmem:s4+$0x200];
	[tilespmem:s5+$0xA240] =	vst v17  }
0xcc: {  	v13 =	vmul.f32 v14, v13;
	v17 =	vld [tilespmem:s4+$0x4200];
	[tilespmem:s5+$0xA230] =	vst v16  }
0xcd: {  	v11 =	vmul.f32 v14, v11;
	v16 =	vld [tilespmem:s4+$0x210];
	[tilespmem:s5+$0xA220] =	vst v15  }
0xce: {  	v15 =	vld [tilespmem:s4+$0x4210];
	[tilespmem:s5+$0xA210] =	vst v13  }
0xcf: {  	v13 =	vld [tilespmem:s4+$0x4220];
	[tilespmem:s5+$0xA200] =	vst v11  }
0xd0: {  	v11 =	vld [tilespmem:$0xC280]  }
0xd1: {  	v51 =	vld [tilespmem:$0xC200];
	v50 =	vadd.f32 v17, v18  }
0xd2: {  	v52 =	vld [tilespmem:$0xC290]  }
0xd3: {  	v54 =	vld [tilespmem:$0xC210];
	v12 =	vadd.f32 v12, v50;
	v53 =	vadd.f32 v15, v16  }
0xd4: {  	v55 =	vld [tilespmem:$0xC2A0]  }
0xd5: {  	v56 =	vld [tilespmem:$0xC220];
	v10 =	vadd.f32 v13, v10;
	vm1 =	vge.f32 v12, $0.0e+00;
	v9 =	vadd.f32 v9, v53  }
0xd6: {  	v7 =	vadd.f32 v8, v7;
	v57 =	vld [tilespmem:$0xC2B0];
	v11 =	vsel vm1, v51, v11  }
0xd7: {  	v58 =	vld [tilespmem:$0xC230];
	v6 =	vadd.f32 v6, v10;
	v11 =	vmul.f32 v11, v12;
	vm1 =	vge.f32 v9, $0.0e+00  }
0xd8: {  	v5 =	vadd.f32 v5, v7;
	v59 =	vsel vm1, v54, v52  }
0xd9: {  	vm1 =	vge.f32 v6, $0.0e+00;
	v7 =	vadd.f32 $0.0e+00, v11;
	v9 =	vmul.f32 v59, v9  }
0xda: {  	v60 =	vsel vm1, v56, v55  }
0xdb: {  	vm1 =	vge.f32 v5, $0.0e+00;
	v6 =	vmul.f32 v60, v6;
	v7 =	vadd.f32 v9, v7  }
0xdc: {  	v8 =	vsel vm1, v58, v57  }
0xdd: {  	v5 =	vmul.f32 v8, v5;
	v6 =	vadd.f32 v6, v7;
	_ =	sdelay $0x1  }
0xde: {  	v5 =	vadd.f32 v5, v6;
	_ =	sdelay $0x1  }
0xdf: {  	v6 =	vperm.xlane v5, v0;
	_ =	sdelay $0x1  }
0xe0: {  	v5 =	vadd.f32 v5, v6;
	_ =	sdelay $0x1  }
0xe1: {  	v6 =	vperm.xlane v5, v1;
	_ =	sdelay $0x1  }
0xe2: {  	v5 =	vadd.f32 v5, v6;
	_ =	sdelay $0x1  }
0xe3: {  	v6 =	vperm.xlane v5, v2;
	_ =	sdelay $0x1  }
0xe4: {  	v5 =	vadd.f32 v5, v6;
	_ =	sdelay $0x1  }
0xe5: {  	v6 =	vperm.xlane v5, v4;
	_ =	sdelay $0x1  }
0xe6: {  	v5 =	vadd.f32 v5, v6;
	_ =	sdelay $0x1  }
0xe7: {  	v5 =	vmul.f32 $1.442695020e+00, v5;
	_ =	sdelay $0x1  }
0xe8: {  	(erf) = vpow2.f32 v5;
	_ =	sdelay $0x4  }
0xe9: {  	v5 =	vld [tilespmem:s4+$0x270]  }
0xea: {  	v6 =	vld [tilespmem:s4+$0x260]  }
0xeb: {  	v7 =	vld [tilespmem:s4+$0x250]  }
0xec: {  	v61 =	vld [tilespmem:s4+$0x240]  }
0xed: {  	v62 =	vpop (erf)  }
0xee: {  	v5 =	vmul.f32 v5, v62;
	v63 =	vnsel vm0, $0x0, v62  }
0xef: {  	v6 =	vmul.f32 v6, v62;
	[tilespmem:s4+$0xA240] =	vst v63  }
0xf0: {  	v7 =	vmul.f32 v62, v7;
	[tilespmem:s4+$0xA230] =	vst v5  }
0xf1: {  	v5 =	vmul.f32 v62, v61;
	[tilespmem:s4+$0xA220] =	vst v6  }
0xf2: {  	[tilespmem:s4+$0xA210] =	vst v7  }
0xf3: {  	[tilespmem:s4+$0xA200] =	vst v5  }
0xf4: {  	[spmem:s3] =	stream.indirect.scatter.add.f32 [tilespmem:s25], [sflag:$0x6], $0x80, s24, s23, $0xb8;
	[tilespmem:$0x1FF00] =	vst v63  }
0xf5: {  	_ =	swait.ge [sflag:s20], $0x2000  }
0xf6: {  	[sflag:s20] =	ssyncset.done $0x0  }
0xf7: {  	[sflag:s20] =	ssyncadd.s32 $0xFFFFE000  }
.LBB2_8:
.Ltmp7:
0xf8: {  	(pc) =	sbr.rel @p0 .LBB2_12-.Ltmp7, $1  }
0xf9: {  	_ =	sdelay $0x3  }
0xfa: {  	s0 =	sadd.s32 s11, s0  }
0xfb: {  	s0 =	sshll.u32 s0, $0xA  }
0xfc: {  	s0 =	sand.u32 $0x1FFFFC00, s0  }
0xfd: {  	s2 =	simm.s32 $0x0;
	s0 =	sadd.s32 s9, s0  }
0xfe: {  	[tilespmem:s19], [sflag:$0x6] =	stream.linear.gather [hbm4b:s0+s2], $0x2000, $0x38;
	[tilespmem:$0x1FF00] =	vst v63  }
0xff: {  	_ =	swait.ge [sflag:s20], $0x2000  }
0x100: {  	[sflag:s20] =	ssyncset.done $0x0  }
0x101: {  	[sflag:s20] =	ssyncadd.s32 $0xFFFFE000  }
0x102: {  	_ =	swait.ge [sflag:s26], $0x2000  }
0x103: {  	[sflag:s26] =	ssyncset.done $0x0  }
0x104: {  	[sflag:s26] =	ssyncadd.s32 $0xFFFFE000  }
0x105: {  	_ =	swait.ge [sflag:s28], $0x2000  }
0x106: {  	[sflag:s28] =	ssyncset.done $0x0  }
0x107: {  	s0 =	simm.s32 $0x0;
	[sflag:s28] =	ssyncadd.s32 $0xFFFFE000  }
0x108: {  	v5 =	vld [tilespmem:s0+$0x8230]  }
0x109: {  	v6 =	vld [tilespmem:s0+$0x8220]  }
0x10a: {  	v7 =	vld [tilespmem:s0+$0x2230]  }
0x10b: {  	v8 =	vld [tilespmem:s0+$0x6230]  }
0x10c: {  	v9 =	vld [tilespmem:s0+$0x8210]  }
0x10d: {  	v10 =	vld [tilespmem:s0+$0x2220]  }
0x10e: {  	v11 =	vld [tilespmem:s0+$0x8200]  }
0x10f: {  	v12 =	vld [tilespmem:s0+$0x2200]  }
0x110: {  	v13 =	vld [tilespmem:s0+$0x6200]  }
0x111: {  	v14 =	vld [tilespmem:s0+$0x2210]  }
0x112: {  	v15 =	vld [tilespmem:s0+$0x6210]  }
0x113: {  	v16 =	vld [tilespmem:s0+$0x6220]  }
0x114: {  	v17 =	vld [tilespmem:$0xC280]  }
0x115: {  	v12 =	vadd.f32 v13, v12;
	v13 =	vld [tilespmem:$0xC200]  }
0x116: {  	v18 =	vld [tilespmem:$0xC290]  }
0x117: {  	v11 =	vadd.f32 v11, v12;
	v12 =	vadd.f32 v15, v14;
	v14 =	vld [tilespmem:$0xC210]  }
0x118: {  	v15 =	vld [tilespmem:$0xC2A0]  }
0x119: {  	v10 =	vadd.f32 v16, v10;
	vm1 =	vge.f32 v11, $0.0e+00;
	v9 =	vadd.f32 v9, v12;
	v12 =	vld [tilespmem:$0xC220]  }
0x11a: {  	v7 =	vadd.f32 v8, v7;
	v8 =	vld [tilespmem:$0xC2B0];
	v13 =	vsel vm1, v13, v17  }
0x11b: {  	v6 =	vadd.f32 v6, v10;
	v10 =	vld [tilespmem:$0xC230];
	v11 =	vmul.f32 v13, v11;
	vm1 =	vge.f32 v9, $0.0e+00  }
0x11c: {  	v5 =	vadd.f32 v5, v7;
	v13 =	vsel vm1, v14, v18  }
0x11d: {  	vm1 =	vge.f32 v6, $0.0e+00;
	v7 =	vadd.f32 $0.0e+00, v11;
	v9 =	vmul.f32 v13, v9  }
0x11e: {  	v11 =	vsel vm1, v12, v15  }
0x11f: {  	vm1 =	vge.f32 v5, $0.0e+00;
	v7 =	vadd.f32 v9, v7;
	v6 =	vmul.f32 v11, v6  }
0x120: {  	v8 =	vsel vm1, v10, v8  }
0x121: {  	v5 =	vmul.f32 v8, v5;
	v6 =	vadd.f32 v6, v7;
	_ =	sdelay $0x1  }
0x122: {  	v5 =	vadd.f32 v5, v6;
	_ =	sdelay $0x1  }
0x123: {  	v6 =	vperm.xlane v5, v0;
	_ =	sdelay $0x1  }
0x124: {  	v5 =	vadd.f32 v5, v6;
	_ =	sdelay $0x1  }
0x125: {  	v6 =	vperm.xlane v5, v1;
	_ =	sdelay $0x1  }
0x126: {  	v5 =	vadd.f32 v5, v6;
	_ =	sdelay $0x1  }
0x127: {  	v6 =	vperm.xlane v5, v2;
	_ =	sdelay $0x1  }
0x128: {  	v5 =	vadd.f32 v5, v6;
	_ =	sdelay $0x1  }
0x129: {  	v6 =	vperm.xlane v5, v4;
	_ =	sdelay $0x1  }
0x12a: {  	v5 =	vadd.f32 v5, v6;
	_ =	sdelay $0x1  }
0x12b: {  	v5 =	vmul.f32 $1.442695020e+00, v5;
	_ =	sdelay $0x1  }
0x12c: {  	v16 =	vld [tilespmem:s0+$0x2270];
	(erf) = vpow2.f32 v5  }
0x12d: {  	v13 =	vld [tilespmem:s0+$0x2250]  }
0x12e: {  	s4 =	simm.s32 $0x80;
	v15 =	vld [tilespmem:s0+$0x2260]  }
0x12f: {  	v12 =	vld [tilespmem:s4+$0x8200]  }
0x130: {  	v11 =	vld [tilespmem:s0+$0x2240]  }
0x131: {  	v9 =	vld [tilespmem:s4+$0x8210]  }
0x132: {  	v10 =	vld [tilespmem:s4+$0x2220]  }
0x133: {  	v8 =	vld [tilespmem:s4+$0x6230]  }
0x134: {  	v7 =	vld [tilespmem:s4+$0x2230]  }
0x135: {  	v6 =	vld [tilespmem:s4+$0x8220];
	v14 =	vpop (erf)  }
0x136: {  	s2 =	simm.s32 $0x400;
	v5 =	vld [tilespmem:s4+$0x8230];
	v15 =	vmul.f32 v15, v14;
	v16 =	vmul.f32 v16, v14;
	v17 =	vnsel vm0, $0x0, v14  }
.LBB2_10:
0x137: {  	p0 =	sne.s32 s2, $0x7E00;
	v18 =	vld [tilespmem:s4+$0x2200];
	v11 =	vmul.f32 v14, v11;
	v13 =	vmul.f32 v14, v13;
	[tilespmem:s0+$0xA240] =	vst v17  }
0x138: {  	v14 =	vld [tilespmem:s4+$0x6200];
	[tilespmem:s0+$0xA230] =	vst v16  }
0x139: {  	v16 =	vld [tilespmem:s4+$0x2210];
	[tilespmem:s0+$0xA220] =	vst v15  }
0x13a: {  	v15 =	vld [tilespmem:s4+$0x6210];
	[tilespmem:s0+$0xA210] =	vst v13  }
0x13b: {  	v13 =	vld [tilespmem:s4+$0x6220];
	[tilespmem:s0+$0xA200] =	vst v11;
	s0 =	smov.u32 s4  }
0x13c: {  	v11 =	vld [tilespmem:$0xC280]  }
0x13d: {  	v14 =	vadd.f32 v14, v18;
	v17 =	vld [tilespmem:$0xC200]  }
0x13e: {  	v18 =	vld [tilespmem:$0xC290]  }
0x13f: {  	v12 =	vadd.f32 v12, v14;
	v14 =	vadd.f32 v15, v16;
	v15 =	vld [tilespmem:$0xC210]  }
0x140: {  	v16 =	vld [tilespmem:$0xC2A0]  }
0x141: {  	v10 =	vadd.f32 v13, v10;
	vm1 =	vge.f32 v12, $0.0e+00;
	v9 =	vadd.f32 v9, v14;
	v13 =	vld [tilespmem:$0xC220]  }
0x142: {  	v7 =	vadd.f32 v8, v7;
	v11 =	vsel vm1, v17, v11;
	v8 =	vld [tilespmem:$0xC2B0]  }
0x143: {  	v6 =	vadd.f32 v6, v10;
	v11 =	vmul.f32 v11, v12;
	vm1 =	vge.f32 v9, $0.0e+00;
	v10 =	vld [tilespmem:$0xC230]  }
0x144: {  	v5 =	vadd.f32 v5, v7;
	v12 =	vsel vm1, v15, v18  }
0x145: {  	vm1 =	vge.f32 v6, $0.0e+00;
	v7 =	vadd.f32 $0.0e+00, v11;
	v9 =	vmul.f32 v12, v9  }
0x146: {  	v11 =	vsel vm1, v13, v16  }
0x147: {  	vm1 =	vge.f32 v5, $0.0e+00;
	v7 =	vadd.f32 v9, v7;
	v6 =	vmul.f32 v11, v6  }
0x148: {  	v8 =	vsel vm1, v10, v8  }
0x149: {  	v6 =	vadd.f32 v6, v7;
	v5 =	vmul.f32 v8, v5;
	_ =	sdelay $0x1  }
0x14a: {  	v5 =	vadd.f32 v5, v6;
	_ =	sdelay $0x1  }
0x14b: {  	v6 =	vperm.xlane v5, v0;
	_ =	sdelay $0x1  }
0x14c: {  	v5 =	vadd.f32 v5, v6;
	_ =	sdelay $0x1  }
0x14d: {  	v6 =	vperm.xlane v5, v1;
	_ =	sdelay $0x1  }
0x14e: {  	v5 =	vadd.f32 v5, v6;
	_ =	sdelay $0x1  }
0x14f: {  	v6 =	vperm.xlane v5, v2;
	_ =	sdelay $0x1  }
0x150: {  	v5 =	vadd.f32 v5, v6;
	_ =	sdelay $0x1  }
0x151: {  	v6 =	vperm.xlane v5, v4;
	_ =	sdelay $0x1  }
0x152: {  	v5 =	vadd.f32 v5, v6;
	_ =	sdelay $0x1  }
0x153: {  	v5 =	vmul.f32 $1.442695020e+00, v5;
	_ =	sdelay $0x1  }
0x154: {  	v11 =	vld [tilespmem:s0+$0x2240];
	(erf) = vpow2.f32 v5  }
0x155: {  	v13 =	vld [tilespmem:s0+$0x2250]  }
0x156: {  	v15 =	vld [tilespmem:s0+$0x2260]  }
0x157: {  	s4 =	sshra.s32 s2, $0x2;
	v16 =	vld [tilespmem:s0+$0x2270]  }
0x158: {  	v5 =	vld [tilespmem:s4+$0x8230]  }
0x159: {  	v6 =	vld [tilespmem:s4+$0x8220]  }
.Ltmp8:
0x15a: {  	v7 =	vld [tilespmem:s4+$0x2230];
	(pc) =	sbr.rel @p0 .LBB2_10-.Ltmp8, $4  }
0x15b: {  	v8 =	vld [tilespmem:s4+$0x6230]  }
0x15c: {  	v9 =	vld [tilespmem:s4+$0x8210]  }
0x15d: {  	v10 =	vld [tilespmem:s4+$0x2220];
	v14 =	vpop (erf)  }
0x15e: {  	s2 =	sadd.s32 $0x200, s2;
	v12 =	vld [tilespmem:s4+$0x8200];
	v15 =	vmul.f32 v15, v14;
	v16 =	vmul.f32 v16, v14;
	v17 =	vnsel vm0, $0x0, v14  }
0x15f: {  	v18 =	vld [tilespmem:s4+$0x2200];
	[tilespmem:s0+$0xA240] =	vst v17  }
0x160: {  	v13 =	vmul.f32 v14, v13;
	v17 =	vld [tilespmem:s4+$0x6200];
	[tilespmem:s0+$0xA230] =	vst v16  }
0x161: {  	v11 =	vmul.f32 v14, v11;
	v16 =	vld [tilespmem:s4+$0x2210];
	[tilespmem:s0+$0xA220] =	vst v15  }
0x162: {  	v15 =	vld [tilespmem:s4+$0x6210];
	[tilespmem:s0+$0xA210] =	vst v13  }
0x163: {  	v13 =	vld [tilespmem:s4+$0x6220];
	[tilespmem:s0+$0xA200] =	vst v11  }
0x164: {  	v11 =	vld [tilespmem:$0xC280]  }
0x165: {  	v51 =	vld [tilespmem:$0xC200];
	v50 =	vadd.f32 v17, v18  }
0x166: {  	v52 =	vld [tilespmem:$0xC290]  }
0x167: {  	v54 =	vld [tilespmem:$0xC210];
	v12 =	vadd.f32 v12, v50;
	v53 =	vadd.f32 v15, v16  }
0x168: {  	v55 =	vld [tilespmem:$0xC2A0]  }
0x169: {  	v56 =	vld [tilespmem:$0xC220];
	v10 =	vadd.f32 v13, v10;
	vm1 =	vge.f32 v12, $0.0e+00;
	v9 =	vadd.f32 v9, v53  }
0x16a: {  	v7 =	vadd.f32 v8, v7;
	v57 =	vld [tilespmem:$0xC2B0];
	v11 =	vsel vm1, v51, v11  }
0x16b: {  	v58 =	vld [tilespmem:$0xC230];
	v6 =	vadd.f32 v6, v10;
	v11 =	vmul.f32 v11, v12;
	vm1 =	vge.f32 v9, $0.0e+00  }
0x16c: {  	v5 =	vadd.f32 v5, v7;
	v59 =	vsel vm1, v54, v52  }
0x16d: {  	vm1 =	vge.f32 v6, $0.0e+00;
	v7 =	vadd.f32 $0.0e+00, v11;
	v9 =	vmul.f32 v59, v9  }
0x16e: {  	v60 =	vsel vm1, v56, v55  }
0x16f: {  	vm1 =	vge.f32 v5, $0.0e+00;
	v6 =	vmul.f32 v60, v6;
	v7 =	vadd.f32 v9, v7  }
0x170: {  	v8 =	vsel vm1, v58, v57  }
0x171: {  	v5 =	vmul.f32 v8, v5;
	v6 =	vadd.f32 v6, v7;
	_ =	sdelay $0x1  }
0x172: {  	v5 =	vadd.f32 v5, v6;
	_ =	sdelay $0x1  }
0x173: {  	v6 =	vperm.xlane v5, v0;
	_ =	sdelay $0x1  }
0x174: {  	v5 =	vadd.f32 v5, v6;
	_ =	sdelay $0x1  }
0x175: {  	v6 =	vperm.xlane v5, v1;
	_ =	sdelay $0x1  }
0x176: {  	v5 =	vadd.f32 v5, v6;
	_ =	sdelay $0x1  }
0x177: {  	v6 =	vperm.xlane v5, v2;
	_ =	sdelay $0x1  }
0x178: {  	v5 =	vadd.f32 v5, v6;
	_ =	sdelay $0x1  }
0x179: {  	v6 =	vperm.xlane v5, v4;
	_ =	sdelay $0x1  }
0x17a: {  	v5 =	vadd.f32 v5, v6;
	_ =	sdelay $0x1  }
0x17b: {  	v5 =	vmul.f32 $1.442695020e+00, v5;
	_ =	sdelay $0x1  }
0x17c: {  	(erf) = vpow2.f32 v5;
	_ =	sdelay $0x4  }
0x17d: {  	v5 =	vld [tilespmem:s4+$0x2270]  }
0x17e: {  	v6 =	vld [tilespmem:s4+$0x2260]  }
0x17f: {  	v7 =	vld [tilespmem:s4+$0x2250]  }
0x180: {  	v61 =	vld [tilespmem:s4+$0x2240]  }
0x181: {  	v62 =	vpop (erf)  }
0x182: {  	v5 =	vmul.f32 v5, v62;
	v63 =	vnsel vm0, $0x0, v62  }
0x183: {  	v6 =	vmul.f32 v6, v62;
	[tilespmem:s4+$0xA240] =	vst v63  }
0x184: {  	v7 =	vmul.f32 v62, v7;
	[tilespmem:s4+$0xA230] =	vst v5  }
0x185: {  	v5 =	vmul.f32 v62, v61;
	[tilespmem:s4+$0xA220] =	vst v6  }
0x186: {  	[tilespmem:s4+$0xA210] =	vst v7  }
.Ltmp9:
0x187: {  	[tilespmem:s4+$0xA200] =	vst v5;
	(pc) =	sbr.rel .LBB2_12-.Ltmp9, $4  }
0x188: {  	[spmem:s3] =	stream.indirect.scatter.add.f32 [tilespmem:s25], [sflag:$0x5], $0x80, s29, s23, $0xb8;
	[tilespmem:$0x1FF00] =	vst v63  }
0x189: {  	_ =	swait.ge [sflag:s17], $0x2000  }
0x18a: {  	[sflag:s17] =	ssyncset.done $0x0  }
0x18b: {  	[sflag:s17] =	ssyncadd.s32 $0xFFFFE000  }
.LBB2_14:
0x18c: {  	_ =	sfence.sel $0x180000  }
0x18d: {  	[bflag:$0x0] =	sbarrier.arrive $0xFFFF  }
0x18e: {  	_ =	strace $0x9000004D  }
0x18f: {  	s0 =	stileid.u32;
	[bflag:$0x2] =	sbarrier.arrive $0xFFFF  }
0x190: {  	p0 =	sne.s32 s0, $0x0;
	s0 =	rddreg [dreg:$0x4]  }
0x191: {  	s0 =	sadd.s32 @!p0 $0x100000, s0  }
0x192: {  	[sflag:s0] =	ssyncadd.tile.s32 @!p0 $0x1;
	_ =	shalt  }
.Lfunc_end2:
_tile_overlayer_lowered:
.L_overlay_start_2:
0x193: {  	(tag) =	ssettag $0x2  }
0x194: {  	s0 =	rddreg [dreg:$0x0];
	s2 =	stileid.u32  }
0x195: {  	s1 =	rddreg [dreg:$0x1];
	p0 =	sne.s32 s2, $0x0  }
0x196: {  	s3 =	rddreg [dreg:$0x2];
	[bflag:$0x3] =	sbarrier.arrive $0xFFFF;
	s2 =	simm.s32 @!p0 $0x1C05  }
0x197: {  	[timem:s3], [sflag:s2] =	dma.local @!p0 [hbm:s0], s1  }
0x198: {  	s0 =	simm.s32 @!p0 $0x5  }
0x199: {  	_ =	swait.ge @!p0 [sflag:s0], s1  }
0x19a: {  	s1 =	ssub.s32 @!p0 $0x0, s1;
	[sflag:s0] =	ssyncset.done @!p0 $0x0  }
0x19b: {  	[sflag:s0] =	ssyncadd.s32 @!p0 s1  }
0x19c: {  	[bflag:$0x3] =	sbarrier.arrive $0xFFFF  }
0x19d: {  	_ =	shalt  }

// kernel: kernel.9.cloned.1.call-start
scs
__scs_entry_jumppad:
0x0: {  	(pc) =	sbr.rel $0x88, $3  }
0x1: {  	(tag) =	ssettag $0x0;
	lr =	simm.s32 $0x1  }
0x2: {  	[smem:$0x3F89] =	sst lr;
	_ =	strace $0xD0000000  }
0x3: {  	_ = 	snop  }
0x4: {  	_ = 	snop  }
0x5: {  	_ = 	snop  }
0x6: {  	_ = 	snop  }
0x7: {  	_ = 	snop  }
__scs_overlays_trampoline_lowered:
0x8: {  	[smem:$0x3F98] =	sst s0  }
0x9: {  	[smem:$0x3F99] =	sst s1  }
0xa: {  	[smem:$0x3F9A] =	sst s2  }
0xb: {  	[smem:$0x3F9B] =	sst s3  }
0xc: {  	[smem:$0x3F9C] =	sst s4  }
0xd: {  	[smem:$0x3F9D] =	sst s5  }
0xe: {  	[smem:$0x3F9E] =	sst s6  }
0xf: {  	[smem:$0x3F9F] =	sst s7  }
0x10: {  	[smem:$0x3FA0] =	sst s8  }
0x11: {  	[smem:$0x3FA1] =	sst s9;
	s0 =	simm.s32 @!p0 $0x0  }
0x12: {  	s1 =	sld [smem:$0x3F87];
	s0 =	simm.s32 @p0 $0x1  }
0x13: {  	[smem:$0x3FA2] =	sst s0;
	s0 =	simm.s32 @!p1 $0x0  }
0x14: {  	s2 =	sld [smem:$0x3F86];
	s0 =	simm.s32 @p1 $0x1  }
0x15: {  	[smem:$0x3FA3] =	sst s0;
	s0 =	simm.s32 @!p2 $0x0  }
0x16: {  	s3 =	sld [smem:$0x3FDB];
	s0 =	simm.s32 @p2 $0x1  }
0x17: {  	s4 =	simm.s32 $0x1BF5;
	[smem:$0x3FA5] =	sst s0  }
0x18: {  	s0 =	sld [smem:$0x3F88];
	_ =	swait.ge [sflag:s4], $0x0  }
0x19: {  	s7 =	sld [smem:$0x3F89]  }
0x1a: {  	s8 =	sadd.s32 $0xFFFFE003, lr  }
0x1b: {  	s9 =	sadd.s32 $0xFFFFFEF7, lr;
	s5 =	simm.s32 $0xFFFFFFFF;
	p2 =	slt.u32 s8, $0xFFFFF086  }
0x1c: {  	p1 =	slt.u32 s9, $0xF7A;
	s5 =	simm.s32 @!p2 $0x0  }
0x1d: {  	s5 =	simm.s32 @p1 $0x1;
	p0 =	seq.s32 s7, s2  }
0x1e: {  	s7 =	smul.u32 @!p0 $0xF7A, s2;
	p2 =	seq.s32 @!p0 s5, $0x0  }
0x1f: {  	s9 =	smul.u32 $0xF7A, s1;
	s8 =	simm.s32 @!p0 $0x1BF5;
	p2 =	por !p2, p0  }
0x20: {  	[sflag:s8] =	ssyncset.s32 @!p0 $0xFFFFF086;
	s6 =	sadd.s32 @!p0 s3, s7;
	s7 =	simm.s32 @!p0 $0x108  }
0x21: {  	s3 =	sadd.s32 s3, s9;
	s6 =	sadd.s32 @!p0 $0x88, s6;
	s7 =	simm.s32 @p2 $0x1082  }
0x22: {  	[simem:s7], [sflag:s8] =	dma.local @!p0 [hbm:s6], $0xF7A  }
0x23: {  	s9 =	sor.u32 $0xD0000000, s2;
	s6 =	simm.s32 $0x108;
	_ =	swait.ge @!p0 [sflag:s8], $0x0  }
0x24: {  	s3 =	sadd.s32 $0x88, s3;
	s6 =	simm.s32 @!p1 $0x1082;
	[sflag:s4] =	ssyncset.s32 $0xFFFFF086  }
0x25: {  	[simem:s6], [sflag:s4] =	dma.local [hbm:s3], $0xF7A  }
0x26: {  	[smem:$0x3F89] =	sst s1;
	(tag) =	ssettag s2;
	_ =	strace s9  }
0x27: {  	s1 =	sld [smem:$0x3F99]  }
0x28: {  	s2 =	sld [smem:$0x3F9A]  }
0x29: {  	s4 =	sld [smem:$0x3F9C]  }
0x2a: {  	p0 =	seq.s32 s5, $0x0;
	s5 =	sld [smem:$0x3F9D]  }
0x2b: {  	s6 =	sld [smem:$0x3F9E]  }
0x2c: {  	s7 =	sld [smem:$0x3F9F]  }
0x2d: {  	s3 =	simm.s32 $0x108;
	s8 =	sld [smem:$0x3FA0]  }
0x2e: {  	s3 =	simm.s32 @!p0 $0x1082;
	s9 =	sld [smem:$0x3FA1]  }
0x2f: {  	lr =	sadd.s32 s0, s3;
	s0 =	sld [smem:$0x3F98]  }
0x30: {  	s3 =	sld [smem:$0x3F9B]  }
0x31: {  	[smem:$0x3FA4] =	sst s10  }
0x32: {  	s10 =	sld [smem:$0x3FA2];
	_ =	sdelay $0x3  }
0x33: {  	p0 =	seq.s32 s10, $0x1;
	s10 =	sld [smem:$0x3FA4];
	_ =	sdelay $0x3  }
0x34: {  	[smem:$0x3FA4] =	sst s10  }
0x35: {  	s10 =	sld [smem:$0x3FA3];
	_ =	sdelay $0x3  }
0x36: {  	p1 =	seq.s32 s10, $0x1;
	s10 =	sld [smem:$0x3FA4];
	_ =	sdelay $0x3  }
0x37: {  	[smem:$0x3FA4] =	sst s10  }
0x38: {  	s10 =	sld [smem:$0x3FA5]  }
0x39: {  	_ = 	snop;
	(pc) =	sbr.ind lr, $3  }
0x3a: {  	_ = 	snop  }
0x3b: {  	_ = 	snop  }
0x3c: {  	p2 =	seq.s32 s10, $0x1;
	s10 =	sld [smem:$0x3FA4]  }
0x3d: {  	_ =	shalt  }
0x3e: {  	_ =	shalt  }
0x3f: {  	_ =	shalt  }
0x40: {  	_ =	shalt  }
0x41: {  	_ =	shalt  }
0x42: {  	_ =	shalt  }
0x43: {  	_ =	shalt  }
0x44: {  	_ =	shalt  }
0x45: {  	_ =	shalt  }
0x46: {  	_ =	shalt  }
0x47: {  	_ =	shalt  }
0x48: {  	_ =	shalt  }
0x49: {  	_ =	shalt  }
0x4a: {  	_ =	shalt  }
0x4b: {  	_ =	shalt  }
0x4c: {  	_ =	shalt  }
0x4d: {  	_ =	shalt  }
0x4e: {  	_ =	shalt  }
0x4f: {  	_ =	shalt  }
0x50: {  	_ =	shalt  }
0x51: {  	_ =	shalt  }
0x52: {  	_ =	shalt  }
0x53: {  	_ =	shalt  }
0x54: {  	_ =	shalt  }
0x55: {  	_ =	shalt  }
0x56: {  	_ =	shalt  }
0x57: {  	_ =	shalt  }
0x58: {  	_ =	shalt  }
0x59: {  	_ =	shalt  }
0x5a: {  	_ =	shalt  }
0x5b: {  	_ =	shalt  }
0x5c: {  	_ =	shalt  }
0x5d: {  	_ =	shalt  }
0x5e: {  	_ =	shalt  }
0x5f: {  	_ =	shalt  }
0x60: {  	_ =	shalt  }
0x61: {  	_ =	shalt  }
0x62: {  	_ =	shalt  }
0x63: {  	_ =	shalt  }
0x64: {  	_ =	shalt  }
0x65: {  	_ =	shalt  }
0x66: {  	_ =	shalt  }
0x67: {  	_ =	shalt  }
0x68: {  	_ =	shalt  }
0x69: {  	_ =	shalt  }
0x6a: {  	_ =	shalt  }
0x6b: {  	_ =	shalt  }
0x6c: {  	_ =	shalt  }
0x6d: {  	_ =	shalt  }
0x6e: {  	_ =	shalt  }
0x6f: {  	_ =	shalt  }
0x70: {  	_ =	shalt  }
0x71: {  	_ =	shalt  }
0x72: {  	_ =	shalt  }
0x73: {  	_ =	shalt  }
0x74: {  	_ =	shalt  }
0x75: {  	_ =	shalt  }
0x76: {  	_ =	shalt  }
0x77: {  	_ =	shalt  }
0x78: {  	_ =	shalt  }
0x79: {  	_ =	shalt  }
0x7a: {  	_ =	shalt  }
0x7b: {  	_ =	shalt  }
0x7c: {  	_ =	shalt  }
0x7d: {  	_ =	shalt  }
0x7e: {  	_ =	shalt  }
0x7f: {  	_ =	shalt  }
0x80: {  	_ =	shalt  }
0x81: {  	_ =	shalt  }
0x82: {  	_ =	shalt  }
0x83: {  	_ =	shalt  }
0x84: {  	_ =	shalt  }
0x85: {  	_ =	shalt  }
0x86: {  	_ =	shalt  }
0x87: {  	_ =	shalt  }
.Lfunc_end0:
.L_simem_size_0:
called_computation_lowered:
.L_overlay_start_0:
0x88: {  	s2 =	sld [smem:$0x3FD9]  }
0x89: {  	s3 =	sld [smem:$0x3FFE];
	_ =	sdelay $0x1  }
0x8a: {  	s1 =	srdreg.scid  }
0x8b: {  	s0 =	sand.u32 $0x1, s1  }
0x8c: {  	s14 =	sshll.u32 s0, $0xA;
	s2 =	sadd.s32 s3, s2  }
0x8d: {  	s2 =	sadd.s32 s2, s14  }
0x8e: {  	[smem:$0x3FB0] =	sst s2  }
0x8f: {  	_ = 	snop  }
0x90: {  	s2 =	sld [smem:$0x3FD0];
	_ =	sdelay $0x2  }
0x91: {  	s15 =	simm.s32 $0xA;
	s4 =	simm.s32 $0x10  }
0x92: {  	[smem:s4], [sflag:s15] =	dma.local [hbm:s2], $0x1  }
0x93: {  	_ =	swait.eq [sflag:s15], $0x1  }
0x94: {  	[sflag:s15] =	ssyncset.done $0x0  }
0x95: {  	[sflag:s15] =	ssyncadd.s32 $0xFFFFFFFF  }
0x96: {  	s16 =	sld [smem:$0x10];
	(tm) =	ssettm $0x1  }
0x97: {  	s17 =	sld [smem:$0x3FFB];
	_ =	sdelay $0x3  }
0x98: {  	_ =	strace s17  }
0x99: {  	s3 =	sld [smem:$0x3FFC];
	_ =	sdelay $0x3  }
0x9a: {  	_ =	strace s3  }
0x9b: {  	s3 =	sld [smem:$0x3FFD];
	_ =	sdelay $0x3  }
0x9c: {  	_ =	strace s3  }
0x9d: {  	_ =	strace $0x8FFFFFFF  }
0x9e: {  	s18 =	sld [smem:$0x3FDB];
	_ =	sdelay $0x1  }
0x9f: {  	s19 =	simm.s32 $_scs_section_size  }
0xa0: {  	s5 =	simm.s32 $_size__tile_overlayer_lowered;
	s6 =	simm.s32 $_tile_overlayer_lowered  }
0xa1: {  	s22 =	simm.s32 $0x1BFF;
	s21 =	sshll.u32 s6, $0x1;
	s3 =	sadd.s32 s19, s18  }
0xa2: {  	s7 =	simm.s32 $0x0;
	s20 =	sshll.u32 s5, $0x1;
	s5 =	sadd.s32 s21, s3  }
0xa3: {  	[timem:s7], [sflag:s22] =	dma.local [hbm:s5], s20  }
0xa4: {  	_ =	swait.ge [sflag:s22], s20  }
0xa5: {  	s4 =	ssub.s32 $0x0, s20;
	[sflag:s22] =	ssyncset.done $0x0  }
0xa6: {  	[sflag:s22] =	ssyncadd.s32 s4;
	_ =	sdelay $0x1  }
0xa7: {  	s23 =	simm.s32 $0x1B8B  }
0xa8: {  	_ =	swait.ge [sflag:s23], $0x1  }
0xa9: {  	[sflag:s23] =	ssyncset.done $0x0  }
0xaa: {  	s25 =	simm.s32 $0x1B8E;
	s24 =	sld [smem:$0x3FFE];
	[sflag:s23] =	ssyncadd.s32 $0xFFFFFFFF  }
0xab: {  	s26 =	simm.s32 $execute0_lowered;
	[smem:$0x3FD2] =	sst s25  }
0xac: {  	s5 =	sshll.u32 s26, $0x1;
	_ =	strace $0x80000046;
	[dreg:$0x1] =	wrdreg $0xFFFFFFFF  }
0xad: {  	s28 =	simm.s32 $_size_execute0_lowered;
	s3 =	sadd.s32 s3, s5;
	[dreg:$0x0] =	wrdreg $0x0  }
0xae: {  	s5 =	sshll.u32 s28, $0x1;
	[dreg:$0x2] =	wrdreg s3  }
0xaf: {  	[dreg:$0x3] =	wrdreg s5  }
0xb0: {  	[dreg:$0x4] =	wrdreg $0xC0  }
0xb1: {  	_ =	task [dreg:s7], $0x5FFFF  }
0xb2: {  	[dreg:$0x1] =	wrdreg $0xFFFFFFFF  }
0xb3: {  	[dreg:$0x0] =	wrdreg $0x60  }
0xb4: {  	[dreg:$0x2] =	wrdreg s24  }
0xb5: {  	[dreg:$0x3] =	wrdreg s16  }
0xb6: {  	[dreg:$0x4] =	wrdreg $0x9  }
0xb7: {  	_ =	task.clear_ibuf [dreg:s7], $0x5FFFF;
	_ =	strace $0x90000046  }
0xb8: {  	s29 =	simm.s32 $0x9;
	_ =	strace $0x80000048  }
0xb9: {  	_ =	swait.ge [sflag:s29], $0x1  }
0xba: {  	[sflag:s29] =	ssyncadd.s32 $0xFFFFFFFF  }
0xbb: {  	_ =	strace $0x90000048  }
0xbc: {  	_ =	sfence  }
0xbd: {  	s30 =	sld [smem:$0x0];
	_ =	sdelay $0x2  }
0xbe: {  	s31 =	sshll.u32 s1, $0xD;
	s1 =	sshrl.u32 s1, $0x2  }
0xbf: {  	s3 =	sand.u32 $0x4000, s31;
	s1 =	sadd.s32 s1, s30  }
0xc0: {  	s0 =	sor.u32 s3, s0;
	s1 =	sshll.u32 s1, $0x11  }
0xc1: {  	s0 =	sor.u32 s1, s0  }
0xc2: {  	s0 =	sadd.s32 $0x8F2B, s0  }
0xc3: {  	[sflag:s0] =	ssyncadd.remote.s32 $0x1  }
0xc4: {  	_ =	sfence.sel $0xFFFF  }
0xc5: {  	[dreg:$0x0] =	wrdreg $0xFFFFFFFF;
	(pc) =	sbr.abs _section_cstart, $3  }
0xc6: {  	[dreg:$0x1] =	wrdreg $0xFFFFFFFF  }
0xc7: {  	_ =	task.clear_ibuf [dreg:s7], $0x2FFFF;
	_ =	strace $0x9FFFFFFF  }
0xc8: {  	(tm) =	ssettm $0x7FFFFFFF  }
0xc9: {  	_ =	shalt  }
tec
execute0_lowered:
.L_overlay_start_1:
0x0: {  	(tag) =	ssettag $0x1  }
0x1: {  	s6 =	rddreg [dreg:$0x0];
	s1 =	srdreg.scid  }
0x2: {  	s0 =	stileid.u32;
	s8 =	rddreg [dreg:$0x1]  }
0x3: {  	s2 =	simm.s32 $0x0;
	s9 =	sand.u32 $0x1, s1;
	s13 =	smul.u32 $0x50, s0  }
0x4: {  	s3 =	sshll.u32 s0, $0x1;
	s1 =	rddreg [dreg:$0x2];
	s31 =	smul.u32 $0x28000, s0  }
0x5: {  	[smem:$0x7FF] =	sst s2;
	s4 =	sadd.s32 $0x31C00, s6;
	s15 =	smul.u32 $0x28, s9  }
0x6: {  	s5 =	sor.u32 s9, s3;
	_ =	strace $0x80000047;
	s16 =	smul.u32 $0x14000, s9  }
0x7: {  	s3 =	sadd.s32 $0x9C00, s6;
	s12 =	ssub.s32 $0x2, s9;
	s10 =	smul.u32 $0x280, s5  }
0x8: {  	s7 =	smul.u32 $0x28, s5;
	s5 =	sadd.s32 $0x59C00, s6;
	s14 =	sshrl.u32 s12, $0x1  }
0x9: {  	s12 =	ssub.s32 s12, s14;
	s13 =	sadd.s32 s15, s13;
	s14 =	simm.s32 $0x1400  }
0xa: {  	s15 =	simm.s32 $0x0;
	s11 =	sadd.s32 s10, s6;
	s6 =	sadd.s32 $0x2CAC00, s6  }
0xb: {  	s7 =	ssub.s32 $0x4E2, s7;
	s8 =	sadd.s32 s8, s10;
	s13 =	sshll.u32 s13, $0xB  }
0xc: {  	s10 =	smax.u32 s12, $0x1;
	s7 =	smin.u32 s7, $0x28;
	s9 =	sadd.s32 $0x4C00, s11  }
0xd: {  	s11 =	sadd.s32 s16, s31;
	s12 =	sor.u32 $0x800, s13;
	s13 =	simm.s32 $0x5  }
.LBB2_1:
0xe: {  	[tilespmem:s2], [sflag:$0x5] =	stream.linear.gather [hbm4b:s8+s2], $0x1400, $0x38;
	[tilespmem:$0x12800] =	vst v63  }
0xf: {  	_ =	swait.ge [sflag:s13], $0x1400  }
0x10: {  	[sflag:s13] =	ssyncset.done $0x0  }
0x11: {  	[sflag:s13] =	ssyncadd.s32 $0xFFFFEC00  }
0x12: {  	[tilespmem:s14], [sflag:$0x5] =	stream.linear.gather [hbm4b:s9+s2], $0x1400, $0x38;
	[tilespmem:$0x12800] =	vst v63  }
0x13: {  	p1 =	sle.u32 s7, $0x0;
	_ =	swait.ge [sflag:s13], $0x1400  }
0x14: {  	s16 =	simm.s32 @!p1 $0x0;
	[sflag:s13] =	ssyncset.done $0x0  }
0x15: {  	s17 =	simm.s32 @!p1 $0x80;
	s18 =	simm.s32 @!p1 $0x2800;
	[sflag:s13] =	ssyncadd.s32 $0xFFFFEC00  }
0x16: {  	[tilespmem:s18], [sflag:$0x1] =	stream.indirect.gather @!p1 [hbm4b:s3+s17], $0x80, s16, s17, $0xb8;
	[tilespmem:$0x12800] =	vst v63  }
0x17: {  	p0 =	sle.u32 s7, $0x1;
	s19 =	simm.s32 @!p1 $0xA800;
	s16 =	simm.s32 @!p1 $0x1400  }
0x18: {  	[tilespmem:s19], [sflag:$0x2] =	stream.indirect.gather @!p1 [hbm4b:s4+s17], $0x80, s16, s17, $0xb8;
	[tilespmem:$0x12800] =	vst v63  }
0x19: {  	s20 =	simm.s32 @!p0 $0x6800;
	s16 =	simm.s32 @!p0 $0x80;
	s17 =	simm.s32 @!p0 $0x80  }
0x1a: {  	[tilespmem:s20], [sflag:$0x3] =	stream.indirect.gather @!p0 [hbm4b:s3+s17], $0x80, s16, s17, $0xb8;
	[tilespmem:$0x12800] =	vst v63  }
0x1b: {  	s21 =	simm.s32 @!p0 $0xE800;
	s22 =	simm.s32 @!p1 $0x1;
	s16 =	simm.s32 @!p0 $0x1480  }
0x1c: {  	[tilespmem:s21], [sflag:$0x4] =	stream.indirect.gather @!p0 [hbm4b:s4+s17], $0x80, s16, s17, $0xb8;
	[tilespmem:$0x12800] =	vst v63  }
0x1d: {  	_ =	swait.ge @!p1 [sflag:s22], $0x4000  }
0x1e: {  	[sflag:s22] =	ssyncset.done @!p1 $0x0  }
0x1f: {  	s16 =	simm.s32 @!p1 $0x2;
	[sflag:s22] =	ssyncadd.s32 @!p1 $0xFFFFC000  }
0x20: {  	_ =	swait.ge @!p1 [sflag:s16], $0x4000  }
0x21: {  	s23 =	simm.s32 @!p1 $0x0;
	[sflag:s16] =	ssyncset.done @!p1 $0x0  }
0x22: {  	s17 =	simm.s32 @!p1 $0x6;
	s22 =	sadd.s32 @!p1 s11, s5;
	[sflag:s16] =	ssyncadd.s32 @!p1 $0xFFFFC000  }
0x23: {  	[hbm4b:s22+s23] =	stream.linear.scatter @!p1 [tilespmem:s18], [sflag:$0x6], $0x4000, $0x38;
	[tilespmem:$0x12800] =	vst v63  }
0x24: {  	_ =	swait.ge @!p1 [sflag:s17], $0x4000  }
0x25: {  	[sflag:s17] =	ssyncset.done @!p1 $0x0  }
0x26: {  	s16 =	sadd.s32 @!p1 s11, s6;
	[sflag:s17] =	ssyncadd.s32 @!p1 $0xFFFFC000  }
0x27: {  	[hbm4b:s16+s23] =	stream.linear.scatter @!p1 [tilespmem:s19], [sflag:$0x6], $0x4000, $0x38;
	[tilespmem:$0x12800] =	vst v63  }
0x28: {  	_ =	swait.ge @!p1 [sflag:s17], $0x4000  }
0x29: {  	[sflag:s17] =	ssyncset.done @!p1 $0x0  }
0x2a: {  	s16 =	simm.s32 @!p0 $0x3;
	[sflag:s17] =	ssyncadd.s32 @!p1 $0xFFFFC000  }
0x2b: {  	_ =	swait.ge @!p0 [sflag:s16], $0x4000  }
0x2c: {  	[sflag:s16] =	ssyncset.done @!p0 $0x0  }
0x2d: {  	[sflag:s16] =	ssyncadd.s32 @!p0 $0xFFFFC000;
	s16 =	simm.s32 @!p0 $0x4  }
0x2e: {  	_ =	swait.ge @!p0 [sflag:s16], $0x4000  }
0x2f: {  	s19 =	simm.s32 @!p0 $0x0;
	[sflag:s16] =	ssyncset.done @!p0 $0x0  }
0x30: {  	s17 =	simm.s32 @!p0 $0x6;
	[sflag:s16] =	ssyncadd.s32 @!p0 $0xFFFFC000;
	s16 =	sadd.s32 @!p0 s12, s5  }
0x31: {  	[hbm4b:s16+s19] =	stream.linear.scatter @!p0 [tilespmem:s20], [sflag:$0x6], $0x4000, $0x38;
	[tilespmem:$0x12800] =	vst v63  }
0x32: {  	s24 =	simm.s32 $0x2;
	_ =	swait.ge @!p0 [sflag:s17], $0x4000  }
0x33: {  	s18 =	simm.s32 $0x400;
	s23 =	simm.s32 @!p0 $0x5;
	[sflag:s17] =	ssyncset.done @!p0 $0x0  }
0x34: {  	s16 =	sadd.s32 @!p0 s12, s6;
	s20 =	simm.s32 $0x800;
	[sflag:s17] =	ssyncadd.s32 @!p0 $0xFFFFC000  }
0x35: {  	[hbm4b:s16+s19] =	stream.linear.scatter @!p0 [tilespmem:s21], [sflag:$0x5], $0x4000, $0x38;
	[tilespmem:$0x12800] =	vst v63  }
0x36: {  	s17 =	sadd.s32 $0x1000, s11;
	s16 =	sadd.s32 $0x1000, s12;
	s19 =	simm.s32 $0x3  }
.LBB2_2:
0x37: {  	p2 =	sge.u32 s24, s7;
	_ =	swait.ge @!p0 [sflag:s23], $0x4000  }
0x38: {  	s22 =	smov.u32 s20;
	s20 =	sadd.s32 $0x400, s20;
	s21 =	smov.u32 s16  }
0x39: {  	s24 =	sshra.s32 @!p2 s18, $0x2;
	s25 =	simm.s32 @!p2 $0x80;
	[sflag:s23] =	ssyncset.done @!p0 $0x0  }
0x3a: {  	s26 =	simm.s32 @!p2 $0x2800;
	s28 =	sadd.s32 @!p2 $0x1400, s24;
	[sflag:s23] =	ssyncadd.s32 @!p0 $0xFFFFC000  }
0x3b: {  	[tilespmem:s26], [sflag:$0x1] =	stream.indirect.gather @!p2 [hbm4b:s3+s25], $0x80, s24, s25, $0xb8;
	[tilespmem:$0x12800] =	vst v63  }
0x3c: {  	p1 =	sne.s32 s20, $0x5000;
	s23 =	simm.s32 @!p2 $0xA800;
	p0 =	sge.u32 s19, s7  }
0x3d: {  	[tilespmem:s23], [sflag:$0x2] =	stream.indirect.gather @!p2 [hbm4b:s4+s25], $0x80, s28, s25, $0xb8;
	[tilespmem:$0x12800] =	vst v63  }
0x3e: {  	s24 =	sshra.s32 @!p0 s18, $0x2;
	s18 =	smov.u32 s22  }
0x3f: {  	s22 =	sadd.s32 @!p0 $0x80, s24;
	s25 =	simm.s32 @!p0 $0x80;
	s28 =	simm.s32 @!p0 $0x6800  }
0x40: {  	[tilespmem:s28], [sflag:$0x3] =	stream.indirect.gather @!p0 [hbm4b:s3+s25], $0x80, s22, s25, $0xb8;
	[tilespmem:$0x12800] =	vst v63  }
0x41: {  	s29 =	simm.s32 @!p2 $0x1;
	s24 =	sadd.s32 @!p0 $0x1480, s24;
	s22 =	simm.s32 @!p0 $0xE800  }
0x42: {  	[tilespmem:s22], [sflag:$0x4] =	stream.indirect.gather @!p0 [hbm4b:s4+s25], $0x80, s24, s25, $0xb8;
	[tilespmem:$0x12800] =	vst v63  }
0x43: {  	s24 =	simm.s32 @!p2 $0x2;
	_ =	swait.ge @!p2 [sflag:s29], $0x4000  }
0x44: {  	[sflag:s29] =	ssyncset.done @!p2 $0x0  }
0x45: {  	s25 =	simm.s32 @!p2 $0x6;
	[sflag:s29] =	ssyncadd.s32 @!p2 $0xFFFFC000  }
0x46: {  	s30 =	simm.s32 @!p2 $0x0;
	s29 =	sadd.s32 @!p2 s17, s5;
	_ =	swait.ge @!p2 [sflag:s24], $0x4000  }
0x47: {  	[sflag:s24] =	ssyncset.done @!p2 $0x0  }
0x48: {  	[sflag:s24] =	ssyncadd.s32 @!p2 $0xFFFFC000  }
0x49: {  	[hbm4b:s29+s30] =	stream.linear.scatter @!p2 [tilespmem:s26], [sflag:$0x6], $0x4000, $0x38;
	[tilespmem:$0x12800] =	vst v63  }
0x4a: {  	s24 =	sadd.s32 @!p2 s17, s6;
	_ =	swait.ge @!p2 [sflag:s25], $0x4000  }
0x4b: {  	[sflag:s25] =	ssyncset.done @!p2 $0x0  }
0x4c: {  	[sflag:s25] =	ssyncadd.s32 @!p2 $0xFFFFC000  }
0x4d: {  	[hbm4b:s24+s30] =	stream.linear.scatter @!p2 [tilespmem:s23], [sflag:$0x6], $0x4000, $0x38;
	[tilespmem:$0x12800] =	vst v63  }
0x4e: {  	_ =	swait.ge @!p2 [sflag:s25], $0x4000  }
0x4f: {  	[sflag:s25] =	ssyncset.done @!p2 $0x0  }
0x50: {  	s23 =	simm.s32 @!p0 $0x3;
	[sflag:s25] =	ssyncadd.s32 @!p2 $0xFFFFC000  }
0x51: {  	_ =	swait.ge @!p0 [sflag:s23], $0x4000  }
0x52: {  	[sflag:s23] =	ssyncset.done @!p0 $0x0  }
0x53: {  	[sflag:s23] =	ssyncadd.s32 @!p0 $0xFFFFC000;
	s23 =	simm.s32 @!p0 $0x4  }
0x54: {  	_ =	swait.ge @!p0 [sflag:s23], $0x4000  }
0x55: {  	s25 =	simm.s32 @!p0 $0x6;
	[sflag:s23] =	ssyncset.done @!p0 $0x0  }
0x56: {  	s26 =	simm.s32 @!p0 $0x0;
	[sflag:s23] =	ssyncadd.s32 @!p0 $0xFFFFC000;
	s23 =	sadd.s32 @!p0 s16, s5  }
0x57: {  	[hbm4b:s23+s26] =	stream.linear.scatter @!p0 [tilespmem:s28], [sflag:$0x6], $0x4000, $0x38;
	[tilespmem:$0x12800] =	vst v63  }
.Ltmp0:
0x58: {  	_ = 	snop;
	(pc) =	sbr.rel @p1 .LBB2_2-.Ltmp0, $4  }
0x59: {  	s19 =	sadd.s32 $0x2, s19;
	s16 =	sadd.s32 $0x1000, s16;
	_ =	swait.ge @!p0 [sflag:s25], $0x4000  }
0x5a: {  	s17 =	sadd.s32 $0x1000, s17;
	s24 =	sadd.s32 $0xFFFFFFFF, s19;
	[sflag:s25] =	ssyncset.done @!p0 $0x0  }
0x5b: {  	s21 =	sadd.s32 @!p0 s21, s6;
	s23 =	simm.s32 @!p0 $0x5;
	[sflag:s25] =	ssyncadd.s32 @!p0 $0xFFFFC000  }
0x5c: {  	[hbm4b:s21+s26] =	stream.linear.scatter @!p0 [tilespmem:s22], [sflag:$0x5], $0x4000, $0x38;
	[tilespmem:$0x12800] =	vst v63  }
0x5d: {  	p1 =	sge.u32 s24, s7;
	_ =	swait.ge @!p0 [sflag:s23], $0x4000  }
0x5e: {  	s20 =	sshra.s32 @!p1 s18, $0x2;
	[sflag:s23] =	ssyncset.done @!p0 $0x0;
	s21 =	simm.s32 @!p1 $0x80  }
0x5f: {  	s22 =	simm.s32 @!p1 $0x2800;
	[sflag:s23] =	ssyncadd.s32 @!p0 $0xFFFFC000;
	p0 =	sge.u32 s19, s7  }
0x60: {  	[tilespmem:s22], [sflag:$0x1] =	stream.indirect.gather @!p1 [hbm4b:s3+s21], $0x80, s20, s21, $0xb8;
	[tilespmem:$0x12800] =	vst v63  }
0x61: {  	s23 =	simm.s32 @!p1 $0xA800;
	s20 =	sadd.s32 @!p1 $0x1400, s20;
	s18 =	sshra.s32 @!p0 s18, $0x2  }
0x62: {  	[tilespmem:s23], [sflag:$0x2] =	stream.indirect.gather @!p1 [hbm4b:s4+s21], $0x80, s20, s21, $0xb8;
	[tilespmem:$0x12800] =	vst v63  }
0x63: {  	s19 =	sadd.s32 @!p0 $0x80, s18;
	s20 =	simm.s32 @!p0 $0x80;
	s21 =	simm.s32 @!p0 $0x6800  }
0x64: {  	[tilespmem:s21], [sflag:$0x3] =	stream.indirect.gather @!p0 [hbm4b:s3+s20], $0x80, s19, s20, $0xb8;
	[tilespmem:$0x12800] =	vst v63  }
0x65: {  	s24 =	simm.s32 @!p1 $0x1;
	s18 =	sadd.s32 @!p0 $0x1480, s18;
	s19 =	simm.s32 @!p0 $0xE800  }
0x66: {  	[tilespmem:s19], [sflag:$0x4] =	stream.indirect.gather @!p0 [hbm4b:s4+s20], $0x80, s18, s20, $0xb8;
	[tilespmem:$0x12800] =	vst v63  }
0x67: {  	_ =	swait.ge @!p1 [sflag:s24], $0x4000  }
0x68: {  	[sflag:s24] =	ssyncset.done @!p1 $0x0  }
0x69: {  	s18 =	simm.s32 @!p1 $0x2;
	[sflag:s24] =	ssyncadd.s32 @!p1 $0xFFFFC000  }
0x6a: {  	_ =	swait.ge @!p1 [sflag:s18], $0x4000  }
0x6b: {  	s25 =	simm.s32 @!p1 $0x0;
	[sflag:s18] =	ssyncset.done @!p1 $0x0  }
0x6c: {  	s20 =	simm.s32 @!p1 $0x6;
	s24 =	sadd.s32 @!p1 s17, s5;
	[sflag:s18] =	ssyncadd.s32 @!p1 $0xFFFFC000  }
0x6d: {  	[hbm4b:s24+s25] =	stream.linear.scatter @!p1 [tilespmem:s22], [sflag:$0x6], $0x4000, $0x38;
	[tilespmem:$0x12800] =	vst v63  }
0x6e: {  	_ =	swait.ge @!p1 [sflag:s20], $0x4000  }
0x6f: {  	[sflag:s20] =	ssyncset.done @!p1 $0x0  }
0x70: {  	s17 =	sadd.s32 @!p1 s17, s6;
	[sflag:s20] =	ssyncadd.s32 @!p1 $0xFFFFC000  }
0x71: {  	[hbm4b:s17+s25] =	stream.linear.scatter @!p1 [tilespmem:s23], [sflag:$0x6], $0x4000, $0x38;
	[tilespmem:$0x12800] =	vst v63  }
0x72: {  	_ =	swait.ge @!p1 [sflag:s20], $0x4000  }
0x73: {  	[sflag:s20] =	ssyncset.done @!p1 $0x0  }
0x74: {  	s17 =	simm.s32 @!p0 $0x3;
	[sflag:s20] =	ssyncadd.s32 @!p1 $0xFFFFC000  }
0x75: {  	_ =	swait.ge @!p0 [sflag:s17], $0x4000  }
0x76: {  	[sflag:s17] =	ssyncset.done @!p0 $0x0  }
0x77: {  	[sflag:s17] =	ssyncadd.s32 @!p0 $0xFFFFC000;
	s17 =	simm.s32 @!p0 $0x4  }
0x78: {  	_ =	swait.ge @!p0 [sflag:s17], $0x4000  }
0x79: {  	s18 =	simm.s32 @!p0 $0x6;
	[sflag:s17] =	ssyncset.done @!p0 $0x0  }
0x7a: {  	s20 =	simm.s32 @!p0 $0x0;
	[sflag:s17] =	ssyncadd.s32 @!p0 $0xFFFFC000;
	s17 =	sadd.s32 @!p0 s16, s5  }
0x7b: {  	[hbm4b:s17+s20] =	stream.linear.scatter @!p0 [tilespmem:s21], [sflag:$0x6], $0x4000, $0x38;
	[tilespmem:$0x12800] =	vst v63  }
0x7c: {  	s15 =	sadd.s32 $0x1, s15;
	_ =	swait.ge @!p0 [sflag:s18], $0x4000  }
0x7d: {  	p1 =	sne.s32 s15, s10;
	s16 =	sadd.s32 @!p0 s16, s6;
	[sflag:s18] =	ssyncset.done @!p0 $0x0  }
.Ltmp1:
0x7e: {  	s17 =	simm.s32 @!p0 $0x5;
	[sflag:s18] =	ssyncadd.s32 @!p0 $0xFFFFC000;
	(pc) =	sbr.rel @p1 .LBB2_1-.Ltmp1, $4  }
0x7f: {  	[hbm4b:s16+s20] =	stream.linear.scatter @!p0 [tilespmem:s19], [sflag:$0x5], $0x4000, $0x38;
	[tilespmem:$0x12800] =	vst v63  }
0x80: {  	_ =	swait.ge @!p0 [sflag:s17], $0x4000  }
0x81: {  	[sflag:s17] =	ssyncset.done @!p0 $0x0  }
0x82: {  	[sflag:s17] =	ssyncadd.s32 @!p0 $0xFFFFC000  }
0x83: {  	_ =	sfence.sel $0x180000  }
0x84: {  	[bflag:$0x0] =	sbarrier.arrive $0xFFFF  }
0x85: {  	p0 =	sne.s32 s0, $0x0;
	_ =	strace $0x90000047  }
0x86: {  	s0 =	sadd.s32 @!p0 $0x100000, s1;
	[bflag:$0x2] =	sbarrier.arrive $0xFFFF  }
0x87: {  	[sflag:s0] =	ssyncadd.tile.s32 @!p0 $0x1;
	_ =	shalt  }
.Lfunc_end2:
_tile_overlayer_lowered:
.L_overlay_start_2:
0x88: {  	(tag) =	ssettag $0x2  }
0x89: {  	s0 =	rddreg [dreg:$0x0];
	s2 =	stileid.u32  }
0x8a: {  	s1 =	rddreg [dreg:$0x1];
	p0 =	sne.s32 s2, $0x0  }
0x8b: {  	s3 =	rddreg [dreg:$0x2];
	[bflag:$0x3] =	sbarrier.arrive $0xFFFF;
	s2 =	simm.s32 @!p0 $0x1C05  }
0x8c: {  	[timem:s3], [sflag:s2] =	dma.local @!p0 [hbm:s0], s1  }
0x8d: {  	s0 =	simm.s32 @!p0 $0x5  }
0x8e: {  	_ =	swait.ge @!p0 [sflag:s0], s1  }
0x8f: {  	s1 =	ssub.s32 @!p0 $0x0, s1;
	[sflag:s0] =	ssyncset.done @!p0 $0x0  }
0x90: {  	[sflag:s0] =	ssyncadd.s32 @!p0 s1  }
0x91: {  	[bflag:$0x3] =	sbarrier.arrive $0xFFFF  }
0x92: {  	_ =	shalt  }

</sc_bundles>
